<compile_context>
chip_gen: v7x
topology: tpu7x:2x2x1
jax: 0.10.2.dev20260603
libtpu: 0.0.44.dev20260713+nightly
codegen_flags: <defaults>
</compile_context>

<pallas_src>
import functools

import jax
import jax.numpy as jnp
from jax import lax
from jax.experimental import pallas as pl
from jax.experimental.pallas import tpu as pltpu
from jax.experimental.pallas import tpu_sc as plsc

D = 64
HIST = 50
LANES = 128
HPAD = 56
G = 4
C = G * HPAD


@functools.lru_cache(maxsize=None)
def _make_gather(BATCH: int, NBUF: int):
    info = plsc.get_sparse_core_info()
    NC, NS = info.num_cores, info.num_subcores
    NW = NC * NS
    i_per_w = BATCH // NW
    n_chunks = i_per_w // G
    assert i_per_w * NW == BATCH and n_chunks * G == i_per_w
    assert n_chunks % NBUF == 0
    n_idx = i_per_w * HPAD

    mesh = plsc.VectorSubcoreMesh(core_axis_name="c", subcore_axis_name="s")

    @functools.partial(
        pl.kernel,
        mesh=mesh,
        compiler_params=pltpu.CompilerParams(use_tc_tiling_on_sc=False),
        out_type=jax.ShapeDtypeStruct((BATCH, HPAD, LANES), jnp.float32),
        scratch_types=[
            pltpu.VMEM((n_idx,), jnp.int32),
            pltpu.VMEM((NBUF, C, D), jnp.float32),
            pltpu.SemaphoreType.DMA((NBUF,)),
            pltpu.SemaphoreType.DMA((NBUF,)),
        ],
    )
    def gather_kernel(idx_hbm, table_hbm, out_hbm, idx_v, rows_v, sem_g, sem_o):
        wid = lax.axis_index("s") * NC + lax.axis_index("c")
        i_base = wid * i_per_w

        pltpu.sync_copy(idx_hbm.at[pl.ds(i_base * HPAD, n_idx)], idx_v)

        def gather(g, b):
            pltpu.async_copy(
                table_hbm.at[idx_v.at[pl.ds(g * C, C)]],
                rows_v.at[b],
                sem_g.at[b],
            )

        def wait_gather(g, b):
            pltpu.make_async_copy(
                table_hbm.at[idx_v.at[pl.ds(g * C, C)]],
                rows_v.at[b],
                sem_g.at[b],
            ).wait()

        def writeback(g, b):
            for t in range(G):
                pltpu.async_copy(
                    rows_v.at[b, pl.ds(t * HPAD, HPAD), :],
                    out_hbm.at[i_base + g * G + t, :, pl.ds(0, D)],
                    sem_o.at[b],
                )

        def wait_writeback(g, b):
            for t in range(G):
                pltpu.make_async_copy(
                    rows_v.at[b, pl.ds(t * HPAD, HPAD), :],
                    out_hbm.at[i_base + g * G + t, :, pl.ds(0, D)],
                    sem_o.at[b],
                ).wait()

        for b in range(NBUF):
            gather(b, b)

        def body(s, carry):
            g0 = s * NBUF
            for b in range(NBUF):
                wait_gather(g0 + b, b)
                writeback(g0 + b, b)
            for b in range(NBUF):
                wait_writeback(g0 + b, b)
                gather(g0 + NBUF + b, b)
            return carry

        n_passes = n_chunks // NBUF
        lax.fori_loop(0, n_passes - 1, body, 0)

        g0 = (n_passes - 1) * NBUF
        for b in range(NBUF):
            wait_gather(g0 + b, b)
            writeback(g0 + b, b)
        for b in range(NBUF):
            wait_writeback(g0 + b, b)

    return gather_kernel


def kernel(input_ids, table):
    batch, hist = input_ids.shape
    n_rows = table.shape[0]
    fill = (
        jnp.arange(batch, dtype=jnp.int32)[:, None] * (HPAD - hist)
        + jnp.arange(HPAD - hist, dtype=jnp.int32)[None, :]
    ) % n_rows
    ids56 = jnp.concatenate([input_ids, fill], axis=1)
    out_p = _make_gather(batch, 4)(ids56.reshape(-1), table)
    return out_p[:, :hist, :D]

# --- scband reference (transcript-rebuilt; emitter-appended) ---
"""Pipeline reference for scband-embedding-layer-51977694216465 (READ-ONLY COPY).

The authoritative reference and input builder live on the scoring server;
editing this copy changes nothing except your own understanding.
"""

import jax, jax.numpy as jnp
import numpy as np

NUM_EMBEDDINGS = 1000000
EMBEDDING_DIM = 64
BATCH = 16384
HIST = 50

def setup_inputs(seed: int = 0) -> dict:
    key = jax.random.key(seed)
    k1, k2 = jax.random.split(key)
    input_ids = jax.random.randint(k1, (BATCH, HIST), 0, NUM_EMBEDDINGS, dtype=jnp.int32)
    # learned embedding table (nn.Embedding weight), standard normal init like torch default
    table = jax.random.normal(k2, (NUM_EMBEDDINGS, EMBEDDING_DIM), dtype=jnp.float32)
    return {"input_ids": input_ids, "table": table}

def reference(input_ids, table):
    # EmbeddingLayer(kind='learned').forward({'input_ids': ids})['embeddings']
    out = jnp.take(table, input_ids, axis=0)
    return out

if __name__ == "__main__":
    import jax
    _d = setup_inputs()
    print(jax.jit(kernel)(*tuple(_d.values())))

</pallas_src>

<mosaic_0001>
#map = affine_map<(d0, d1) -> (0)>
#map1 = affine_map<(d0, d1) -> (0, 0)>
#map2 = affine_map<(d0, d1) -> (0, 0, 0)>
module attributes {stable_mosaic.version = 14 : i64} {
  func.func @gather_kernel(%arg0: i32, %arg1: i32, %arg2: memref<917504xi32, #tpu.memory_space<hbm>>, %arg3: memref<1000000x64xf32, #tpu.memory_space<hbm>>, %arg4: memref<16384x56x128xf32, #tpu.memory_space<hbm>>, %arg5: memref<28672xi32, #tpu.memory_space<vmem>>, %arg6: memref<4x224x64xf32, #tpu.memory_space<vmem>>, %arg7: memref<4x!tpu.dma_semaphore, #tpu.memory_space<semaphore_mem>>, %arg8: memref<4x!tpu.dma_semaphore, #tpu.memory_space<semaphore_mem>>) attributes {dimension_semantics = [#tpu.dimension_semantics<core_parallel>, #tpu.dimension_semantics<subcore_parallel>], iteration_bounds = array<i64: 2, 16>, scalar_prefetch = 0 : i64, scratch_operands = 4 : i64, tpu.core_type = #tpu.core_type<sc_vector_subcore>, window_params = [{transform_indices = #map}, {transform_indices = #map1}, {transform_indices = #map2}]} {
    %mul3A = arith.constant 2 : i32
    %mul3A_0 = arith.muli %arg1, %mul3A : i32
    %add3A = arith.addi %mul3A_0, %arg0 : i32
    %mul3A_1 = arith.constant 512 : i32
    %mul3A_2 = arith.muli %add3A, %mul3A_1 : i32
    %mul3A_3 = arith.constant 56 : i32
    %mul3A_4 = arith.muli %mul3A_2, %mul3A_3 : i32
    "tpu.region"() ({
      %run_scoped3A = tpu.sem_alloc : memref<!tpu.dma_semaphore, #tpu.memory_space<semaphore_mem>>
      %dma_start3A_880 = tpu.memref_slice %arg2[%mul3A_4] : memref<917504xi32, #tpu.memory_space<hbm>> -> memref<28672xi32, #tpu.memory_space<hbm>>
      %dma_start3A_881 = tpu.memref_slice %arg2[%mul3A_4] : memref<917504xi32, #tpu.memory_space<hbm>> -> memref<28672xi32, #tpu.memory_space<hbm>>
      tpu.enqueue_dma source(%dma_start3A_881 : memref<28672xi32, #tpu.memory_space<hbm>>) target(%arg5 : memref<28672xi32, #tpu.memory_space<vmem>>) target_semaphore(%run_scoped3A : memref<!tpu.dma_semaphore, #tpu.memory_space<semaphore_mem>>)
      %dma_wait3A_882 = tpu.memref_slice %arg2[%mul3A_4] : memref<917504xi32, #tpu.memory_space<hbm>> -> memref<28672xi32, #tpu.memory_space<hbm>>
      %dma_wait3A_883 = tpu.memref_slice %arg2[%mul3A_4] : memref<917504xi32, #tpu.memory_space<hbm>> -> memref<28672xi32, #tpu.memory_space<hbm>>
      tpu.wait_dma2 semaphore(%run_scoped3A : memref<!tpu.dma_semaphore, #tpu.memory_space<semaphore_mem>>) src(%dma_wait3A_883 : memref<28672xi32, #tpu.memory_space<hbm>>) dst(%arg5 : memref<28672xi32, #tpu.memory_space<vmem>>)
      tpu.yield
    }) : () -> ()
    %dma_start3A = arith.constant 0 : i32
    %dma_start3A_5 = arith.constant 0 : i32
    %dma_start3A_6 = arith.constant 0 : i32
    %dma_start3A_7 = arith.constant 0 : i32
    %dma_start3A_8 = tpu.memref_slice %arg6[%dma_start3A, %dma_start3A_6, %dma_start3A_7] : memref<4x224x64xf32, #tpu.memory_space<vmem>> -> memref<1x224x64xf32, #tpu.memory_space<vmem>>
    %dma_start3A_9 = tpu.memref_squeeze %dma_start3A_8 : memref<1x224x64xf32, #tpu.memory_space<vmem>> -> memref<224x64xf32, #tpu.memory_space<vmem>>
    %dma_start3A_10 = arith.constant 0 : i32
    %dma_start3A_11 = tpu.memref_slice %arg5[%dma_start3A_10] : memref<28672xi32, #tpu.memory_space<vmem>> -> memref<224xi32, #tpu.memory_space<vmem>>
    %dma_start3A_12 = arith.constant 0 : i32
    %dma_start3A_13 = arith.constant 0 : i32
    %dma_start3A_14 = tpu.memref_slice %arg3[%dma_start3A_12, %dma_start3A_13] : memref<1000000x64xf32, #tpu.memory_space<hbm>> -> memref<1000000x64xf32, #tpu.memory_space<hbm>>
    %dma_start3A_15 = tpu.memref_slice %arg7[%dma_start3A_5] : memref<4x!tpu.dma_semaphore, #tpu.memory_space<semaphore_mem>> -> memref<1x!tpu.dma_semaphore, #tpu.memory_space<semaphore_mem>>
    %dma_start3A_16 = tpu.memref_squeeze %dma_start3A_15 : memref<1x!tpu.dma_semaphore, #tpu.memory_space<semaphore_mem>> -> memref<!tpu.dma_semaphore, #tpu.memory_space<semaphore_mem>>
    tpu.enqueue_indirect_dma source(%dma_start3A_14 : memref<1000000x64xf32, #tpu.memory_space<hbm>>) target(%dma_start3A_9 : memref<224x64xf32, #tpu.memory_space<vmem>>) offsets(%dma_start3A_11 : memref<224xi32, #tpu.memory_space<vmem>>) semaphore(%dma_start3A_16 : memref<!tpu.dma_semaphore, #tpu.memory_space<semaphore_mem>>)
    %dma_start3A_17 = arith.constant 1 : i32
    %dma_start3A_18 = arith.constant 1 : i32
    %dma_start3A_19 = arith.constant 0 : i32
    %dma_start3A_20 = arith.constant 0 : i32
    %dma_start3A_21 = tpu.memref_slice %arg6[%dma_start3A_17, %dma_start3A_19, %dma_start3A_20] : memref<4x224x64xf32, #tpu.memory_space<vmem>> -> memref<1x224x64xf32, #tpu.memory_space<vmem>>
    %dma_start3A_22 = tpu.memref_squeeze %dma_start3A_21 : memref<1x224x64xf32, #tpu.memory_space<vmem>> -> memref<224x64xf32, #tpu.memory_space<vmem>>
    %dma_start3A_23 = arith.constant 224 : i32
    %dma_start3A_24 = tpu.memref_slice %arg5[%dma_start3A_23] : memref<28672xi32, #tpu.memory_space<vmem>> -> memref<224xi32, #tpu.memory_space<vmem>>
    %dma_start3A_25 = arith.constant 0 : i32
    %dma_start3A_26 = arith.constant 0 : i32
    %dma_start3A_27 = tpu.memref_slice %arg3[%dma_start3A_25, %dma_start3A_26] : memref<1000000x64xf32, #tpu.memory_space<hbm>> -> memref<1000000x64xf32, #tpu.memory_space<hbm>>
    %dma_start3A_28 = tpu.memref_slice %arg7[%dma_start3A_18] : memref<4x!tpu.dma_semaphore, #tpu.memory_space<semaphore_mem>> -> memref<1x!tpu.dma_semaphore, #tpu.memory_space<semaphore_mem>>
    %dma_start3A_29 = tpu.memref_squeeze %dma_start3A_28 : memref<1x!tpu.dma_semaphore, #tpu.memory_space<semaphore_mem>> -> memref<!tpu.dma_semaphore, #tpu.memory_space<semaphore_mem>>
    tpu.enqueue_indirect_dma source(%dma_start3A_27 : memref<1000000x64xf32, #tpu.memory_space<hbm>>) target(%dma_start3A_22 : memref<224x64xf32, #tpu.memory_space<vmem>>) offsets(%dma_start3A_24 : memref<224xi32, #tpu.memory_space<vmem>>) semaphore(%dma_start3A_29 : memref<!tpu.dma_semaphore, #tpu.memory_space<semaphore_mem>>)
    %dma_start3A_30 = arith.constant 2 : i32
    %dma_start3A_31 = arith.constant 2 : i32
    %dma_start3A_32 = arith.constant 0 : i32
    %dma_start3A_33 = arith.constant 0 : i32
    %dma_start3A_34 = tpu.memref_slice %arg6[%dma_start3A_30, %dma_start3A_32, %dma_start3A_33] : memref<4x224x64xf32, #tpu.memory_space<vmem>> -> memref<1x224x64xf32, #tpu.memory_space<vmem>>
    %dma_start3A_35 = tpu.memref_squeeze %dma_start3A_34 : memref<1x224x64xf32, #tpu.memory_space<vmem>> -> memref<224x64xf32, #tpu.memory_space<vmem>>
    %dma_start3A_36 = arith.constant 448 : i32
    %dma_start3A_37 = tpu.memref_slice %arg5[%dma_start3A_36] : memref<28672xi32, #tpu.memory_space<vmem>> -> memref<224xi32, #tpu.memory_space<vmem>>
    %dma_start3A_38 = arith.constant 0 : i32
    %dma_start3A_39 = arith.constant 0 : i32
    %dma_start3A_40 = tpu.memref_slice %arg3[%dma_start3A_38, %dma_start3A_39] : memref<1000000x64xf32, #tpu.memory_space<hbm>> -> memref<1000000x64xf32, #tpu.memory_space<hbm>>
    %dma_start3A_41 = tpu.memref_slice %arg7[%dma_start3A_31] : memref<4x!tpu.dma_semaphore, #tpu.memory_space<semaphore_mem>> -> memref<1x!tpu.dma_semaphore, #tpu.memory_space<semaphore_mem>>
    %dma_start3A_42 = tpu.memref_squeeze %dma_start3A_41 : memref<1x!tpu.dma_semaphore, #tpu.memory_space<semaphore_mem>> -> memref<!tpu.dma_semaphore, #tpu.memory_space<semaphore_mem>>
    tpu.enqueue_indirect_dma source(%dma_start3A_40 : memref<1000000x64xf32, #tpu.memory_space<hbm>>) target(%dma_start3A_35 : memref<224x64xf32, #tpu.memory_space<vmem>>) offsets(%dma_start3A_37 : memref<224xi32, #tpu.memory_space<vmem>>) semaphore(%dma_start3A_42 : memref<!tpu.dma_semaphore, #tpu.memory_space<semaphore_mem>>)
    %dma_start3A_43 = arith.constant 3 : i32
    %dma_start3A_44 = arith.constant 3 : i32
    %dma_start3A_45 = arith.constant 0 : i32
    %dma_start3A_46 = arith.constant 0 : i32
    %dma_start3A_47 = tpu.memref_slice %arg6[%dma_start3A_43, %dma_start3A_45, %dma_start3A_46] : memref<4x224x64xf32, #tpu.memory_space<vmem>> -> memref<1x224x64xf32, #tpu.memory_space<vmem>>
    %dma_start3A_48 = tpu.memref_squeeze %dma_start3A_47 : memref<1x224x64xf32, #tpu.memory_space<vmem>> -> memref<224x64xf32, #tpu.memory_space<vmem>>
    %dma_start3A_49 = arith.constant 672 : i32
    %dma_start3A_50 = tpu.memref_slice %arg5[%dma_start3A_49] : memref<28672xi32, #tpu.memory_space<vmem>> -> memref<224xi32, #tpu.memory_space<vmem>>
    %dma_start3A_51 = arith.constant 0 : i32
    %dma_start3A_52 = arith.constant 0 : i32
    %dma_start3A_53 = tpu.memref_slice %arg3[%dma_start3A_51, %dma_start3A_52] : memref<1000000x64xf32, #tpu.memory_space<hbm>> -> memref<1000000x64xf32, #tpu.memory_space<hbm>>
    %dma_start3A_54 = tpu.memref_slice %arg7[%dma_start3A_44] : memref<4x!tpu.dma_semaphore, #tpu.memory_space<semaphore_mem>> -> memref<1x!tpu.dma_semaphore, #tpu.memory_space<semaphore_mem>>
    %dma_start3A_55 = tpu.memref_squeeze %dma_start3A_54 : memref<1x!tpu.dma_semaphore, #tpu.memory_space<semaphore_mem>> -> memref<!tpu.dma_semaphore, #tpu.memory_space<semaphore_mem>>
    tpu.enqueue_indirect_dma source(%dma_start3A_53 : memref<1000000x64xf32, #tpu.memory_space<hbm>>) target(%dma_start3A_48 : memref<224x64xf32, #tpu.memory_space<vmem>>) offsets(%dma_start3A_50 : memref<224xi32, #tpu.memory_space<vmem>>) semaphore(%dma_start3A_55 : memref<!tpu.dma_semaphore, #tpu.memory_space<semaphore_mem>>)
    %scan3A = arith.constant 0 : i32
    %scan3A_56 = arith.constant 0 : i32
    %scan3A_57 = arith.constant 31 : i32
    %scan3A_58 = arith.addi %scan3A_56, %scan3A_57 : i32
    %scan3A_59 = arith.constant 1 : i32
    scf.for %scan3A_880 = %scan3A_56 to %scan3A_58 step %scan3A_59  : i32 {
      %mul3A_881 = arith.constant 4 : i32
      %mul3A_882 = arith.muli %scan3A_880, %mul3A_881 : i32
      %add3A_883 = arith.constant 0 : i32
      %add3A_884 = arith.addi %mul3A_882, %add3A_883 : i32
      %mul3A_885 = arith.constant 224 : i32
      %mul3A_886 = arith.muli %add3A_884, %mul3A_885 : i32
      %dma_wait3A_887 = arith.constant 0 : i32
      %dma_wait3A_888 = arith.constant 0 : i32
      %dma_wait3A_889 = arith.constant 0 : i32
      %dma_wait3A_890 = arith.constant 0 : i32
      %dma_wait3A_891 = tpu.memref_slice %arg6[%dma_wait3A_887, %dma_wait3A_889, %dma_wait3A_890] : memref<4x224x64xf32, #tpu.memory_space<vmem>> -> memref<1x224x64xf32, #tpu.memory_space<vmem>>
      %dma_wait3A_892 = tpu.memref_squeeze %dma_wait3A_891 : memref<1x224x64xf32, #tpu.memory_space<vmem>> -> memref<224x64xf32, #tpu.memory_space<vmem>>
      %dma_wait3A_893 = tpu.memref_slice %arg5[%mul3A_886] : memref<28672xi32, #tpu.memory_space<vmem>> -> memref<224xi32, #tpu.memory_space<vmem>>
      %dma_wait3A_894 = arith.constant 0 : i32
      %dma_wait3A_895 = arith.constant 0 : i32
      %dma_wait3A_896 = tpu.memref_slice %arg3[%dma_wait3A_894, %dma_wait3A_895] : memref<1000000x64xf32, #tpu.memory_space<hbm>> -> memref<1000000x64xf32, #tpu.memory_space<hbm>>
      %dma_wait3A_897 = tpu.memref_slice %arg7[%dma_wait3A_888] : memref<4x!tpu.dma_semaphore, #tpu.memory_space<semaphore_mem>> -> memref<1x!tpu.dma_semaphore, #tpu.memory_space<semaphore_mem>>
      %dma_wait3A_898 = tpu.memref_squeeze %dma_wait3A_897 : memref<1x!tpu.dma_semaphore, #tpu.memory_space<semaphore_mem>> -> memref<!tpu.dma_semaphore, #tpu.memory_space<semaphore_mem>>
      tpu.wait_indirect_dma semaphore(%dma_wait3A_898 : memref<!tpu.dma_semaphore, #tpu.memory_space<semaphore_mem>>) src(%dma_wait3A_896 : memref<1000000x64xf32, #tpu.memory_space<hbm>>) dst(%dma_wait3A_892 : memref<224x64xf32, #tpu.memory_space<vmem>>)
      %add3A_899 = arith.constant 0 : i32
      %add3A_900 = arith.addi %mul3A_882, %add3A_899 : i32
      %mul3A_901 = arith.constant 4 : i32
      %mul3A_902 = arith.muli %add3A_900, %mul3A_901 : i32
      %add3A_903 = arith.addi %mul3A_2, %mul3A_902 : i32
      %add3A_904 = arith.constant 0 : i32
      %add3A_905 = arith.addi %add3A_903, %add3A_904 : i32
      %dma_start3A_906 = arith.constant 0 : i32
      %dma_start3A_907 = arith.constant 0 : i32
      %dma_start3A_908 = arith.constant 0 : i32
      %dma_start3A_909 = arith.constant 0 : i32
      %dma_start3A_910 = tpu.memref_slice %arg6[%dma_start3A_906, %dma_start3A_908, %dma_start3A_909] : memref<4x224x64xf32, #tpu.memory_space<vmem>> -> memref<1x56x64xf32, #tpu.memory_space<vmem>>
      %dma_start3A_911 = tpu.memref_squeeze %dma_start3A_910 : memref<1x56x64xf32, #tpu.memory_space<vmem>> -> memref<56x64xf32, #tpu.memory_space<vmem>>
      %dma_start3A_912 = arith.constant 0 : i32
      %dma_start3A_913 = arith.constant 0 : i32
      %dma_start3A_914 = tpu.memref_slice %arg4[%add3A_905, %dma_start3A_912, %dma_start3A_913] : memref<16384x56x128xf32, #tpu.memory_space<hbm>> -> memref<1x56x64xf32, #tpu.memory_space<hbm>>
      %dma_start3A_915 = tpu.memref_squeeze %dma_start3A_914 : memref<1x56x64xf32, #tpu.memory_space<hbm>> -> memref<56x64xf32, #tpu.memory_space<hbm>>
      %dma_start3A_916 = tpu.memref_slice %arg8[%dma_start3A_907] : memref<4x!tpu.dma_semaphore, #tpu.memory_space<semaphore_mem>> -> memref<1x!tpu.dma_semaphore, #tpu.memory_space<semaphore_mem>>
      %dma_start3A_917 = tpu.memref_squeeze %dma_start3A_916 : memref<1x!tpu.dma_semaphore, #tpu.memory_space<semaphore_mem>> -> memref<!tpu.dma_semaphore, #tpu.memory_space<semaphore_mem>>
      %dma_start3A_918 = arith.constant 0 : i32
      %dma_start3A_919 = arith.constant 0 : i32
      %dma_start3A_920 = tpu.memref_slice %arg4[%add3A_905, %dma_start3A_918, %dma_start3A_919] : memref<16384x56x128xf32, #tpu.memory_space<hbm>> -> memref<1x56x64xf32, #tpu.memory_space<hbm>>
      %dma_start3A_921 = tpu.memref_squeeze %dma_start3A_920 : memref<1x56x64xf32, #tpu.memory_space<hbm>> -> memref<56x64xf32, #tpu.memory_space<hbm>>
      %dma_start3A_922 = arith.constant 0 : i32
      %dma_start3A_923 = arith.constant 0 : i32
      %dma_start3A_924 = tpu.memref_slice %arg6[%dma_start3A_906, %dma_start3A_922, %dma_start3A_923] : memref<4x224x64xf32, #tpu.memory_space<vmem>> -> memref<1x56x64xf32, #tpu.memory_space<vmem>>
      %dma_start3A_925 = tpu.memref_squeeze %dma_start3A_924 : memref<1x56x64xf32, #tpu.memory_space<vmem>> -> memref<56x64xf32, #tpu.memory_space<vmem>>
      tpu.enqueue_dma source(%dma_start3A_925 : memref<56x64xf32, #tpu.memory_space<vmem>>) target(%dma_start3A_921 : memref<56x64xf32, #tpu.memory_space<hbm>>) target_semaphore(%dma_start3A_917 : memref<!tpu.dma_semaphore, #tpu.memory_space<semaphore_mem>>)
      %mul3A_926 = arith.constant 4 : i32
      %mul3A_927 = arith.muli %add3A_900, %mul3A_926 : i32
      %add3A_928 = arith.addi %mul3A_2, %mul3A_927 : i32
      %add3A_929 = arith.constant 1 : i32
      %add3A_930 = arith.addi %add3A_928, %add3A_929 : i32
      %dma_start3A_931 = arith.constant 0 : i32
      %dma_start3A_932 = arith.constant 0 : i32
      %dma_start3A_933 = arith.constant 56 : i32
      %dma_start3A_934 = arith.constant 0 : i32
      %dma_start3A_935 = tpu.memref_slice %arg6[%dma_start3A_931, %dma_start3A_933, %dma_start3A_934] : memref<4x224x64xf32, #tpu.memory_space<vmem>> -> memref<1x56x64xf32, #tpu.memory_space<vmem>>
      %dma_start3A_936 = tpu.memref_squeeze %dma_start3A_935 : memref<1x56x64xf32, #tpu.memory_space<vmem>> -> memref<56x64xf32, #tpu.memory_space<vmem>>
      %dma_start3A_937 = arith.constant 0 : i32
      %dma_start3A_938 = arith.constant 0 : i32
      %dma_start3A_939 = tpu.memref_slice %arg4[%add3A_930, %dma_start3A_937, %dma_start3A_938] : memref<16384x56x128xf32, #tpu.memory_space<hbm>> -> memref<1x56x64xf32, #tpu.memory_space<hbm>>
      %dma_start3A_940 = tpu.memref_squeeze %dma_start3A_939 : memref<1x56x64xf32, #tpu.memory_space<hbm>> -> memref<56x64xf32, #tpu.memory_space<hbm>>
      %dma_start3A_941 = tpu.memref_slice %arg8[%dma_start3A_932] : memref<4x!tpu.dma_semaphore, #tpu.memory_space<semaphore_mem>> -> memref<1x!tpu.dma_semaphore, #tpu.memory_space<semaphore_mem>>
      %dma_start3A_942 = tpu.memref_squeeze %dma_start3A_941 : memref<1x!tpu.dma_semaphore, #tpu.memory_space<semaphore_mem>> -> memref<!tpu.dma_semaphore, #tpu.memory_space<semaphore_mem>>
      %dma_start3A_943 = arith.constant 0 : i32
      %dma_start3A_944 = arith.constant 0 : i32
      %dma_start3A_945 = tpu.memref_slice %arg4[%add3A_930, %dma_start3A_943, %dma_start3A_944] : memref<16384x56x128xf32, #tpu.memory_space<hbm>> -> memref<1x56x64xf32, #tpu.memory_space<hbm>>
      %dma_start3A_946 = tpu.memref_squeeze %dma_start3A_945 : memref<1x56x64xf32, #tpu.memory_space<hbm>> -> memref<56x64xf32, #tpu.memory_space<hbm>>
      %dma_start3A_947 = arith.constant 56 : i32
      %dma_start3A_948 = arith.constant 0 : i32
      %dma_start3A_949 = tpu.memref_slice %arg6[%dma_start3A_931, %dma_start3A_947, %dma_start3A_948] : memref<4x224x64xf32, #tpu.memory_space<vmem>> -> memref<1x56x64xf32, #tpu.memory_space<vmem>>
      %dma_start3A_950 = tpu.memref_squeeze %dma_start3A_949 : memref<1x56x64xf32, #tpu.memory_space<vmem>> -> memref<56x64xf32, #tpu.memory_space<vmem>>
      tpu.enqueue_dma source(%dma_start3A_950 : memref<56x64xf32, #tpu.memory_space<vmem>>) target(%dma_start3A_946 : memref<56x64xf32, #tpu.memory_space<hbm>>) target_semaphore(%dma_start3A_942 : memref<!tpu.dma_semaphore, #tpu.memory_space<semaphore_mem>>)
      %mul3A_951 = arith.constant 4 : i32
      %mul3A_952 = arith.muli %add3A_900, %mul3A_951 : i32
      %add3A_953 = arith.addi %mul3A_2, %mul3A_952 : i32
      %add3A_954 = arith.constant 2 : i32
      %add3A_955 = arith.addi %add3A_953, %add3A_954 : i32
      %dma_start3A_956 = arith.constant 0 : i32
      %dma_start3A_957 = arith.constant 0 : i32
      %dma_start3A_958 = arith.constant 112 : i32
      %dma_start3A_959 = arith.constant 0 : i32
      %dma_start3A_960 = tpu.memref_slice %arg6[%dma_start3A_956, %dma_start3A_958, %dma_start3A_959] : memref<4x224x64xf32, #tpu.memory_space<vmem>> -> memref<1x56x64xf32, #tpu.memory_space<vmem>>
      %dma_start3A_961 = tpu.memref_squeeze %dma_start3A_960 : memref<1x56x64xf32, #tpu.memory_space<vmem>> -> memref<56x64xf32, #tpu.memory_space<vmem>>
      %dma_start3A_962 = arith.constant 0 : i32
      %dma_start3A_963 = arith.constant 0 : i32
      %dma_start3A_964 = tpu.memref_slice %arg4[%add3A_955, %dma_start3A_962, %dma_start3A_963] : memref<16384x56x128xf32, #tpu.memory_space<hbm>> -> memref<1x56x64xf32, #tpu.memory_space<hbm>>
      %dma_start3A_965 = tpu.memref_squeeze %dma_start3A_964 : memref<1x56x64xf32, #tpu.memory_space<hbm>> -> memref<56x64xf32, #tpu.memory_space<hbm>>
      %dma_start3A_966 = tpu.memref_slice %arg8[%dma_start3A_957] : memref<4x!tpu.dma_semaphore, #tpu.memory_space<semaphore_mem>> -> memref<1x!tpu.dma_semaphore, #tpu.memory_space<semaphore_mem>>
      %dma_start3A_967 = tpu.memref_squeeze %dma_start3A_966 : memref<1x!tpu.dma_semaphore, #tpu.memory_space<semaphore_mem>> -> memref<!tpu.dma_semaphore, #tpu.memory_space<semaphore_mem>>
      %dma_start3A_968 = arith.constant 0 : i32
      %dma_start3A_969 = arith.constant 0 : i32
      %dma_start3A_970 = tpu.memref_slice %arg4[%add3A_955, %dma_start3A_968, %dma_start3A_969] : memref<16384x56x128xf32, #tpu.memory_space<hbm>> -> memref<1x56x64xf32, #tpu.memory_space<hbm>>
      %dma_start3A_971 = tpu.memref_squeeze %dma_start3A_970 : memref<1x56x64xf32, #tpu.memory_space<hbm>> -> memref<56x64xf32, #tpu.memory_space<hbm>>
      %dma_start3A_972 = arith.constant 112 : i32
      %dma_start3A_973 = arith.constant 0 : i32
      %dma_start3A_974 = tpu.memref_slice %arg6[%dma_start3A_956, %dma_start3A_972, %dma_start3A_973] : memref<4x224x64xf32, #tpu.memory_space<vmem>> -> memref<1x56x64xf32, #tpu.memory_space<vmem>>
      %dma_start3A_975 = tpu.memref_squeeze %dma_start3A_974 : memref<1x56x64xf32, #tpu.memory_space<vmem>> -> memref<56x64xf32, #tpu.memory_space<vmem>>
      tpu.enqueue_dma source(%dma_start3A_975 : memref<56x64xf32, #tpu.memory_space<vmem>>) target(%dma_start3A_971 : memref<56x64xf32, #tpu.memory_space<hbm>>) target_semaphore(%dma_start3A_967 : memref<!tpu.dma_semaphore, #tpu.memory_space<semaphore_mem>>)
      %mul3A_976 = arith.constant 4 : i32
      %mul3A_977 = arith.muli %add3A_900, %mul3A_976 : i32
      %add3A_978 = arith.addi %mul3A_2, %mul3A_977 : i32
      %add3A_979 = arith.constant 3 : i32
      %add3A_980 = arith.addi %add3A_978, %add3A_979 : i32
      %dma_start3A_981 = arith.constant 0 : i32
      %dma_start3A_982 = arith.constant 0 : i32
      %dma_start3A_983 = arith.constant 168 : i32
      %dma_start3A_984 = arith.constant 0 : i32
      %dma_start3A_985 = tpu.memref_slice %arg6[%dma_start3A_981, %dma_start3A_983, %dma_start3A_984] : memref<4x224x64xf32, #tpu.memory_space<vmem>> -> memref<1x56x64xf32, #tpu.memory_space<vmem>>
      %dma_start3A_986 = tpu.memref_squeeze %dma_start3A_985 : memref<1x56x64xf32, #tpu.memory_space<vmem>> -> memref<56x64xf32, #tpu.memory_space<vmem>>
      %dma_start3A_987 = arith.constant 0 : i32
      %dma_start3A_988 = arith.constant 0 : i32
      %dma_start3A_989 = tpu.memref_slice %arg4[%add3A_980, %dma_start3A_987, %dma_start3A_988] : memref<16384x56x128xf32, #tpu.memory_space<hbm>> -> memref<1x56x64xf32, #tpu.memory_space<hbm>>
      %dma_start3A_990 = tpu.memref_squeeze %dma_start3A_989 : memref<1x56x64xf32, #tpu.memory_space<hbm>> -> memref<56x64xf32, #tpu.memory_space<hbm>>
      %dma_start3A_991 = tpu.memref_slice %arg8[%dma_start3A_982] : memref<4x!tpu.dma_semaphore, #tpu.memory_space<semaphore_mem>> -> memref<1x!tpu.dma_semaphore, #tpu.memory_space<semaphore_mem>>
      %dma_start3A_992 = tpu.memref_squeeze %dma_start3A_991 : memref<1x!tpu.dma_semaphore, #tpu.memory_space<semaphore_mem>> -> memref<!tpu.dma_semaphore, #tpu.memory_space<semaphore_mem>>
      %dma_start3A_993 = arith.constant 0 : i32
      %dma_start3A_994 = arith.constant 0 : i32
      %dma_start3A_995 = tpu.memref_slice %arg4[%add3A_980, %dma_start3A_993, %dma_start3A_994] : memref<16384x56x128xf32, #tpu.memory_space<hbm>> -> memref<1x56x64xf32, #tpu.memory_space<hbm>>
      %dma_start3A_996 = tpu.memref_squeeze %dma_start3A_995 : memref<1x56x64xf32, #tpu.memory_space<hbm>> -> memref<56x64xf32, #tpu.memory_space<hbm>>
      %dma_start3A_997 = arith.constant 168 : i32
      %dma_start3A_998 = arith.constant 0 : i32
      %dma_start3A_999 = tpu.memref_slice %arg6[%dma_start3A_981, %dma_start3A_997, %dma_start3A_998] : memref<4x224x64xf32, #tpu.memory_space<vmem>> -> memref<1x56x64xf32, #tpu.memory_space<vmem>>
      %dma_start3A_1000 = tpu.memref_squeeze %dma_start3A_999 : memref<1x56x64xf32, #tpu.memory_space<vmem>> -> memref<56x64xf32, #tpu.memory_space<vmem>>
      tpu.enqueue_dma source(%dma_start3A_1000 : memref<56x64xf32, #tpu.memory_space<vmem>>) target(%dma_start3A_996 : memref<56x64xf32, #tpu.memory_space<hbm>>) target_semaphore(%dma_start3A_992 : memref<!tpu.dma_semaphore, #tpu.memory_space<semaphore_mem>>)
      %add3A_1001 = arith.constant 1 : i32
      %add3A_1002 = arith.addi %mul3A_882, %add3A_1001 : i32
      %mul3A_1003 = arith.constant 224 : i32
      %mul3A_1004 = arith.muli %add3A_1002, %mul3A_1003 : i32
      %dma_wait3A_1005 = arith.constant 1 : i32
      %dma_wait3A_1006 = arith.constant 1 : i32
      %dma_wait3A_1007 = arith.constant 0 : i32
      %dma_wait3A_1008 = arith.constant 0 : i32
      %dma_wait3A_1009 = tpu.memref_slice %arg6[%dma_wait3A_1005, %dma_wait3A_1007, %dma_wait3A_1008] : memref<4x224x64xf32, #tpu.memory_space<vmem>> -> memref<1x224x64xf32, #tpu.memory_space<vmem>>
      %dma_wait3A_1010 = tpu.memref_squeeze %dma_wait3A_1009 : memref<1x224x64xf32, #tpu.memory_space<vmem>> -> memref<224x64xf32, #tpu.memory_space<vmem>>
      %dma_wait3A_1011 = tpu.memref_slice %arg5[%mul3A_1004] : memref<28672xi32, #tpu.memory_space<vmem>> -> memref<224xi32, #tpu.memory_space<vmem>>
      %dma_wait3A_1012 = arith.constant 0 : i32
      %dma_wait3A_1013 = arith.constant 0 : i32
      %dma_wait3A_1014 = tpu.memref_slice %arg3[%dma_wait3A_1012, %dma_wait3A_1013] : memref<1000000x64xf32, #tpu.memory_space<hbm>> -> memref<1000000x64xf32, #tpu.memory_space<hbm>>
      %dma_wait3A_1015 = tpu.memref_slice %arg7[%dma_wait3A_1006] : memref<4x!tpu.dma_semaphore, #tpu.memory_space<semaphore_mem>> -> memref<1x!tpu.dma_semaphore, #tpu.memory_space<semaphore_mem>>
      %dma_wait3A_1016 = tpu.memref_squeeze %dma_wait3A_1015 : memref<1x!tpu.dma_semaphore, #tpu.memory_space<semaphore_mem>> -> memref<!tpu.dma_semaphore, #tpu.memory_space<semaphore_mem>>
      tpu.wait_indirect_dma semaphore(%dma_wait3A_1016 : memref<!tpu.dma_semaphore, #tpu.memory_space<semaphore_mem>>) src(%dma_wait3A_1014 : memref<1000000x64xf32, #tpu.memory_space<hbm>>) dst(%dma_wait3A_1010 : memref<224x64xf32, #tpu.memory_space<vmem>>)
      %add3A_1017 = arith.constant 1 : i32
      %add3A_1018 = arith.addi %mul3A_882, %add3A_1017 : i32
      %mul3A_1019 = arith.constant 4 : i32
      %mul3A_1020 = arith.muli %add3A_1018, %mul3A_1019 : i32
      %add3A_1021 = arith.addi %mul3A_2, %mul3A_1020 : i32
      %add3A_1022 = arith.constant 0 : i32
      %add3A_1023 = arith.addi %add3A_1021, %add3A_1022 : i32
      %dma_start3A_1024 = arith.constant 1 : i32
      %dma_start3A_1025 = arith.constant 1 : i32
      %dma_start3A_1026 = arith.constant 0 : i32
      %dma_start3A_1027 = arith.constant 0 : i32
      %dma_start3A_1028 = tpu.memref_slice %arg6[%dma_start3A_1024, %dma_start3A_1026, %dma_start3A_1027] : memref<4x224x64xf32, #tpu.memory_space<vmem>> -> memref<1x56x64xf32, #tpu.memory_space<vmem>>
      %dma_start3A_1029 = tpu.memref_squeeze %dma_start3A_1028 : memref<1x56x64xf32, #tpu.memory_space<vmem>> -> memref<56x64xf32, #tpu.memory_space<vmem>>
      %dma_start3A_1030 = arith.constant 0 : i32
      %dma_start3A_1031 = arith.constant 0 : i32
      %dma_start3A_1032 = tpu.memref_slice %arg4[%add3A_1023, %dma_start3A_1030, %dma_start3A_1031] : memref<16384x56x128xf32, #tpu.memory_space<hbm>> -> memref<1x56x64xf32, #tpu.memory_space<hbm>>
      %dma_start3A_1033 = tpu.memref_squeeze %dma_start3A_1032 : memref<1x56x64xf32, #tpu.memory_space<hbm>> -> memref<56x64xf32, #tpu.memory_space<hbm>>
      %dma_start3A_1034 = tpu.memref_slice %arg8[%dma_start3A_1025] : memref<4x!tpu.dma_semaphore, #tpu.memory_space<semaphore_mem>> -> memref<1x!tpu.dma_semaphore, #tpu.memory_space<semaphore_mem>>
      %dma_start3A_1035 = tpu.memref_squeeze %dma_start3A_1034 : memref<1x!tpu.dma_semaphore, #tpu.memory_space<semaphore_mem>> -> memref<!tpu.dma_semaphore, #tpu.memory_space<semaphore_mem>>
      %dma_start3A_1036 = arith.constant 0 : i32
      %dma_start3A_1037 = arith.constant 0 : i32
      %dma_start3A_1038 = tpu.memref_slice %arg4[%add3A_1023, %dma_start3A_1036, %dma_start3A_1037] : memref<16384x56x128xf32, #tpu.memory_space<hbm>> -> memref<1x56x64xf32, #tpu.memory_space<hbm>>
      %dma_start3A_1039 = tpu.memref_squeeze %dma_start3A_1038 : memref<1x56x64xf32, #tpu.memory_space<hbm>> -> memref<56x64xf32, #tpu.memory_space<hbm>>
      %dma_start3A_1040 = arith.constant 0 : i32
      %dma_start3A_1041 = arith.constant 0 : i32
      %dma_start3A_1042 = tpu.memref_slice %arg6[%dma_start3A_1024, %dma_start3A_1040, %dma_start3A_1041] : memref<4x224x64xf32, #tpu.memory_space<vmem>> -> memref<1x56x64xf32, #tpu.memory_space<vmem>>
      %dma_start3A_1043 = tpu.memref_squeeze %dma_start3A_1042 : memref<1x56x64xf32, #tpu.memory_space<vmem>> -> memref<56x64xf32, #tpu.memory_space<vmem>>
      tpu.enqueue_dma source(%dma_start3A_1043 : memref<56x64xf32, #tpu.memory_space<vmem>>) target(%dma_start3A_1039 : memref<56x64xf32, #tpu.memory_space<hbm>>) target_semaphore(%dma_start3A_1035 : memref<!tpu.dma_semaphore, #tpu.memory_space<semaphore_mem>>)
      %mul3A_1044 = arith.constant 4 : i32
      %mul3A_1045 = arith.muli %add3A_1018, %mul3A_1044 : i32
      %add3A_1046 = arith.addi %mul3A_2, %mul3A_1045 : i32
      %add3A_1047 = arith.constant 1 : i32
      %add3A_1048 = arith.addi %add3A_1046, %add3A_1047 : i32
      %dma_start3A_1049 = arith.constant 1 : i32
      %dma_start3A_1050 = arith.constant 1 : i32
      %dma_start3A_1051 = arith.constant 56 : i32
      %dma_start3A_1052 = arith.constant 0 : i32
      %dma_start3A_1053 = tpu.memref_slice %arg6[%dma_start3A_1049, %dma_start3A_1051, %dma_start3A_1052] : memref<4x224x64xf32, #tpu.memory_space<vmem>> -> memref<1x56x64xf32, #tpu.memory_space<vmem>>
      %dma_start3A_1054 = tpu.memref_squeeze %dma_start3A_1053 : memref<1x56x64xf32, #tpu.memory_space<vmem>> -> memref<56x64xf32, #tpu.memory_space<vmem>>
      %dma_start3A_1055 = arith.constant 0 : i32
      %dma_start3A_1056 = arith.constant 0 : i32
      %dma_start3A_1057 = tpu.memref_slice %arg4[%add3A_1048, %dma_start3A_1055, %dma_start3A_1056] : memref<16384x56x128xf32, #tpu.memory_space<hbm>> -> memref<1x56x64xf32, #tpu.memory_space<hbm>>
      %dma_start3A_1058 = tpu.memref_squeeze %dma_start3A_1057 : memref<1x56x64xf32, #tpu.memory_space<hbm>> -> memref<56x64xf32, #tpu.memory_space<hbm>>
      %dma_start3A_1059 = tpu.memref_slice %arg8[%dma_start3A_1050] : memref<4x!tpu.dma_semaphore, #tpu.memory_space<semaphore_mem>> -> memref<1x!tpu.dma_semaphore, #tpu.memory_space<semaphore_mem>>
      %dma_start3A_1060 = tpu.memref_squeeze %dma_start3A_1059 : memref<1x!tpu.dma_semaphore, #tpu.memory_space<semaphore_mem>> -> memref<!tpu.dma_semaphore, #tpu.memory_space<semaphore_mem>>
      %dma_start3A_1061 = arith.constant 0 : i32
      %dma_start3A_1062 = arith.constant 0 : i32
      %dma_start3A_1063 = tpu.memref_slice %arg4[%add3A_1048, %dma_start3A_1061, %dma_start3A_1062] : memref<16384x56x128xf32, #tpu.memory_space<hbm>> -> memref<1x56x64xf32, #tpu.memory_space<hbm>>
      %dma_start3A_1064 = tpu.memref_squeeze %dma_start3A_1063 : memref<1x56x64xf32, #tpu.memory_space<hbm>> -> memref<56x64xf32, #tpu.memory_space<hbm>>
      %dma_start3A_1065 = arith.constant 56 : i32
      %dma_start3A_1066 = arith.constant 0 : i32
      %dma_start3A_1067 = tpu.memref_slice %arg6[%dma_start3A_1049, %dma_start3A_1065, %dma_start3A_1066] : memref<4x224x64xf32, #tpu.memory_space<vmem>> -> memref<1x56x64xf32, #tpu.memory_space<vmem>>
      %dma_start3A_1068 = tpu.memref_squeeze %dma_start3A_1067 : memref<1x56x64xf32, #tpu.memory_space<vmem>> -> memref<56x64xf32, #tpu.memory_space<vmem>>
      tpu.enqueue_dma source(%dma_start3A_1068 : memref<56x64xf32, #tpu.memory_space<vmem>>) target(%dma_start3A_1064 : memref<56x64xf32, #tpu.memory_space<hbm>>) target_semaphore(%dma_start3A_1060 : memref<!tpu.dma_semaphore, #tpu.memory_space<semaphore_mem>>)
      %mul3A_1069 = arith.constant 4 : i32
      %mul3A_1070 = arith.muli %add3A_1018, %mul3A_1069 : i32
      %add3A_1071 = arith.addi %mul3A_2, %mul3A_1070 : i32
      %add3A_1072 = arith.constant 2 : i32
      %add3A_1073 = arith.addi %add3A_1071, %add3A_1072 : i32
      %dma_start3A_1074 = arith.constant 1 : i32
      %dma_start3A_1075 = arith.constant 1 : i32
      %dma_start3A_1076 = arith.constant 112 : i32
      %dma_start3A_1077 = arith.constant 0 : i32
      %dma_start3A_1078 = tpu.memref_slice %arg6[%dma_start3A_1074, %dma_start3A_1076, %dma_start3A_1077] : memref<4x224x64xf32, #tpu.memory_space<vmem>> -> memref<1x56x64xf32, #tpu.memory_space<vmem>>
      %dma_start3A_1079 = tpu.memref_squeeze %dma_start3A_1078 : memref<1x56x64xf32, #tpu.memory_space<vmem>> -> memref<56x64xf32, #tpu.memory_space<vmem>>
      %dma_start3A_1080 = arith.constant 0 : i32
      %dma_start3A_1081 = arith.constant 0 : i32
      %dma_start3A_1082 = tpu.memref_slice %arg4[%add3A_1073, %dma_start3A_1080, %dma_start3A_1081] : memref<16384x56x128xf32, #tpu.memory_space<hbm>> -> memref<1x56x64xf32, #tpu.memory_space<hbm>>
      %dma_start3A_1083 = tpu.memref_squeeze %dma_start3A_1082 : memref<1x56x64xf32, #tpu.memory_space<hbm>> -> memref<56x64xf32, #tpu.memory_space<hbm>>
      %dma_start3A_1084 = tpu.memref_slice %arg8[%dma_start3A_1075] : memref<4x!tpu.dma_semaphore, #tpu.memory_space<semaphore_mem>> -> memref<1x!tpu.dma_semaphore, #tpu.memory_space<semaphore_mem>>
      %dma_start3A_1085 = tpu.memref_squeeze %dma_start3A_1084 : memref<1x!tpu.dma_semaphore, #tpu.memory_space<semaphore_mem>> -> memref<!tpu.dma_semaphore, #tpu.memory_space<semaphore_mem>>
      %dma_start3A_1086 = arith.constant 0 : i32
      %dma_start3A_1087 = arith.constant 0 : i32
      %dma_start3A_1088 = tpu.memref_slice %arg4[%add3A_1073, %dma_start3A_1086, %dma_start3A_1087] : memref<16384x56x128xf32, #tpu.memory_space<hbm>> -> memref<1x56x64xf32, #tpu.memory_space<hbm>>
      %dma_start3A_1089 = tpu.memref_squeeze %dma_start3A_1088 : memref<1x56x64xf32, #tpu.memory_space<hbm>> -> memref<56x64xf32, #tpu.memory_space<hbm>>
      %dma_start3A_1090 = arith.constant 112 : i32
      %dma_start3A_1091 = arith.constant 0 : i32
      %dma_start3A_1092 = tpu.memref_slice %arg6[%dma_start3A_1074, %dma_start3A_1090, %dma_start3A_1091] : memref<4x224x64xf32, #tpu.memory_space<vmem>> -> memref<1x56x64xf32, #tpu.memory_space<vmem>>
      %dma_start3A_1093 = tpu.memref_squeeze %dma_start3A_1092 : memref<1x56x64xf32, #tpu.memory_space<vmem>> -> memref<56x64xf32, #tpu.memory_space<vmem>>
      tpu.enqueue_dma source(%dma_start3A_1093 : memref<56x64xf32, #tpu.memory_space<vmem>>) target(%dma_start3A_1089 : memref<56x64xf32, #tpu.memory_space<hbm>>) target_semaphore(%dma_start3A_1085 : memref<!tpu.dma_semaphore, #tpu.memory_space<semaphore_mem>>)
      %mul3A_1094 = arith.constant 4 : i32
      %mul3A_1095 = arith.muli %add3A_1018, %mul3A_1094 : i32
      %add3A_1096 = arith.addi %mul3A_2, %mul3A_1095 : i32
      %add3A_1097 = arith.constant 3 : i32
      %add3A_1098 = arith.addi %add3A_1096, %add3A_1097 : i32
      %dma_start3A_1099 = arith.constant 1 : i32
      %dma_start3A_1100 = arith.constant 1 : i32
      %dma_start3A_1101 = arith.constant 168 : i32
      %dma_start3A_1102 = arith.constant 0 : i32
      %dma_start3A_1103 = tpu.memref_slice %arg6[%dma_start3A_1099, %dma_start3A_1101, %dma_start3A_1102] : memref<4x224x64xf32, #tpu.memory_space<vmem>> -> memref<1x56x64xf32, #tpu.memory_space<vmem>>
      %dma_start3A_1104 = tpu.memref_squeeze %dma_start3A_1103 : memref<1x56x64xf32, #tpu.memory_space<vmem>> -> memref<56x64xf32, #tpu.memory_space<vmem>>
      %dma_start3A_1105 = arith.constant 0 : i32
      %dma_start3A_1106 = arith.constant 0 : i32
      %dma_start3A_1107 = tpu.memref_slice %arg4[%add3A_1098, %dma_start3A_1105, %dma_start3A_1106] : memref<16384x56x128xf32, #tpu.memory_space<hbm>> -> memref<1x56x64xf32, #tpu.memory_space<hbm>>
      %dma_start3A_1108 = tpu.memref_squeeze %dma_start3A_1107 : memref<1x56x64xf32, #tpu.memory_space<hbm>> -> memref<56x64xf32, #tpu.memory_space<hbm>>
      %dma_start3A_1109 = tpu.memref_slice %arg8[%dma_start3A_1100] : memref<4x!tpu.dma_semaphore, #tpu.memory_space<semaphore_mem>> -> memref<1x!tpu.dma_semaphore, #tpu.memory_space<semaphore_mem>>
      %dma_start3A_1110 = tpu.memref_squeeze %dma_start3A_1109 : memref<1x!tpu.dma_semaphore, #tpu.memory_space<semaphore_mem>> -> memref<!tpu.dma_semaphore, #tpu.memory_space<semaphore_mem>>
      %dma_start3A_1111 = arith.constant 0 : i32
      %dma_start3A_1112 = arith.constant 0 : i32
      %dma_start3A_1113 = tpu.memref_slice %arg4[%add3A_1098, %dma_start3A_1111, %dma_start3A_1112] : memref<16384x56x128xf32, #tpu.memory_space<hbm>> -> memref<1x56x64xf32, #tpu.memory_space<hbm>>
      %dma_start3A_1114 = tpu.memref_squeeze %dma_start3A_1113 : memref<1x56x64xf32, #tpu.memory_space<hbm>> -> memref<56x64xf32, #tpu.memory_space<hbm>>
      %dma_start3A_1115 = arith.constant 168 : i32
      %dma_start3A_1116 = arith.constant 0 : i32
      %dma_start3A_1117 = tpu.memref_slice %arg6[%dma_start3A_1099, %dma_start3A_1115, %dma_start3A_1116] : memref<4x224x64xf32, #tpu.memory_space<vmem>> -> memref<1x56x64xf32, #tpu.memory_space<vmem>>
      %dma_start3A_1118 = tpu.memref_squeeze %dma_start3A_1117 : memref<1x56x64xf32, #tpu.memory_space<vmem>> -> memref<56x64xf32, #tpu.memory_space<vmem>>
      tpu.enqueue_dma source(%dma_start3A_1118 : memref<56x64xf32, #tpu.memory_space<vmem>>) target(%dma_start3A_1114 : memref<56x64xf32, #tpu.memory_space<hbm>>) target_semaphore(%dma_start3A_1110 : memref<!tpu.dma_semaphore, #tpu.memory_space<semaphore_mem>>)
      %add3A_1119 = arith.constant 2 : i32
      %add3A_1120 = arith.addi %mul3A_882, %add3A_1119 : i32
      %mul3A_1121 = arith.constant 224 : i32
      %mul3A_1122 = arith.muli %add3A_1120, %mul3A_1121 : i32
      %dma_wait3A_1123 = arith.constant 2 : i32
      %dma_wait3A_1124 = arith.constant 2 : i32
      %dma_wait3A_1125 = arith.constant 0 : i32
      %dma_wait3A_1126 = arith.constant 0 : i32
      %dma_wait3A_1127 = tpu.memref_slice %arg6[%dma_wait3A_1123, %dma_wait3A_1125, %dma_wait3A_1126] : memref<4x224x64xf32, #tpu.memory_space<vmem>> -> memref<1x224x64xf32, #tpu.memory_space<vmem>>
      %dma_wait3A_1128 = tpu.memref_squeeze %dma_wait3A_1127 : memref<1x224x64xf32, #tpu.memory_space<vmem>> -> memref<224x64xf32, #tpu.memory_space<vmem>>
      %dma_wait3A_1129 = tpu.memref_slice %arg5[%mul3A_1122] : memref<28672xi32, #tpu.memory_space<vmem>> -> memref<224xi32, #tpu.memory_space<vmem>>
      %dma_wait3A_1130 = arith.constant 0 : i32
      %dma_wait3A_1131 = arith.constant 0 : i32
      %dma_wait3A_1132 = tpu.memref_slice %arg3[%dma_wait3A_1130, %dma_wait3A_1131] : memref<1000000x64xf32, #tpu.memory_space<hbm>> -> memref<1000000x64xf32, #tpu.memory_space<hbm>>
      %dma_wait3A_1133 = tpu.memref_slice %arg7[%dma_wait3A_1124] : memref<4x!tpu.dma_semaphore, #tpu.memory_space<semaphore_mem>> -> memref<1x!tpu.dma_semaphore, #tpu.memory_space<semaphore_mem>>
      %dma_wait3A_1134 = tpu.memref_squeeze %dma_wait3A_1133 : memref<1x!tpu.dma_semaphore, #tpu.memory_space<semaphore_mem>> -> memref<!tpu.dma_semaphore, #tpu.memory_space<semaphore_mem>>
      tpu.wait_indirect_dma semaphore(%dma_wait3A_1134 : memref<!tpu.dma_semaphore, #tpu.memory_space<semaphore_mem>>) src(%dma_wait3A_1132 : memref<1000000x64xf32, #tpu.memory_space<hbm>>) dst(%dma_wait3A_1128 : memref<224x64xf32, #tpu.memory_space<vmem>>)
      %add3A_1135 = arith.constant 2 : i32
      %add3A_1136 = arith.addi %mul3A_882, %add3A_1135 : i32
      %mul3A_1137 = arith.constant 4 : i32
      %mul3A_1138 = arith.muli %add3A_1136, %mul3A_1137 : i32
      %add3A_1139 = arith.addi %mul3A_2, %mul3A_1138 : i32
      %add3A_1140 = arith.constant 0 : i32
      %add3A_1141 = arith.addi %add3A_1139, %add3A_1140 : i32
      %dma_start3A_1142 = arith.constant 2 : i32
      %dma_start3A_1143 = arith.constant 2 : i32
      %dma_start3A_1144 = arith.constant 0 : i32
      %dma_start3A_1145 = arith.constant 0 : i32
      %dma_start3A_1146 = tpu.memref_slice %arg6[%dma_start3A_1142, %dma_start3A_1144, %dma_start3A_1145] : memref<4x224x64xf32, #tpu.memory_space<vmem>> -> memref<1x56x64xf32, #tpu.memory_space<vmem>>
      %dma_start3A_1147 = tpu.memref_squeeze %dma_start3A_1146 : memref<1x56x64xf32, #tpu.memory_space<vmem>> -> memref<56x64xf32, #tpu.memory_space<vmem>>
      %dma_start3A_1148 = arith.constant 0 : i32
      %dma_start3A_1149 = arith.constant 0 : i32
      %dma_start3A_1150 = tpu.memref_slice %arg4[%add3A_1141, %dma_start3A_1148, %dma_start3A_1149] : memref<16384x56x128xf32, #tpu.memory_space<hbm>> -> memref<1x56x64xf32, #tpu.memory_space<hbm>>
      %dma_start3A_1151 = tpu.memref_squeeze %dma_start3A_1150 : memref<1x56x64xf32, #tpu.memory_space<hbm>> -> memref<56x64xf32, #tpu.memory_space<hbm>>
      %dma_start3A_1152 = tpu.memref_slice %arg8[%dma_start3A_1143] : memref<4x!tpu.dma_semaphore, #tpu.memory_space<semaphore_mem>> -> memref<1x!tpu.dma_semaphore, #tpu.memory_space<semaphore_mem>>
      %dma_start3A_1153 = tpu.memref_squeeze %dma_start3A_1152 : memref<1x!tpu.dma_semaphore, #tpu.memory_space<semaphore_mem>> -> memref<!tpu.dma_semaphore, #tpu.memory_space<semaphore_mem>>
      %dma_start3A_1154 = arith.constant 0 : i32
      %dma_start3A_1155 = arith.constant 0 : i32
      %dma_start3A_1156 = tpu.memref_slice %arg4[%add3A_1141, %dma_start3A_1154, %dma_start3A_1155] : memref<16384x56x128xf32, #tpu.memory_space<hbm>> -> memref<1x56x64xf32, #tpu.memory_space<hbm>>
      %dma_start3A_1157 = tpu.memref_squeeze %dma_start3A_1156 : memref<1x56x64xf32, #tpu.memory_space<hbm>> -> memref<56x64xf32, #tpu.memory_space<hbm>>
      %dma_start3A_1158 = arith.constant 0 : i32
      %dma_start3A_1159 = arith.constant 0 : i32
      %dma_start3A_1160 = tpu.memref_slice %arg6[%dma_start3A_1142, %dma_start3A_1158, %dma_start3A_1159] : memref<4x224x64xf32, #tpu.memory_space<vmem>> -> memref<1x56x64xf32, #tpu.memory_space<vmem>>
      %dma_start3A_1161 = tpu.memref_squeeze %dma_start3A_1160 : memref<1x56x64xf32, #tpu.memory_space<vmem>> -> memref<56x64xf32, #tpu.memory_space<vmem>>
      tpu.enqueue_dma source(%dma_start3A_1161 : memref<56x64xf32, #tpu.memory_space<vmem>>) target(%dma_start3A_1157 : memref<56x64xf32, #tpu.memory_space<hbm>>) target_semaphore(%dma_start3A_1153 : memref<!tpu.dma_semaphore, #tpu.memory_space<semaphore_mem>>)
      %mul3A_1162 = arith.constant 4 : i32
      %mul3A_1163 = arith.muli %add3A_1136, %mul3A_1162 : i32
      %add3A_1164 = arith.addi %mul3A_2, %mul3A_1163 : i32
      %add3A_1165 = arith.constant 1 : i32
      %add3A_1166 = arith.addi %add3A_1164, %add3A_1165 : i32
      %dma_start3A_1167 = arith.constant 2 : i32
      %dma_start3A_1168 = arith.constant 2 : i32
      %dma_start3A_1169 = arith.constant 56 : i32
      %dma_start3A_1170 = arith.constant 0 : i32
      %dma_start3A_1171 = tpu.memref_slice %arg6[%dma_start3A_1167, %dma_start3A_1169, %dma_start3A_1170] : memref<4x224x64xf32, #tpu.memory_space<vmem>> -> memref<1x56x64xf32, #tpu.memory_space<vmem>>
      %dma_start3A_1172 = tpu.memref_squeeze %dma_start3A_1171 : memref<1x56x64xf32, #tpu.memory_space<vmem>> -> memref<56x64xf32, #tpu.memory_space<vmem>>
      %dma_start3A_1173 = arith.constant 0 : i32
      %dma_start3A_1174 = arith.constant 0 : i32
      %dma_start3A_1175 = tpu.memref_slice %arg4[%add3A_1166, %dma_start3A_1173, %dma_start3A_1174] : memref<16384x56x128xf32, #tpu.memory_space<hbm>> -> memref<1x56x64xf32, #tpu.memory_space<hbm>>
      %dma_start3A_1176 = tpu.memref_squeeze %dma_start3A_1175 : memref<1x56x64xf32, #tpu.memory_space<hbm>> -> memref<56x64xf32, #tpu.memory_space<hbm>>
      %dma_start3A_1177 = tpu.memref_slice %arg8[%dma_start3A_1168] : memref<4x!tpu.dma_semaphore, #tpu.memory_space<semaphore_mem>> -> memref<1x!tpu.dma_semaphore, #tpu.memory_space<semaphore_mem>>
      %dma_start3A_1178 = tpu.memref_squeeze %dma_start3A_1177 : memref<1x!tpu.dma_semaphore, #tpu.memory_space<semaphore_mem>> -> memref<!tpu.dma_semaphore, #tpu.memory_space<semaphore_mem>>
      %dma_start3A_1179 = arith.constant 0 : i32
      %dma_start3A_1180 = arith.constant 0 : i32
      %dma_start3A_1181 = tpu.memref_slice %arg4[%add3A_1166, %dma_start3A_1179, %dma_start3A_1180] : memref<16384x56x128xf32, #tpu.memory_space<hbm>> -> memref<1x56x64xf32, #tpu.memory_space<hbm>>
      %dma_start3A_1182 = tpu.memref_squeeze %dma_start3A_1181 : memref<1x56x64xf32, #tpu.memory_space<hbm>> -> memref<56x64xf32, #tpu.memory_space<hbm>>
      %dma_start3A_1183 = arith.constant 56 : i32
      %dma_start3A_1184 = arith.constant 0 : i32
      %dma_start3A_1185 = tpu.memref_slice %arg6[%dma_start3A_1167, %dma_start3A_1183, %dma_start3A_1184] : memref<4x224x64xf32, #tpu.memory_space<vmem>> -> memref<1x56x64xf32, #tpu.memory_space<vmem>>
      %dma_start3A_1186 = tpu.memref_squeeze %dma_start3A_1185 : memref<1x56x64xf32, #tpu.memory_space<vmem>> -> memref<56x64xf32, #tpu.memory_space<vmem>>
      tpu.enqueue_dma source(%dma_start3A_1186 : memref<56x64xf32, #tpu.memory_space<vmem>>) target(%dma_start3A_1182 : memref<56x64xf32, #tpu.memory_space<hbm>>) target_semaphore(%dma_start3A_1178 : memref<!tpu.dma_semaphore, #tpu.memory_space<semaphore_mem>>)
      %mul3A_1187 = arith.constant 4 : i32
      %mul3A_1188 = arith.muli %add3A_1136, %mul3A_1187 : i32
      %add3A_1189 = arith.addi %mul3A_2, %mul3A_1188 : i32
      %add3A_1190 = arith.constant 2 : i32
      %add3A_1191 = arith.addi %add3A_1189, %add3A_1190 : i32
      %dma_start3A_1192 = arith.constant 2 : i32
      %dma_start3A_1193 = arith.constant 2 : i32
      %dma_start3A_1194 = arith.constant 112 : i32
      %dma_start3A_1195 = arith.constant 0 : i32
      %dma_start3A_1196 = tpu.memref_slice %arg6[%dma_start3A_1192, %dma_start3A_1194, %dma_start3A_1195] : memref<4x224x64xf32, #tpu.memory_space<vmem>> -> memref<1x56x64xf32, #tpu.memory_space<vmem>>
      %dma_start3A_1197 = tpu.memref_squeeze %dma_start3A_1196 : memref<1x56x64xf32, #tpu.memory_space<vmem>> -> memref<56x64xf32, #tpu.memory_space<vmem>>
      %dma_start3A_1198 = arith.constant 0 : i32
      %dma_start3A_1199 = arith.constant 0 : i32
      %dma_start3A_1200 = tpu.memref_slice %arg4[%add3A_1191, %dma_start3A_1198, %dma_start3A_1199] : memref<16384x56x128xf32, #tpu.memory_space<hbm>> -> memref<1x56x64xf32, #tpu.memory_space<hbm>>
      %dma_start3A_1201 = tpu.memref_squeeze %dma_start3A_1200 : memref<1x56x64xf32, #tpu.memory_space<hbm>> -> memref<56x64xf32, #tpu.memory_space<hbm>>
      %dma_start3A_1202 = tpu.memref_slice %arg8[%dma_start3A_1193] : memref<4x!tpu.dma_semaphore, #tpu.memory_space<semaphore_mem>> -> memref<1x!tpu.dma_semaphore, #tpu.memory_space<semaphore_mem>>
      %dma_start3A_1203 = tpu.memref_squeeze %dma_start3A_1202 : memref<1x!tpu.dma_semaphore, #tpu.memory_space<semaphore_mem>> -> memref<!tpu.dma_semaphore, #tpu.memory_space<semaphore_mem>>
      %dma_start3A_1204 = arith.constant 0 : i32
      %dma_start3A_1205 = arith.constant 0 : i32
      %dma_start3A_1206 = tpu.memref_slice %arg4[%add3A_1191, %dma_start3A_1204, %dma_start3A_1205] : memref<16384x56x128xf32, #tpu.memory_space<hbm>> -> memref<1x56x64xf32, #tpu.memory_space<hbm>>
      %dma_start3A_1207 = tpu.memref_squeeze %dma_start3A_1206 : memref<1x56x64xf32, #tpu.memory_space<hbm>> -> memref<56x64xf32, #tpu.memory_space<hbm>>
      %dma_start3A_1208 = arith.constant 112 : i32
      %dma_start3A_1209 = arith.constant 0 : i32
      %dma_start3A_1210 = tpu.memref_slice %arg6[%dma_start3A_1192, %dma_start3A_1208, %dma_start3A_1209] : memref<4x224x64xf32, #tpu.memory_space<vmem>> -> memref<1x56x64xf32, #tpu.memory_space<vmem>>
      %dma_start3A_1211 = tpu.memref_squeeze %dma_start3A_1210 : memref<1x56x64xf32, #tpu.memory_space<vmem>> -> memref<56x64xf32, #tpu.memory_space<vmem>>
      tpu.enqueue_dma source(%dma_start3A_1211 : memref<56x64xf32, #tpu.memory_space<vmem>>) target(%dma_start3A_1207 : memref<56x64xf32, #tpu.memory_space<hbm>>) target_semaphore(%dma_start3A_1203 : memref<!tpu.dma_semaphore, #tpu.memory_space<semaphore_mem>>)
      %mul3A_1212 = arith.constant 4 : i32
      %mul3A_1213 = arith.muli %add3A_1136, %mul3A_1212 : i32
      %add3A_1214 = arith.addi %mul3A_2, %mul3A_1213 : i32
      %add3A_1215 = arith.constant 3 : i32
      %add3A_1216 = arith.addi %add3A_1214, %add3A_1215 : i32
      %dma_start3A_1217 = arith.constant 2 : i32
      %dma_start3A_1218 = arith.constant 2 : i32
      %dma_start3A_1219 = arith.constant 168 : i32
      %dma_start3A_1220 = arith.constant 0 : i32
      %dma_start3A_1221 = tpu.memref_slice %arg6[%dma_start3A_1217, %dma_start3A_1219, %dma_start3A_1220] : memref<4x224x64xf32, #tpu.memory_space<vmem>> -> memref<1x56x64xf32, #tpu.memory_space<vmem>>
      %dma_start3A_1222 = tpu.memref_squeeze %dma_start3A_1221 : memref<1x56x64xf32, #tpu.memory_space<vmem>> -> memref<56x64xf32, #tpu.memory_space<vmem>>
      %dma_start3A_1223 = arith.constant 0 : i32
      %dma_start3A_1224 = arith.constant 0 : i32
      %dma_start3A_1225 = tpu.memref_slice %arg4[%add3A_1216, %dma_start3A_1223, %dma_start3A_1224] : memref<16384x56x128xf32, #tpu.memory_space<hbm>> -> memref<1x56x64xf32, #tpu.memory_space<hbm>>
      %dma_start3A_1226 = tpu.memref_squeeze %dma_start3A_1225 : memref<1x56x64xf32, #tpu.memory_space<hbm>> -> memref<56x64xf32, #tpu.memory_space<hbm>>
      %dma_start3A_1227 = tpu.memref_slice %arg8[%dma_start3A_1218] : memref<4x!tpu.dma_semaphore, #tpu.memory_space<semaphore_mem>> -> memref<1x!tpu.dma_semaphore, #tpu.memory_space<semaphore_mem>>
      %dma_start3A_1228 = tpu.memref_squeeze %dma_start3A_1227 : memref<1x!tpu.dma_semaphore, #tpu.memory_space<semaphore_mem>> -> memref<!tpu.dma_semaphore, #tpu.memory_space<semaphore_mem>>
      %dma_start3A_1229 = arith.constant 0 : i32
      %dma_start3A_1230 = arith.constant 0 : i32
      %dma_start3A_1231 = tpu.memref_slice %arg4[%add3A_1216, %dma_start3A_1229, %dma_start3A_1230] : memref<16384x56x128xf32, #tpu.memory_space<hbm>> -> memref<1x56x64xf32, #tpu.memory_space<hbm>>
      %dma_start3A_1232 = tpu.memref_squeeze %dma_start3A_1231 : memref<1x56x64xf32, #tpu.memory_space<hbm>> -> memref<56x64xf32, #tpu.memory_space<hbm>>
      %dma_start3A_1233 = arith.constant 168 : i32
      %dma_start3A_1234 = arith.constant 0 : i32
      %dma_start3A_1235 = tpu.memref_slice %arg6[%dma_start3A_1217, %dma_start3A_1233, %dma_start3A_1234] : memref<4x224x64xf32, #tpu.memory_space<vmem>> -> memref<1x56x64xf32, #tpu.memory_space<vmem>>
      %dma_start3A_1236 = tpu.memref_squeeze %dma_start3A_1235 : memref<1x56x64xf32, #tpu.memory_space<vmem>> -> memref<56x64xf32, #tpu.memory_space<vmem>>
      tpu.enqueue_dma source(%dma_start3A_1236 : memref<56x64xf32, #tpu.memory_space<vmem>>) target(%dma_start3A_1232 : memref<56x64xf32, #tpu.memory_space<hbm>>) target_semaphore(%dma_start3A_1228 : memref<!tpu.dma_semaphore, #tpu.memory_space<semaphore_mem>>)
      %add3A_1237 = arith.constant 3 : i32
      %add3A_1238 = arith.addi %mul3A_882, %add3A_1237 : i32
      %mul3A_1239 = arith.constant 224 : i32
      %mul3A_1240 = arith.muli %add3A_1238, %mul3A_1239 : i32
      %dma_wait3A_1241 = arith.constant 3 : i32
      %dma_wait3A_1242 = arith.constant 3 : i32
      %dma_wait3A_1243 = arith.constant 0 : i32
      %dma_wait3A_1244 = arith.constant 0 : i32
      %dma_wait3A_1245 = tpu.memref_slice %arg6[%dma_wait3A_1241, %dma_wait3A_1243, %dma_wait3A_1244] : memref<4x224x64xf32, #tpu.memory_space<vmem>> -> memref<1x224x64xf32, #tpu.memory_space<vmem>>
      %dma_wait3A_1246 = tpu.memref_squeeze %dma_wait3A_1245 : memref<1x224x64xf32, #tpu.memory_space<vmem>> -> memref<224x64xf32, #tpu.memory_space<vmem>>
      %dma_wait3A_1247 = tpu.memref_slice %arg5[%mul3A_1240] : memref<28672xi32, #tpu.memory_space<vmem>> -> memref<224xi32, #tpu.memory_space<vmem>>
      %dma_wait3A_1248 = arith.constant 0 : i32
      %dma_wait3A_1249 = arith.constant 0 : i32
      %dma_wait3A_1250 = tpu.memref_slice %arg3[%dma_wait3A_1248, %dma_wait3A_1249] : memref<1000000x64xf32, #tpu.memory_space<hbm>> -> memref<1000000x64xf32, #tpu.memory_space<hbm>>
      %dma_wait3A_1251 = tpu.memref_slice %arg7[%dma_wait3A_1242] : memref<4x!tpu.dma_semaphore, #tpu.memory_space<semaphore_mem>> -> memref<1x!tpu.dma_semaphore, #tpu.memory_space<semaphore_mem>>
      %dma_wait3A_1252 = tpu.memref_squeeze %dma_wait3A_1251 : memref<1x!tpu.dma_semaphore, #tpu.memory_space<semaphore_mem>> -> memref<!tpu.dma_semaphore, #tpu.memory_space<semaphore_mem>>
      tpu.wait_indirect_dma semaphore(%dma_wait3A_1252 : memref<!tpu.dma_semaphore, #tpu.memory_space<semaphore_mem>>) src(%dma_wait3A_1250 : memref<1000000x64xf32, #tpu.memory_space<hbm>>) dst(%dma_wait3A_1246 : memref<224x64xf32, #tpu.memory_space<vmem>>)
      %add3A_1253 = arith.constant 3 : i32
      %add3A_1254 = arith.addi %mul3A_882, %add3A_1253 : i32
      %mul3A_1255 = arith.constant 4 : i32
      %mul3A_1256 = arith.muli %add3A_1254, %mul3A_1255 : i32
      %add3A_1257 = arith.addi %mul3A_2, %mul3A_1256 : i32
      %add3A_1258 = arith.constant 0 : i32
      %add3A_1259 = arith.addi %add3A_1257, %add3A_1258 : i32
      %dma_start3A_1260 = arith.constant 3 : i32
      %dma_start3A_1261 = arith.constant 3 : i32
      %dma_start3A_1262 = arith.constant 0 : i32
      %dma_start3A_1263 = arith.constant 0 : i32
      %dma_start3A_1264 = tpu.memref_slice %arg6[%dma_start3A_1260, %dma_start3A_1262, %dma_start3A_1263] : memref<4x224x64xf32, #tpu.memory_space<vmem>> -> memref<1x56x64xf32, #tpu.memory_space<vmem>>
      %dma_start3A_1265 = tpu.memref_squeeze %dma_start3A_1264 : memref<1x56x64xf32, #tpu.memory_space<vmem>> -> memref<56x64xf32, #tpu.memory_space<vmem>>
      %dma_start3A_1266 = arith.constant 0 : i32
      %dma_start3A_1267 = arith.constant 0 : i32
      %dma_start3A_1268 = tpu.memref_slice %arg4[%add3A_1259, %dma_start3A_1266, %dma_start3A_1267] : memref<16384x56x128xf32, #tpu.memory_space<hbm>> -> memref<1x56x64xf32, #tpu.memory_space<hbm>>
      %dma_start3A_1269 = tpu.memref_squeeze %dma_start3A_1268 : memref<1x56x64xf32, #tpu.memory_space<hbm>> -> memref<56x64xf32, #tpu.memory_space<hbm>>
      %dma_start3A_1270 = tpu.memref_slice %arg8[%dma_start3A_1261] : memref<4x!tpu.dma_semaphore, #tpu.memory_space<semaphore_mem>> -> memref<1x!tpu.dma_semaphore, #tpu.memory_space<semaphore_mem>>
      %dma_start3A_1271 = tpu.memref_squeeze %dma_start3A_1270 : memref<1x!tpu.dma_semaphore, #tpu.memory_space<semaphore_mem>> -> memref<!tpu.dma_semaphore, #tpu.memory_space<semaphore_mem>>
      %dma_start3A_1272 = arith.constant 0 : i32
      %dma_start3A_1273 = arith.constant 0 : i32
      %dma_start3A_1274 = tpu.memref_slice %arg4[%add3A_1259, %dma_start3A_1272, %dma_start3A_1273] : memref<16384x56x128xf32, #tpu.memory_space<hbm>> -> memref<1x56x64xf32, #tpu.memory_space<hbm>>
      %dma_start3A_1275 = tpu.memref_squeeze %dma_start3A_1274 : memref<1x56x64xf32, #tpu.memory_space<hbm>> -> memref<56x64xf32, #tpu.memory_space<hbm>>
      %dma_start3A_1276 = arith.constant 0 : i32
      %dma_start3A_1277 = arith.constant 0 : i32
      %dma_start3A_1278 = tpu.memref_slice %arg6[%dma_start3A_1260, %dma_start3A_1276, %dma_start3A_1277] : memref<4x224x64xf32, #tpu.memory_space<vmem>> -> memref<1x56x64xf32, #tpu.memory_space<vmem>>
      %dma_start3A_1279 = tpu.memref_squeeze %dma_start3A_1278 : memref<1x56x64xf32, #tpu.memory_space<vmem>> -> memref<56x64xf32, #tpu.memory_space<vmem>>
      tpu.enqueue_dma source(%dma_start3A_1279 : memref<56x64xf32, #tpu.memory_space<vmem>>) target(%dma_start3A_1275 : memref<56x64xf32, #tpu.memory_space<hbm>>) target_semaphore(%dma_start3A_1271 : memref<!tpu.dma_semaphore, #tpu.memory_space<semaphore_mem>>)
      %mul3A_1280 = arith.constant 4 : i32
      %mul3A_1281 = arith.muli %add3A_1254, %mul3A_1280 : i32
      %add3A_1282 = arith.addi %mul3A_2, %mul3A_1281 : i32
      %add3A_1283 = arith.constant 1 : i32
      %add3A_1284 = arith.addi %add3A_1282, %add3A_1283 : i32
      %dma_start3A_1285 = arith.constant 3 : i32
      %dma_start3A_1286 = arith.constant 3 : i32
      %dma_start3A_1287 = arith.constant 56 : i32
      %dma_start3A_1288 = arith.constant 0 : i32
      %dma_start3A_1289 = tpu.memref_slice %arg6[%dma_start3A_1285, %dma_start3A_1287, %dma_start3A_1288] : memref<4x224x64xf32, #tpu.memory_space<vmem>> -> memref<1x56x64xf32, #tpu.memory_space<vmem>>
      %dma_start3A_1290 = tpu.memref_squeeze %dma_start3A_1289 : memref<1x56x64xf32, #tpu.memory_space<vmem>> -> memref<56x64xf32, #tpu.memory_space<vmem>>
      %dma_start3A_1291 = arith.constant 0 : i32
      %dma_start3A_1292 = arith.constant 0 : i32
      %dma_start3A_1293 = tpu.memref_slice %arg4[%add3A_1284, %dma_start3A_1291, %dma_start3A_1292] : memref<16384x56x128xf32, #tpu.memory_space<hbm>> -> memref<1x56x64xf32, #tpu.memory_space<hbm>>
      %dma_start3A_1294 = tpu.memref_squeeze %dma_start3A_1293 : memref<1x56x64xf32, #tpu.memory_space<hbm>> -> memref<56x64xf32, #tpu.memory_space<hbm>>
      %dma_start3A_1295 = tpu.memref_slice %arg8[%dma_start3A_1286] : memref<4x!tpu.dma_semaphore, #tpu.memory_space<semaphore_mem>> -> memref<1x!tpu.dma_semaphore, #tpu.memory_space<semaphore_mem>>
      %dma_start3A_1296 = tpu.memref_squeeze %dma_start3A_1295 : memref<1x!tpu.dma_semaphore, #tpu.memory_space<semaphore_mem>> -> memref<!tpu.dma_semaphore, #tpu.memory_space<semaphore_mem>>
      %dma_start3A_1297 = arith.constant 0 : i32
      %dma_start3A_1298 = arith.constant 0 : i32
      %dma_start3A_1299 = tpu.memref_slice %arg4[%add3A_1284, %dma_start3A_1297, %dma_start3A_1298] : memref<16384x56x128xf32, #tpu.memory_space<hbm>> -> memref<1x56x64xf32, #tpu.memory_space<hbm>>
      %dma_start3A_1300 = tpu.memref_squeeze %dma_start3A_1299 : memref<1x56x64xf32, #tpu.memory_space<hbm>> -> memref<56x64xf32, #tpu.memory_space<hbm>>
      %dma_start3A_1301 = arith.constant 56 : i32
      %dma_start3A_1302 = arith.constant 0 : i32
      %dma_start3A_1303 = tpu.memref_slice %arg6[%dma_start3A_1285, %dma_start3A_1301, %dma_start3A_1302] : memref<4x224x64xf32, #tpu.memory_space<vmem>> -> memref<1x56x64xf32, #tpu.memory_space<vmem>>
      %dma_start3A_1304 = tpu.memref_squeeze %dma_start3A_1303 : memref<1x56x64xf32, #tpu.memory_space<vmem>> -> memref<56x64xf32, #tpu.memory_space<vmem>>
      tpu.enqueue_dma source(%dma_start3A_1304 : memref<56x64xf32, #tpu.memory_space<vmem>>) target(%dma_start3A_1300 : memref<56x64xf32, #tpu.memory_space<hbm>>) target_semaphore(%dma_start3A_1296 : memref<!tpu.dma_semaphore, #tpu.memory_space<semaphore_mem>>)
      %mul3A_1305 = arith.constant 4 : i32
      %mul3A_1306 = arith.muli %add3A_1254, %mul3A_1305 : i32
      %add3A_1307 = arith.addi %mul3A_2, %mul3A_1306 : i32
      %add3A_1308 = arith.constant 2 : i32
      %add3A_1309 = arith.addi %add3A_1307, %add3A_1308 : i32
      %dma_start3A_1310 = arith.constant 3 : i32
      %dma_start3A_1311 = arith.constant 3 : i32
      %dma_start3A_1312 = arith.constant 112 : i32
      %dma_start3A_1313 = arith.constant 0 : i32
      %dma_start3A_1314 = tpu.memref_slice %arg6[%dma_start3A_1310, %dma_start3A_1312, %dma_start3A_1313] : memref<4x224x64xf32, #tpu.memory_space<vmem>> -> memref<1x56x64xf32, #tpu.memory_space<vmem>>
      %dma_start3A_1315 = tpu.memref_squeeze %dma_start3A_1314 : memref<1x56x64xf32, #tpu.memory_space<vmem>> -> memref<56x64xf32, #tpu.memory_space<vmem>>
      %dma_start3A_1316 = arith.constant 0 : i32
      %dma_start3A_1317 = arith.constant 0 : i32
      %dma_start3A_1318 = tpu.memref_slice %arg4[%add3A_1309, %dma_start3A_1316, %dma_start3A_1317] : memref<16384x56x128xf32, #tpu.memory_space<hbm>> -> memref<1x56x64xf32, #tpu.memory_space<hbm>>
      %dma_start3A_1319 = tpu.memref_squeeze %dma_start3A_1318 : memref<1x56x64xf32, #tpu.memory_space<hbm>> -> memref<56x64xf32, #tpu.memory_space<hbm>>
      %dma_start3A_1320 = tpu.memref_slice %arg8[%dma_start3A_1311] : memref<4x!tpu.dma_semaphore, #tpu.memory_space<semaphore_mem>> -> memref<1x!tpu.dma_semaphore, #tpu.memory_space<semaphore_mem>>
      %dma_start3A_1321 = tpu.memref_squeeze %dma_start3A_1320 : memref<1x!tpu.dma_semaphore, #tpu.memory_space<semaphore_mem>> -> memref<!tpu.dma_semaphore, #tpu.memory_space<semaphore_mem>>
      %dma_start3A_1322 = arith.constant 0 : i32
      %dma_start3A_1323 = arith.constant 0 : i32
      %dma_start3A_1324 = tpu.memref_slice %arg4[%add3A_1309, %dma_start3A_1322, %dma_start3A_1323] : memref<16384x56x128xf32, #tpu.memory_space<hbm>> -> memref<1x56x64xf32, #tpu.memory_space<hbm>>
      %dma_start3A_1325 = tpu.memref_squeeze %dma_start3A_1324 : memref<1x56x64xf32, #tpu.memory_space<hbm>> -> memref<56x64xf32, #tpu.memory_space<hbm>>
      %dma_start3A_1326 = arith.constant 112 : i32
      %dma_start3A_1327 = arith.constant 0 : i32
      %dma_start3A_1328 = tpu.memref_slice %arg6[%dma_start3A_1310, %dma_start3A_1326, %dma_start3A_1327] : memref<4x224x64xf32, #tpu.memory_space<vmem>> -> memref<1x56x64xf32, #tpu.memory_space<vmem>>
      %dma_start3A_1329 = tpu.memref_squeeze %dma_start3A_1328 : memref<1x56x64xf32, #tpu.memory_space<vmem>> -> memref<56x64xf32, #tpu.memory_space<vmem>>
      tpu.enqueue_dma source(%dma_start3A_1329 : memref<56x64xf32, #tpu.memory_space<vmem>>) target(%dma_start3A_1325 : memref<56x64xf32, #tpu.memory_space<hbm>>) target_semaphore(%dma_start3A_1321 : memref<!tpu.dma_semaphore, #tpu.memory_space<semaphore_mem>>)
      %mul3A_1330 = arith.constant 4 : i32
      %mul3A_1331 = arith.muli %add3A_1254, %mul3A_1330 : i32
      %add3A_1332 = arith.addi %mul3A_2, %mul3A_1331 : i32
      %add3A_1333 = arith.constant 3 : i32
      %add3A_1334 = arith.addi %add3A_1332, %add3A_1333 : i32
      %dma_start3A_1335 = arith.constant 3 : i32
      %dma_start3A_1336 = arith.constant 3 : i32
      %dma_start3A_1337 = arith.constant 168 : i32
      %dma_start3A_1338 = arith.constant 0 : i32
      %dma_start3A_1339 = tpu.memref_slice %arg6[%dma_start3A_1335, %dma_start3A_1337, %dma_start3A_1338] : memref<4x224x64xf32, #tpu.memory_space<vmem>> -> memref<1x56x64xf32, #tpu.memory_space<vmem>>
      %dma_start3A_1340 = tpu.memref_squeeze %dma_start3A_1339 : memref<1x56x64xf32, #tpu.memory_space<vmem>> -> memref<56x64xf32, #tpu.memory_space<vmem>>
      %dma_start3A_1341 = arith.constant 0 : i32
      %dma_start3A_1342 = arith.constant 0 : i32
      %dma_start3A_1343 = tpu.memref_slice %arg4[%add3A_1334, %dma_start3A_1341, %dma_start3A_1342] : memref<16384x56x128xf32, #tpu.memory_space<hbm>> -> memref<1x56x64xf32, #tpu.memory_space<hbm>>
      %dma_start3A_1344 = tpu.memref_squeeze %dma_start3A_1343 : memref<1x56x64xf32, #tpu.memory_space<hbm>> -> memref<56x64xf32, #tpu.memory_space<hbm>>
      %dma_start3A_1345 = tpu.memref_slice %arg8[%dma_start3A_1336] : memref<4x!tpu.dma_semaphore, #tpu.memory_space<semaphore_mem>> -> memref<1x!tpu.dma_semaphore, #tpu.memory_space<semaphore_mem>>
      %dma_start3A_1346 = tpu.memref_squeeze %dma_start3A_1345 : memref<1x!tpu.dma_semaphore, #tpu.memory_space<semaphore_mem>> -> memref<!tpu.dma_semaphore, #tpu.memory_space<semaphore_mem>>
      %dma_start3A_1347 = arith.constant 0 : i32
      %dma_start3A_1348 = arith.constant 0 : i32
      %dma_start3A_1349 = tpu.memref_slice %arg4[%add3A_1334, %dma_start3A_1347, %dma_start3A_1348] : memref<16384x56x128xf32, #tpu.memory_space<hbm>> -> memref<1x56x64xf32, #tpu.memory_space<hbm>>
      %dma_start3A_1350 = tpu.memref_squeeze %dma_start3A_1349 : memref<1x56x64xf32, #tpu.memory_space<hbm>> -> memref<56x64xf32, #tpu.memory_space<hbm>>
      %dma_start3A_1351 = arith.constant 168 : i32
      %dma_start3A_1352 = arith.constant 0 : i32
      %dma_start3A_1353 = tpu.memref_slice %arg6[%dma_start3A_1335, %dma_start3A_1351, %dma_start3A_1352] : memref<4x224x64xf32, #tpu.memory_space<vmem>> -> memref<1x56x64xf32, #tpu.memory_space<vmem>>
      %dma_start3A_1354 = tpu.memref_squeeze %dma_start3A_1353 : memref<1x56x64xf32, #tpu.memory_space<vmem>> -> memref<56x64xf32, #tpu.memory_space<vmem>>
      tpu.enqueue_dma source(%dma_start3A_1354 : memref<56x64xf32, #tpu.memory_space<vmem>>) target(%dma_start3A_1350 : memref<56x64xf32, #tpu.memory_space<hbm>>) target_semaphore(%dma_start3A_1346 : memref<!tpu.dma_semaphore, #tpu.memory_space<semaphore_mem>>)
      %add3A_1355 = arith.constant 0 : i32
      %add3A_1356 = arith.addi %mul3A_882, %add3A_1355 : i32
      %mul3A_1357 = arith.constant 4 : i32
      %mul3A_1358 = arith.muli %add3A_1356, %mul3A_1357 : i32
      %add3A_1359 = arith.addi %mul3A_2, %mul3A_1358 : i32
      %add3A_1360 = arith.constant 0 : i32
      %add3A_1361 = arith.addi %add3A_1359, %add3A_1360 : i32
      %dma_wait3A_1362 = arith.constant 0 : i32
      %dma_wait3A_1363 = arith.constant 0 : i32
      %dma_wait3A_1364 = arith.constant 0 : i32
      %dma_wait3A_1365 = arith.constant 0 : i32
      %dma_wait3A_1366 = tpu.memref_slice %arg6[%dma_wait3A_1362, %dma_wait3A_1364, %dma_wait3A_1365] : memref<4x224x64xf32, #tpu.memory_space<vmem>> -> memref<1x56x64xf32, #tpu.memory_space<vmem>>
      %dma_wait3A_1367 = tpu.memref_squeeze %dma_wait3A_1366 : memref<1x56x64xf32, #tpu.memory_space<vmem>> -> memref<56x64xf32, #tpu.memory_space<vmem>>
      %dma_wait3A_1368 = arith.constant 0 : i32
      %dma_wait3A_1369 = arith.constant 0 : i32
      %dma_wait3A_1370 = tpu.memref_slice %arg4[%add3A_1361, %dma_wait3A_1368, %dma_wait3A_1369] : memref<16384x56x128xf32, #tpu.memory_space<hbm>> -> memref<1x56x64xf32, #tpu.memory_space<hbm>>
      %dma_wait3A_1371 = tpu.memref_squeeze %dma_wait3A_1370 : memref<1x56x64xf32, #tpu.memory_space<hbm>> -> memref<56x64xf32, #tpu.memory_space<hbm>>
      %dma_wait3A_1372 = tpu.memref_slice %arg8[%dma_wait3A_1363] : memref<4x!tpu.dma_semaphore, #tpu.memory_space<semaphore_mem>> -> memref<1x!tpu.dma_semaphore, #tpu.memory_space<semaphore_mem>>
      %dma_wait3A_1373 = tpu.memref_squeeze %dma_wait3A_1372 : memref<1x!tpu.dma_semaphore, #tpu.memory_space<semaphore_mem>> -> memref<!tpu.dma_semaphore, #tpu.memory_space<semaphore_mem>>
      %dma_wait3A_1374 = arith.constant 0 : i32
      %dma_wait3A_1375 = arith.constant 0 : i32
      %dma_wait3A_1376 = tpu.memref_slice %arg4[%add3A_1361, %dma_wait3A_1374, %dma_wait3A_1375] : memref<16384x56x128xf32, #tpu.memory_space<hbm>> -> memref<1x56x64xf32, #tpu.memory_space<hbm>>
      %dma_wait3A_1377 = tpu.memref_squeeze %dma_wait3A_1376 : memref<1x56x64xf32, #tpu.memory_space<hbm>> -> memref<56x64xf32, #tpu.memory_space<hbm>>
      %dma_wait3A_1378 = arith.constant 0 : i32
      %dma_wait3A_1379 = arith.constant 0 : i32
      %dma_wait3A_1380 = tpu.memref_slice %arg6[%dma_wait3A_1362, %dma_wait3A_1378, %dma_wait3A_1379] : memref<4x224x64xf32, #tpu.memory_space<vmem>> -> memref<1x56x64xf32, #tpu.memory_space<vmem>>
      %dma_wait3A_1381 = tpu.memref_squeeze %dma_wait3A_1380 : memref<1x56x64xf32, #tpu.memory_space<vmem>> -> memref<56x64xf32, #tpu.memory_space<vmem>>
      tpu.wait_dma2 semaphore(%dma_wait3A_1373 : memref<!tpu.dma_semaphore, #tpu.memory_space<semaphore_mem>>) src(%dma_wait3A_1381 : memref<56x64xf32, #tpu.memory_space<vmem>>) dst(%dma_wait3A_1377 : memref<56x64xf32, #tpu.memory_space<hbm>>)
      %mul3A_1382 = arith.constant 4 : i32
      %mul3A_1383 = arith.muli %add3A_1356, %mul3A_1382 : i32
      %add3A_1384 = arith.addi %mul3A_2, %mul3A_1383 : i32
      %add3A_1385 = arith.constant 1 : i32
      %add3A_1386 = arith.addi %add3A_1384, %add3A_1385 : i32
      %dma_wait3A_1387 = arith.constant 0 : i32
      %dma_wait3A_1388 = arith.constant 0 : i32
      %dma_wait3A_1389 = arith.constant 56 : i32
      %dma_wait3A_1390 = arith.constant 0 : i32
      %dma_wait3A_1391 = tpu.memref_slice %arg6[%dma_wait3A_1387, %dma_wait3A_1389, %dma_wait3A_1390] : memref<4x224x64xf32, #tpu.memory_space<vmem>> -> memref<1x56x64xf32, #tpu.memory_space<vmem>>
      %dma_wait3A_1392 = tpu.memref_squeeze %dma_wait3A_1391 : memref<1x56x64xf32, #tpu.memory_space<vmem>> -> memref<56x64xf32, #tpu.memory_space<vmem>>
      %dma_wait3A_1393 = arith.constant 0 : i32
      %dma_wait3A_1394 = arith.constant 0 : i32
      %dma_wait3A_1395 = tpu.memref_slice %arg4[%add3A_1386, %dma_wait3A_1393, %dma_wait3A_1394] : memref<16384x56x128xf32, #tpu.memory_space<hbm>> -> memref<1x56x64xf32, #tpu.memory_space<hbm>>
      %dma_wait3A_1396 = tpu.memref_squeeze %dma_wait3A_1395 : memref<1x56x64xf32, #tpu.memory_space<hbm>> -> memref<56x64xf32, #tpu.memory_space<hbm>>
      %dma_wait3A_1397 = tpu.memref_slice %arg8[%dma_wait3A_1388] : memref<4x!tpu.dma_semaphore, #tpu.memory_space<semaphore_mem>> -> memref<1x!tpu.dma_semaphore, #tpu.memory_space<semaphore_mem>>
      %dma_wait3A_1398 = tpu.memref_squeeze %dma_wait3A_1397 : memref<1x!tpu.dma_semaphore, #tpu.memory_space<semaphore_mem>> -> memref<!tpu.dma_semaphore, #tpu.memory_space<semaphore_mem>>
      %dma_wait3A_1399 = arith.constant 0 : i32
      %dma_wait3A_1400 = arith.constant 0 : i32
      %dma_wait3A_1401 = tpu.memref_slice %arg4[%add3A_1386, %dma_wait3A_1399, %dma_wait3A_1400] : memref<16384x56x128xf32, #tpu.memory_space<hbm>> -> memref<1x56x64xf32, #tpu.memory_space<hbm>>
      %dma_wait3A_1402 = tpu.memref_squeeze %dma_wait3A_1401 : memref<1x56x64xf32, #tpu.memory_space<hbm>> -> memref<56x64xf32, #tpu.memory_space<hbm>>
      %dma_wait3A_1403 = arith.constant 56 : i32
      %dma_wait3A_1404 = arith.constant 0 : i32
      %dma_wait3A_1405 = tpu.memref_slice %arg6[%dma_wait3A_1387, %dma_wait3A_1403, %dma_wait3A_1404] : memref<4x224x64xf32, #tpu.memory_space<vmem>> -> memref<1x56x64xf32, #tpu.memory_space<vmem>>
      %dma_wait3A_1406 = tpu.memref_squeeze %dma_wait3A_1405 : memref<1x56x64xf32, #tpu.memory_space<vmem>> -> memref<56x64xf32, #tpu.memory_space<vmem>>
      tpu.wait_dma2 semaphore(%dma_wait3A_1398 : memref<!tpu.dma_semaphore, #tpu.memory_space<semaphore_mem>>) src(%dma_wait3A_1406 : memref<56x64xf32, #tpu.memory_space<vmem>>) dst(%dma_wait3A_1402 : memref<56x64xf32, #tpu.memory_space<hbm>>)
      %mul3A_1407 = arith.constant 4 : i32
      %mul3A_1408 = arith.muli %add3A_1356, %mul3A_1407 : i32
      %add3A_1409 = arith.addi %mul3A_2, %mul3A_1408 : i32
      %add3A_1410 = arith.constant 2 : i32
      %add3A_1411 = arith.addi %add3A_1409, %add3A_1410 : i32
      %dma_wait3A_1412 = arith.constant 0 : i32
      %dma_wait3A_1413 = arith.constant 0 : i32
      %dma_wait3A_1414 = arith.constant 112 : i32
      %dma_wait3A_1415 = arith.constant 0 : i32
      %dma_wait3A_1416 = tpu.memref_slice %arg6[%dma_wait3A_1412, %dma_wait3A_1414, %dma_wait3A_1415] : memref<4x224x64xf32, #tpu.memory_space<vmem>> -> memref<1x56x64xf32, #tpu.memory_space<vmem>>
      %dma_wait3A_1417 = tpu.memref_squeeze %dma_wait3A_1416 : memref<1x56x64xf32, #tpu.memory_space<vmem>> -> memref<56x64xf32, #tpu.memory_space<vmem>>
      %dma_wait3A_1418 = arith.constant 0 : i32
      %dma_wait3A_1419 = arith.constant 0 : i32
      %dma_wait3A_1420 = tpu.memref_slice %arg4[%add3A_1411, %dma_wait3A_1418, %dma_wait3A_1419] : memref<16384x56x128xf32, #tpu.memory_space<hbm>> -> memref<1x56x64xf32, #tpu.memory_space<hbm>>
      %dma_wait3A_1421 = tpu.memref_squeeze %dma_wait3A_1420 : memref<1x56x64xf32, #tpu.memory_space<hbm>> -> memref<56x64xf32, #tpu.memory_space<hbm>>
      %dma_wait3A_1422 = tpu.memref_slice %arg8[%dma_wait3A_1413] : memref<4x!tpu.dma_semaphore, #tpu.memory_space<semaphore_mem>> -> memref<1x!tpu.dma_semaphore, #tpu.memory_space<semaphore_mem>>
      %dma_wait3A_1423 = tpu.memref_squeeze %dma_wait3A_1422 : memref<1x!tpu.dma_semaphore, #tpu.memory_space<semaphore_mem>> -> memref<!tpu.dma_semaphore, #tpu.memory_space<semaphore_mem>>
      %dma_wait3A_1424 = arith.constant 0 : i32
      %dma_wait3A_1425 = arith.constant 0 : i32
      %dma_wait3A_1426 = tpu.memref_slice %arg4[%add3A_1411, %dma_wait3A_1424, %dma_wait3A_1425] : memref<16384x56x128xf32, #tpu.memory_space<hbm>> -> memref<1x56x64xf32, #tpu.memory_space<hbm>>
      %dma_wait3A_1427 = tpu.memref_squeeze %dma_wait3A_1426 : memref<1x56x64xf32, #tpu.memory_space<hbm>> -> memref<56x64xf32, #tpu.memory_space<hbm>>
      %dma_wait3A_1428 = arith.constant 112 : i32
      %dma_wait3A_1429 = arith.constant 0 : i32
      %dma_wait3A_1430 = tpu.memref_slice %arg6[%dma_wait3A_1412, %dma_wait3A_1428, %dma_wait3A_1429] : memref<4x224x64xf32, #tpu.memory_space<vmem>> -> memref<1x56x64xf32, #tpu.memory_space<vmem>>
      %dma_wait3A_1431 = tpu.memref_squeeze %dma_wait3A_1430 : memref<1x56x64xf32, #tpu.memory_space<vmem>> -> memref<56x64xf32, #tpu.memory_space<vmem>>
      tpu.wait_dma2 semaphore(%dma_wait3A_1423 : memref<!tpu.dma_semaphore, #tpu.memory_space<semaphore_mem>>) src(%dma_wait3A_1431 : memref<56x64xf32, #tpu.memory_space<vmem>>) dst(%dma_wait3A_1427 : memref<56x64xf32, #tpu.memory_space<hbm>>)
      %mul3A_1432 = arith.constant 4 : i32
      %mul3A_1433 = arith.muli %add3A_1356, %mul3A_1432 : i32
      %add3A_1434 = arith.addi %mul3A_2, %mul3A_1433 : i32
      %add3A_1435 = arith.constant 3 : i32
      %add3A_1436 = arith.addi %add3A_1434, %add3A_1435 : i32
      %dma_wait3A_1437 = arith.constant 0 : i32
      %dma_wait3A_1438 = arith.constant 0 : i32
      %dma_wait3A_1439 = arith.constant 168 : i32
      %dma_wait3A_1440 = arith.constant 0 : i32
      %dma_wait3A_1441 = tpu.memref_slice %arg6[%dma_wait3A_1437, %dma_wait3A_1439, %dma_wait3A_1440] : memref<4x224x64xf32, #tpu.memory_space<vmem>> -> memref<1x56x64xf32, #tpu.memory_space<vmem>>
      %dma_wait3A_1442 = tpu.memref_squeeze %dma_wait3A_1441 : memref<1x56x64xf32, #tpu.memory_space<vmem>> -> memref<56x64xf32, #tpu.memory_space<vmem>>
      %dma_wait3A_1443 = arith.constant 0 : i32
      %dma_wait3A_1444 = arith.constant 0 : i32
      %dma_wait3A_1445 = tpu.memref_slice %arg4[%add3A_1436, %dma_wait3A_1443, %dma_wait3A_1444] : memref<16384x56x128xf32, #tpu.memory_space<hbm>> -> memref<1x56x64xf32, #tpu.memory_space<hbm>>
      %dma_wait3A_1446 = tpu.memref_squeeze %dma_wait3A_1445 : memref<1x56x64xf32, #tpu.memory_space<hbm>> -> memref<56x64xf32, #tpu.memory_space<hbm>>
      %dma_wait3A_1447 = tpu.memref_slice %arg8[%dma_wait3A_1438] : memref<4x!tpu.dma_semaphore, #tpu.memory_space<semaphore_mem>> -> memref<1x!tpu.dma_semaphore, #tpu.memory_space<semaphore_mem>>
      %dma_wait3A_1448 = tpu.memref_squeeze %dma_wait3A_1447 : memref<1x!tpu.dma_semaphore, #tpu.memory_space<semaphore_mem>> -> memref<!tpu.dma_semaphore, #tpu.memory_space<semaphore_mem>>
      %dma_wait3A_1449 = arith.constant 0 : i32
      %dma_wait3A_1450 = arith.constant 0 : i32
      %dma_wait3A_1451 = tpu.memref_slice %arg4[%add3A_1436, %dma_wait3A_1449, %dma_wait3A_1450] : memref<16384x56x128xf32, #tpu.memory_space<hbm>> -> memref<1x56x64xf32, #tpu.memory_space<hbm>>
      %dma_wait3A_1452 = tpu.memref_squeeze %dma_wait3A_1451 : memref<1x56x64xf32, #tpu.memory_space<hbm>> -> memref<56x64xf32, #tpu.memory_space<hbm>>
      %dma_wait3A_1453 = arith.constant 168 : i32
      %dma_wait3A_1454 = arith.constant 0 : i32
      %dma_wait3A_1455 = tpu.memref_slice %arg6[%dma_wait3A_1437, %dma_wait3A_1453, %dma_wait3A_1454] : memref<4x224x64xf32, #tpu.memory_space<vmem>> -> memref<1x56x64xf32, #tpu.memory_space<vmem>>
      %dma_wait3A_1456 = tpu.memref_squeeze %dma_wait3A_1455 : memref<1x56x64xf32, #tpu.memory_space<vmem>> -> memref<56x64xf32, #tpu.memory_space<vmem>>
      tpu.wait_dma2 semaphore(%dma_wait3A_1448 : memref<!tpu.dma_semaphore, #tpu.memory_space<semaphore_mem>>) src(%dma_wait3A_1456 : memref<56x64xf32, #tpu.memory_space<vmem>>) dst(%dma_wait3A_1452 : memref<56x64xf32, #tpu.memory_space<hbm>>)
      %add3A_1457 = arith.constant 4 : i32
      %add3A_1458 = arith.addi %mul3A_882, %add3A_1457 : i32
      %add3A_1459 = arith.constant 0 : i32
      %add3A_1460 = arith.addi %add3A_1458, %add3A_1459 : i32
      %mul3A_1461 = arith.constant 224 : i32
      %mul3A_1462 = arith.muli %add3A_1460, %mul3A_1461 : i32
      %dma_start3A_1463 = arith.constant 0 : i32
      %dma_start3A_1464 = arith.constant 0 : i32
      %dma_start3A_1465 = arith.constant 0 : i32
      %dma_start3A_1466 = arith.constant 0 : i32
      %dma_start3A_1467 = tpu.memref_slice %arg6[%dma_start3A_1463, %dma_start3A_1465, %dma_start3A_1466] : memref<4x224x64xf32, #tpu.memory_space<vmem>> -> memref<1x224x64xf32, #tpu.memory_space<vmem>>
      %dma_start3A_1468 = tpu.memref_squeeze %dma_start3A_1467 : memref<1x224x64xf32, #tpu.memory_space<vmem>> -> memref<224x64xf32, #tpu.memory_space<vmem>>
      %dma_start3A_1469 = tpu.memref_slice %arg5[%mul3A_1462] : memref<28672xi32, #tpu.memory_space<vmem>> -> memref<224xi32, #tpu.memory_space<vmem>>
      %dma_start3A_1470 = arith.constant 0 : i32
      %dma_start3A_1471 = arith.constant 0 : i32
      %dma_start3A_1472 = tpu.memref_slice %arg3[%dma_start3A_1470, %dma_start3A_1471] : memref<1000000x64xf32, #tpu.memory_space<hbm>> -> memref<1000000x64xf32, #tpu.memory_space<hbm>>
      %dma_start3A_1473 = tpu.memref_slice %arg7[%dma_start3A_1464] : memref<4x!tpu.dma_semaphore, #tpu.memory_space<semaphore_mem>> -> memref<1x!tpu.dma_semaphore, #tpu.memory_space<semaphore_mem>>
      %dma_start3A_1474 = tpu.memref_squeeze %dma_start3A_1473 : memref<1x!tpu.dma_semaphore, #tpu.memory_space<semaphore_mem>> -> memref<!tpu.dma_semaphore, #tpu.memory_space<semaphore_mem>>
      tpu.enqueue_indirect_dma source(%dma_start3A_1472 : memref<1000000x64xf32, #tpu.memory_space<hbm>>) target(%dma_start3A_1468 : memref<224x64xf32, #tpu.memory_space<vmem>>) offsets(%dma_start3A_1469 : memref<224xi32, #tpu.memory_space<vmem>>) semaphore(%dma_start3A_1474 : memref<!tpu.dma_semaphore, #tpu.memory_space<semaphore_mem>>)
      %add3A_1475 = arith.constant 1 : i32
      %add3A_1476 = arith.addi %mul3A_882, %add3A_1475 : i32
      %mul3A_1477 = arith.constant 4 : i32
      %mul3A_1478 = arith.muli %add3A_1476, %mul3A_1477 : i32
      %add3A_1479 = arith.addi %mul3A_2, %mul3A_1478 : i32
      %add3A_1480 = arith.constant 0 : i32
      %add3A_1481 = arith.addi %add3A_1479, %add3A_1480 : i32
      %dma_wait3A_1482 = arith.constant 1 : i32
      %dma_wait3A_1483 = arith.constant 1 : i32
      %dma_wait3A_1484 = arith.constant 0 : i32
      %dma_wait3A_1485 = arith.constant 0 : i32
      %dma_wait3A_1486 = tpu.memref_slice %arg6[%dma_wait3A_1482, %dma_wait3A_1484, %dma_wait3A_1485] : memref<4x224x64xf32, #tpu.memory_space<vmem>> -> memref<1x56x64xf32, #tpu.memory_space<vmem>>
      %dma_wait3A_1487 = tpu.memref_squeeze %dma_wait3A_1486 : memref<1x56x64xf32, #tpu.memory_space<vmem>> -> memref<56x64xf32, #tpu.memory_space<vmem>>
      %dma_wait3A_1488 = arith.constant 0 : i32
      %dma_wait3A_1489 = arith.constant 0 : i32
      %dma_wait3A_1490 = tpu.memref_slice %arg4[%add3A_1481, %dma_wait3A_1488, %dma_wait3A_1489] : memref<16384x56x128xf32, #tpu.memory_space<hbm>> -> memref<1x56x64xf32, #tpu.memory_space<hbm>>
      %dma_wait3A_1491 = tpu.memref_squeeze %dma_wait3A_1490 : memref<1x56x64xf32, #tpu.memory_space<hbm>> -> memref<56x64xf32, #tpu.memory_space<hbm>>
      %dma_wait3A_1492 = tpu.memref_slice %arg8[%dma_wait3A_1483] : memref<4x!tpu.dma_semaphore, #tpu.memory_space<semaphore_mem>> -> memref<1x!tpu.dma_semaphore, #tpu.memory_space<semaphore_mem>>
      %dma_wait3A_1493 = tpu.memref_squeeze %dma_wait3A_1492 : memref<1x!tpu.dma_semaphore, #tpu.memory_space<semaphore_mem>> -> memref<!tpu.dma_semaphore, #tpu.memory_space<semaphore_mem>>
      %dma_wait3A_1494 = arith.constant 0 : i32
      %dma_wait3A_1495 = arith.constant 0 : i32
      %dma_wait3A_1496 = tpu.memref_slice %arg4[%add3A_1481, %dma_wait3A_1494, %dma_wait3A_1495] : memref<16384x56x128xf32, #tpu.memory_space<hbm>> -> memref<1x56x64xf32, #tpu.memory_space<hbm>>
      %dma_wait3A_1497 = tpu.memref_squeeze %dma_wait3A_1496 : memref<1x56x64xf32, #tpu.memory_space<hbm>> -> memref<56x64xf32, #tpu.memory_space<hbm>>
      %dma_wait3A_1498 = arith.constant 0 : i32
      %dma_wait3A_1499 = arith.constant 0 : i32
      %dma_wait3A_1500 = tpu.memref_slice %arg6[%dma_wait3A_1482, %dma_wait3A_1498, %dma_wait3A_1499] : memref<4x224x64xf32, #tpu.memory_space<vmem>> -> memref<1x56x64xf32, #tpu.memory_space<vmem>>
      %dma_wait3A_1501 = tpu.memref_squeeze %dma_wait3A_1500 : memref<1x56x64xf32, #tpu.memory_space<vmem>> -> memref<56x64xf32, #tpu.memory_space<vmem>>
      tpu.wait_dma2 semaphore(%dma_wait3A_1493 : memref<!tpu.dma_semaphore, #tpu.memory_space<semaphore_mem>>) src(%dma_wait3A_1501 : memref<56x64xf32, #tpu.memory_space<vmem>>) dst(%dma_wait3A_1497 : memref<56x64xf32, #tpu.memory_space<hbm>>)
      %mul3A_1502 = arith.constant 4 : i32
      %mul3A_1503 = arith.muli %add3A_1476, %mul3A_1502 : i32
      %add3A_1504 = arith.addi %mul3A_2, %mul3A_1503 : i32
      %add3A_1505 = arith.constant 1 : i32
      %add3A_1506 = arith.addi %add3A_1504, %add3A_1505 : i32
      %dma_wait3A_1507 = arith.constant 1 : i32
      %dma_wait3A_1508 = arith.constant 1 : i32
      %dma_wait3A_1509 = arith.constant 56 : i32
      %dma_wait3A_1510 = arith.constant 0 : i32
      %dma_wait3A_1511 = tpu.memref_slice %arg6[%dma_wait3A_1507, %dma_wait3A_1509, %dma_wait3A_1510] : memref<4x224x64xf32, #tpu.memory_space<vmem>> -> memref<1x56x64xf32, #tpu.memory_space<vmem>>
      %dma_wait3A_1512 = tpu.memref_squeeze %dma_wait3A_1511 : memref<1x56x64xf32, #tpu.memory_space<vmem>> -> memref<56x64xf32, #tpu.memory_space<vmem>>
      %dma_wait3A_1513 = arith.constant 0 : i32
      %dma_wait3A_1514 = arith.constant 0 : i32
      %dma_wait3A_1515 = tpu.memref_slice %arg4[%add3A_1506, %dma_wait3A_1513, %dma_wait3A_1514] : memref<16384x56x128xf32, #tpu.memory_space<hbm>> -> memref<1x56x64xf32, #tpu.memory_space<hbm>>
      %dma_wait3A_1516 = tpu.memref_squeeze %dma_wait3A_1515 : memref<1x56x64xf32, #tpu.memory_space<hbm>> -> memref<56x64xf32, #tpu.memory_space<hbm>>
      %dma_wait3A_1517 = tpu.memref_slice %arg8[%dma_wait3A_1508] : memref<4x!tpu.dma_semaphore, #tpu.memory_space<semaphore_mem>> -> memref<1x!tpu.dma_semaphore, #tpu.memory_space<semaphore_mem>>
      %dma_wait3A_1518 = tpu.memref_squeeze %dma_wait3A_1517 : memref<1x!tpu.dma_semaphore, #tpu.memory_space<semaphore_mem>> -> memref<!tpu.dma_semaphore, #tpu.memory_space<semaphore_mem>>
      %dma_wait3A_1519 = arith.constant 0 : i32
      %dma_wait3A_1520 = arith.constant 0 : i32
      %dma_wait3A_1521 = tpu.memref_slice %arg4[%add3A_1506, %dma_wait3A_1519, %dma_wait3A_1520] : memref<16384x56x128xf32, #tpu.memory_space<hbm>> -> memref<1x56x64xf32, #tpu.memory_space<hbm>>
      %dma_wait3A_1522 = tpu.memref_squeeze %dma_wait3A_1521 : memref<1x56x64xf32, #tpu.memory_space<hbm>> -> memref<56x64xf32, #tpu.memory_space<hbm>>
      %dma_wait3A_1523 = arith.constant 56 : i32
      %dma_wait3A_1524 = arith.constant 0 : i32
      %dma_wait3A_1525 = tpu.memref_slice %arg6[%dma_wait3A_1507, %dma_wait3A_1523, %dma_wait3A_1524] : memref<4x224x64xf32, #tpu.memory_space<vmem>> -> memref<1x56x64xf32, #tpu.memory_space<vmem>>
      %dma_wait3A_1526 = tpu.memref_squeeze %dma_wait3A_1525 : memref<1x56x64xf32, #tpu.memory_space<vmem>> -> memref<56x64xf32, #tpu.memory_space<vmem>>
      tpu.wait_dma2 semaphore(%dma_wait3A_1518 : memref<!tpu.dma_semaphore, #tpu.memory_space<semaphore_mem>>) src(%dma_wait3A_1526 : memref<56x64xf32, #tpu.memory_space<vmem>>) dst(%dma_wait3A_1522 : memref<56x64xf32, #tpu.memory_space<hbm>>)
      %mul3A_1527 = arith.constant 4 : i32
      %mul3A_1528 = arith.muli %add3A_1476, %mul3A_1527 : i32
      %add3A_1529 = arith.addi %mul3A_2, %mul3A_1528 : i32
      %add3A_1530 = arith.constant 2 : i32
      %add3A_1531 = arith.addi %add3A_1529, %add3A_1530 : i32
      %dma_wait3A_1532 = arith.constant 1 : i32
      %dma_wait3A_1533 = arith.constant 1 : i32
      %dma_wait3A_1534 = arith.constant 112 : i32
      %dma_wait3A_1535 = arith.constant 0 : i32
      %dma_wait3A_1536 = tpu.memref_slice %arg6[%dma_wait3A_1532, %dma_wait3A_1534, %dma_wait3A_1535] : memref<4x224x64xf32, #tpu.memory_space<vmem>> -> memref<1x56x64xf32, #tpu.memory_space<vmem>>
      %dma_wait3A_1537 = tpu.memref_squeeze %dma_wait3A_1536 : memref<1x56x64xf32, #tpu.memory_space<vmem>> -> memref<56x64xf32, #tpu.memory_space<vmem>>
      %dma_wait3A_1538 = arith.constant 0 : i32
      %dma_wait3A_1539 = arith.constant 0 : i32
      %dma_wait3A_1540 = tpu.memref_slice %arg4[%add3A_1531, %dma_wait3A_1538, %dma_wait3A_1539] : memref<16384x56x128xf32, #tpu.memory_space<hbm>> -> memref<1x56x64xf32, #tpu.memory_space<hbm>>
      %dma_wait3A_1541 = tpu.memref_squeeze %dma_wait3A_1540 : memref<1x56x64xf32, #tpu.memory_space<hbm>> -> memref<56x64xf32, #tpu.memory_space<hbm>>
      %dma_wait3A_1542 = tpu.memref_slice %arg8[%dma_wait3A_1533] : memref<4x!tpu.dma_semaphore, #tpu.memory_space<semaphore_mem>> -> memref<1x!tpu.dma_semaphore, #tpu.memory_space<semaphore_mem>>
      %dma_wait3A_1543 = tpu.memref_squeeze %dma_wait3A_1542 : memref<1x!tpu.dma_semaphore, #tpu.memory_space<semaphore_mem>> -> memref<!tpu.dma_semaphore, #tpu.memory_space<semaphore_mem>>
      %dma_wait3A_1544 = arith.constant 0 : i32
      %dma_wait3A_1545 = arith.constant 0 : i32
      %dma_wait3A_1546 = tpu.memref_slice %arg4[%add3A_1531, %dma_wait3A_1544, %dma_wait3A_1545] : memref<16384x56x128xf32, #tpu.memory_space<hbm>> -> memref<1x56x64xf32, #tpu.memory_space<hbm>>
      %dma_wait3A_1547 = tpu.memref_squeeze %dma_wait3A_1546 : memref<1x56x64xf32, #tpu.memory_space<hbm>> -> memref<56x64xf32, #tpu.memory_space<hbm>>
      %dma_wait3A_1548 = arith.constant 112 : i32
      %dma_wait3A_1549 = arith.constant 0 : i32
      %dma_wait3A_1550 = tpu.memref_slice %arg6[%dma_wait3A_1532, %dma_wait3A_1548, %dma_wait3A_1549] : memref<4x224x64xf32, #tpu.memory_space<vmem>> -> memref<1x56x64xf32, #tpu.memory_space<vmem>>
      %dma_wait3A_1551 = tpu.memref_squeeze %dma_wait3A_1550 : memref<1x56x64xf32, #tpu.memory_space<vmem>> -> memref<56x64xf32, #tpu.memory_space<vmem>>
      tpu.wait_dma2 semaphore(%dma_wait3A_1543 : memref<!tpu.dma_semaphore, #tpu.memory_space<semaphore_mem>>) src(%dma_wait3A_1551 : memref<56x64xf32, #tpu.memory_space<vmem>>) dst(%dma_wait3A_1547 : memref<56x64xf32, #tpu.memory_space<hbm>>)
      %mul3A_1552 = arith.constant 4 : i32
      %mul3A_1553 = arith.muli %add3A_1476, %mul3A_1552 : i32
      %add3A_1554 = arith.addi %mul3A_2, %mul3A_1553 : i32
      %add3A_1555 = arith.constant 3 : i32
      %add3A_1556 = arith.addi %add3A_1554, %add3A_1555 : i32
      %dma_wait3A_1557 = arith.constant 1 : i32
      %dma_wait3A_1558 = arith.constant 1 : i32
      %dma_wait3A_1559 = arith.constant 168 : i32
      %dma_wait3A_1560 = arith.constant 0 : i32
      %dma_wait3A_1561 = tpu.memref_slice %arg6[%dma_wait3A_1557, %dma_wait3A_1559, %dma_wait3A_1560] : memref<4x224x64xf32, #tpu.memory_space<vmem>> -> memref<1x56x64xf32, #tpu.memory_space<vmem>>
      %dma_wait3A_1562 = tpu.memref_squeeze %dma_wait3A_1561 : memref<1x56x64xf32, #tpu.memory_space<vmem>> -> memref<56x64xf32, #tpu.memory_space<vmem>>
      %dma_wait3A_1563 = arith.constant 0 : i32
      %dma_wait3A_1564 = arith.constant 0 : i32
      %dma_wait3A_1565 = tpu.memref_slice %arg4[%add3A_1556, %dma_wait3A_1563, %dma_wait3A_1564] : memref<16384x56x128xf32, #tpu.memory_space<hbm>> -> memref<1x56x64xf32, #tpu.memory_space<hbm>>
      %dma_wait3A_1566 = tpu.memref_squeeze %dma_wait3A_1565 : memref<1x56x64xf32, #tpu.memory_space<hbm>> -> memref<56x64xf32, #tpu.memory_space<hbm>>
      %dma_wait3A_1567 = tpu.memref_slice %arg8[%dma_wait3A_1558] : memref<4x!tpu.dma_semaphore, #tpu.memory_space<semaphore_mem>> -> memref<1x!tpu.dma_semaphore, #tpu.memory_space<semaphore_mem>>
      %dma_wait3A_1568 = tpu.memref_squeeze %dma_wait3A_1567 : memref<1x!tpu.dma_semaphore, #tpu.memory_space<semaphore_mem>> -> memref<!tpu.dma_semaphore, #tpu.memory_space<semaphore_mem>>
      %dma_wait3A_1569 = arith.constant 0 : i32
      %dma_wait3A_1570 = arith.constant 0 : i32
      %dma_wait3A_1571 = tpu.memref_slice %arg4[%add3A_1556, %dma_wait3A_1569, %dma_wait3A_1570] : memref<16384x56x128xf32, #tpu.memory_space<hbm>> -> memref<1x56x64xf32, #tpu.memory_space<hbm>>
      %dma_wait3A_1572 = tpu.memref_squeeze %dma_wait3A_1571 : memref<1x56x64xf32, #tpu.memory_space<hbm>> -> memref<56x64xf32, #tpu.memory_space<hbm>>
      %dma_wait3A_1573 = arith.constant 168 : i32
      %dma_wait3A_1574 = arith.constant 0 : i32
      %dma_wait3A_1575 = tpu.memref_slice %arg6[%dma_wait3A_1557, %dma_wait3A_1573, %dma_wait3A_1574] : memref<4x224x64xf32, #tpu.memory_space<vmem>> -> memref<1x56x64xf32, #tpu.memory_space<vmem>>
      %dma_wait3A_1576 = tpu.memref_squeeze %dma_wait3A_1575 : memref<1x56x64xf32, #tpu.memory_space<vmem>> -> memref<56x64xf32, #tpu.memory_space<vmem>>
      tpu.wait_dma2 semaphore(%dma_wait3A_1568 : memref<!tpu.dma_semaphore, #tpu.memory_space<semaphore_mem>>) src(%dma_wait3A_1576 : memref<56x64xf32, #tpu.memory_space<vmem>>) dst(%dma_wait3A_1572 : memref<56x64xf32, #tpu.memory_space<hbm>>)
      %add3A_1577 = arith.constant 4 : i32
      %add3A_1578 = arith.addi %mul3A_882, %add3A_1577 : i32
      %add3A_1579 = arith.constant 1 : i32
      %add3A_1580 = arith.addi %add3A_1578, %add3A_1579 : i32
      %mul3A_1581 = arith.constant 224 : i32
      %mul3A_1582 = arith.muli %add3A_1580, %mul3A_1581 : i32
      %dma_start3A_1583 = arith.constant 1 : i32
      %dma_start3A_1584 = arith.constant 1 : i32
      %dma_start3A_1585 = arith.constant 0 : i32
      %dma_start3A_1586 = arith.constant 0 : i32
      %dma_start3A_1587 = tpu.memref_slice %arg6[%dma_start3A_1583, %dma_start3A_1585, %dma_start3A_1586] : memref<4x224x64xf32, #tpu.memory_space<vmem>> -> memref<1x224x64xf32, #tpu.memory_space<vmem>>
      %dma_start3A_1588 = tpu.memref_squeeze %dma_start3A_1587 : memref<1x224x64xf32, #tpu.memory_space<vmem>> -> memref<224x64xf32, #tpu.memory_space<vmem>>
      %dma_start3A_1589 = tpu.memref_slice %arg5[%mul3A_1582] : memref<28672xi32, #tpu.memory_space<vmem>> -> memref<224xi32, #tpu.memory_space<vmem>>
      %dma_start3A_1590 = arith.constant 0 : i32
      %dma_start3A_1591 = arith.constant 0 : i32
      %dma_start3A_1592 = tpu.memref_slice %arg3[%dma_start3A_1590, %dma_start3A_1591] : memref<1000000x64xf32, #tpu.memory_space<hbm>> -> memref<1000000x64xf32, #tpu.memory_space<hbm>>
      %dma_start3A_1593 = tpu.memref_slice %arg7[%dma_start3A_1584] : memref<4x!tpu.dma_semaphore, #tpu.memory_space<semaphore_mem>> -> memref<1x!tpu.dma_semaphore, #tpu.memory_space<semaphore_mem>>
      %dma_start3A_1594 = tpu.memref_squeeze %dma_start3A_1593 : memref<1x!tpu.dma_semaphore, #tpu.memory_space<semaphore_mem>> -> memref<!tpu.dma_semaphore, #tpu.memory_space<semaphore_mem>>
      tpu.enqueue_indirect_dma source(%dma_start3A_1592 : memref<1000000x64xf32, #tpu.memory_space<hbm>>) target(%dma_start3A_1588 : memref<224x64xf32, #tpu.memory_space<vmem>>) offsets(%dma_start3A_1589 : memref<224xi32, #tpu.memory_space<vmem>>) semaphore(%dma_start3A_1594 : memref<!tpu.dma_semaphore, #tpu.memory_space<semaphore_mem>>)
      %add3A_1595 = arith.constant 2 : i32
      %add3A_1596 = arith.addi %mul3A_882, %add3A_1595 : i32
      %mul3A_1597 = arith.constant 4 : i32
      %mul3A_1598 = arith.muli %add3A_1596, %mul3A_1597 : i32
      %add3A_1599 = arith.addi %mul3A_2, %mul3A_1598 : i32
      %add3A_1600 = arith.constant 0 : i32
      %add3A_1601 = arith.addi %add3A_1599, %add3A_1600 : i32
      %dma_wait3A_1602 = arith.constant 2 : i32
      %dma_wait3A_1603 = arith.constant 2 : i32
      %dma_wait3A_1604 = arith.constant 0 : i32
      %dma_wait3A_1605 = arith.constant 0 : i32
      %dma_wait3A_1606 = tpu.memref_slice %arg6[%dma_wait3A_1602, %dma_wait3A_1604, %dma_wait3A_1605] : memref<4x224x64xf32, #tpu.memory_space<vmem>> -> memref<1x56x64xf32, #tpu.memory_space<vmem>>
      %dma_wait3A_1607 = tpu.memref_squeeze %dma_wait3A_1606 : memref<1x56x64xf32, #tpu.memory_space<vmem>> -> memref<56x64xf32, #tpu.memory_space<vmem>>
      %dma_wait3A_1608 = arith.constant 0 : i32
      %dma_wait3A_1609 = arith.constant 0 : i32
      %dma_wait3A_1610 = tpu.memref_slice %arg4[%add3A_1601, %dma_wait3A_1608, %dma_wait3A_1609] : memref<16384x56x128xf32, #tpu.memory_space<hbm>> -> memref<1x56x64xf32, #tpu.memory_space<hbm>>
      %dma_wait3A_1611 = tpu.memref_squeeze %dma_wait3A_1610 : memref<1x56x64xf32, #tpu.memory_space<hbm>> -> memref<56x64xf32, #tpu.memory_space<hbm>>
      %dma_wait3A_1612 = tpu.memref_slice %arg8[%dma_wait3A_1603] : memref<4x!tpu.dma_semaphore, #tpu.memory_space<semaphore_mem>> -> memref<1x!tpu.dma_semaphore, #tpu.memory_space<semaphore_mem>>
      %dma_wait3A_1613 = tpu.memref_squeeze %dma_wait3A_1612 : memref<1x!tpu.dma_semaphore, #tpu.memory_space<semaphore_mem>> -> memref<!tpu.dma_semaphore, #tpu.memory_space<semaphore_mem>>
      %dma_wait3A_1614 = arith.constant 0 : i32
      %dma_wait3A_1615 = arith.constant 0 : i32
      %dma_wait3A_1616 = tpu.memref_slice %arg4[%add3A_1601, %dma_wait3A_1614, %dma_wait3A_1615] : memref<16384x56x128xf32, #tpu.memory_space<hbm>> -> memref<1x56x64xf32, #tpu.memory_space<hbm>>
      %dma_wait3A_1617 = tpu.memref_squeeze %dma_wait3A_1616 : memref<1x56x64xf32, #tpu.memory_space<hbm>> -> memref<56x64xf32, #tpu.memory_space<hbm>>
      %dma_wait3A_1618 = arith.constant 0 : i32
      %dma_wait3A_1619 = arith.constant 0 : i32
      %dma_wait3A_1620 = tpu.memref_slice %arg6[%dma_wait3A_1602, %dma_wait3A_1618, %dma_wait3A_1619] : memref<4x224x64xf32, #tpu.memory_space<vmem>> -> memref<1x56x64xf32, #tpu.memory_space<vmem>>
      %dma_wait3A_1621 = tpu.memref_squeeze %dma_wait3A_1620 : memref<1x56x64xf32, #tpu.memory_space<vmem>> -> memref<56x64xf32, #tpu.memory_space<vmem>>
      tpu.wait_dma2 semaphore(%dma_wait3A_1613 : memref<!tpu.dma_semaphore, #tpu.memory_space<semaphore_mem>>) src(%dma_wait3A_1621 : memref<56x64xf32, #tpu.memory_space<vmem>>) dst(%dma_wait3A_1617 : memref<56x64xf32, #tpu.memory_space<hbm>>)
      %mul3A_1622 = arith.constant 4 : i32
      %mul3A_1623 = arith.muli %add3A_1596, %mul3A_1622 : i32
      %add3A_1624 = arith.addi %mul3A_2, %mul3A_1623 : i32
      %add3A_1625 = arith.constant 1 : i32
      %add3A_1626 = arith.addi %add3A_1624, %add3A_1625 : i32
      %dma_wait3A_1627 = arith.constant 2 : i32
      %dma_wait3A_1628 = arith.constant 2 : i32
      %dma_wait3A_1629 = arith.constant 56 : i32
      %dma_wait3A_1630 = arith.constant 0 : i32
      %dma_wait3A_1631 = tpu.memref_slice %arg6[%dma_wait3A_1627, %dma_wait3A_1629, %dma_wait3A_1630] : memref<4x224x64xf32, #tpu.memory_space<vmem>> -> memref<1x56x64xf32, #tpu.memory_space<vmem>>
      %dma_wait3A_1632 = tpu.memref_squeeze %dma_wait3A_1631 : memref<1x56x64xf32, #tpu.memory_space<vmem>> -> memref<56x64xf32, #tpu.memory_space<vmem>>
      %dma_wait3A_1633 = arith.constant 0 : i32
      %dma_wait3A_1634 = arith.constant 0 : i32
      %dma_wait3A_1635 = tpu.memref_slice %arg4[%add3A_1626, %dma_wait3A_1633, %dma_wait3A_1634] : memref<16384x56x128xf32, #tpu.memory_space<hbm>> -> memref<1x56x64xf32, #tpu.memory_space<hbm>>
      %dma_wait3A_1636 = tpu.memref_squeeze %dma_wait3A_1635 : memref<1x56x64xf32, #tpu.memory_space<hbm>> -> memref<56x64xf32, #tpu.memory_space<hbm>>
      %dma_wait3A_1637 = tpu.memref_slice %arg8[%dma_wait3A_1628] : memref<4x!tpu.dma_semaphore, #tpu.memory_space<semaphore_mem>> -> memref<1x!tpu.dma_semaphore, #tpu.memory_space<semaphore_mem>>
      %dma_wait3A_1638 = tpu.memref_squeeze %dma_wait3A_1637 : memref<1x!tpu.dma_semaphore, #tpu.memory_space<semaphore_mem>> -> memref<!tpu.dma_semaphore, #tpu.memory_space<semaphore_mem>>
      %dma_wait3A_1639 = arith.constant 0 : i32
      %dma_wait3A_1640 = arith.constant 0 : i32
      %dma_wait3A_1641 = tpu.memref_slice %arg4[%add3A_1626, %dma_wait3A_1639, %dma_wait3A_1640] : memref<16384x56x128xf32, #tpu.memory_space<hbm>> -> memref<1x56x64xf32, #tpu.memory_space<hbm>>
      %dma_wait3A_1642 = tpu.memref_squeeze %dma_wait3A_1641 : memref<1x56x64xf32, #tpu.memory_space<hbm>> -> memref<56x64xf32, #tpu.memory_space<hbm>>
      %dma_wait3A_1643 = arith.constant 56 : i32
      %dma_wait3A_1644 = arith.constant 0 : i32
      %dma_wait3A_1645 = tpu.memref_slice %arg6[%dma_wait3A_1627, %dma_wait3A_1643, %dma_wait3A_1644] : memref<4x224x64xf32, #tpu.memory_space<vmem>> -> memref<1x56x64xf32, #tpu.memory_space<vmem>>
      %dma_wait3A_1646 = tpu.memref_squeeze %dma_wait3A_1645 : memref<1x56x64xf32, #tpu.memory_space<vmem>> -> memref<56x64xf32, #tpu.memory_space<vmem>>
      tpu.wait_dma2 semaphore(%dma_wait3A_1638 : memref<!tpu.dma_semaphore, #tpu.memory_space<semaphore_mem>>) src(%dma_wait3A_1646 : memref<56x64xf32, #tpu.memory_space<vmem>>) dst(%dma_wait3A_1642 : memref<56x64xf32, #tpu.memory_space<hbm>>)
      %mul3A_1647 = arith.constant 4 : i32
      %mul3A_1648 = arith.muli %add3A_1596, %mul3A_1647 : i32
      %add3A_1649 = arith.addi %mul3A_2, %mul3A_1648 : i32
      %add3A_1650 = arith.constant 2 : i32
      %add3A_1651 = arith.addi %add3A_1649, %add3A_1650 : i32
      %dma_wait3A_1652 = arith.constant 2 : i32
      %dma_wait3A_1653 = arith.constant 2 : i32
      %dma_wait3A_1654 = arith.constant 112 : i32
      %dma_wait3A_1655 = arith.constant 0 : i32
      %dma_wait3A_1656 = tpu.memref_slice %arg6[%dma_wait3A_1652, %dma_wait3A_1654, %dma_wait3A_1655] : memref<4x224x64xf32, #tpu.memory_space<vmem>> -> memref<1x56x64xf32, #tpu.memory_space<vmem>>
      %dma_wait3A_1657 = tpu.memref_squeeze %dma_wait3A_1656 : memref<1x56x64xf32, #tpu.memory_space<vmem>> -> memref<56x64xf32, #tpu.memory_space<vmem>>
      %dma_wait3A_1658 = arith.constant 0 : i32
      %dma_wait3A_1659 = arith.constant 0 : i32
      %dma_wait3A_1660 = tpu.memref_slice %arg4[%add3A_1651, %dma_wait3A_1658, %dma_wait3A_1659] : memref<16384x56x128xf32, #tpu.memory_space<hbm>> -> memref<1x56x64xf32, #tpu.memory_space<hbm>>
      %dma_wait3A_1661 = tpu.memref_squeeze %dma_wait3A_1660 : memref<1x56x64xf32, #tpu.memory_space<hbm>> -> memref<56x64xf32, #tpu.memory_space<hbm>>
      %dma_wait3A_1662 = tpu.memref_slice %arg8[%dma_wait3A_1653] : memref<4x!tpu.dma_semaphore, #tpu.memory_space<semaphore_mem>> -> memref<1x!tpu.dma_semaphore, #tpu.memory_space<semaphore_mem>>
      %dma_wait3A_1663 = tpu.memref_squeeze %dma_wait3A_1662 : memref<1x!tpu.dma_semaphore, #tpu.memory_space<semaphore_mem>> -> memref<!tpu.dma_semaphore, #tpu.memory_space<semaphore_mem>>
      %dma_wait3A_1664 = arith.constant 0 : i32
      %dma_wait3A_1665 = arith.constant 0 : i32
      %dma_wait3A_1666 = tpu.memref_slice %arg4[%add3A_1651, %dma_wait3A_1664, %dma_wait3A_1665] : memref<16384x56x128xf32, #tpu.memory_space<hbm>> -> memref<1x56x64xf32, #tpu.memory_space<hbm>>
      %dma_wait3A_1667 = tpu.memref_squeeze %dma_wait3A_1666 : memref<1x56x64xf32, #tpu.memory_space<hbm>> -> memref<56x64xf32, #tpu.memory_space<hbm>>
      %dma_wait3A_1668 = arith.constant 112 : i32
      %dma_wait3A_1669 = arith.constant 0 : i32
      %dma_wait3A_1670 = tpu.memref_slice %arg6[%dma_wait3A_1652, %dma_wait3A_1668, %dma_wait3A_1669] : memref<4x224x64xf32, #tpu.memory_space<vmem>> -> memref<1x56x64xf32, #tpu.memory_space<vmem>>
      %dma_wait3A_1671 = tpu.memref_squeeze %dma_wait3A_1670 : memref<1x56x64xf32, #tpu.memory_space<vmem>> -> memref<56x64xf32, #tpu.memory_space<vmem>>
      tpu.wait_dma2 semaphore(%dma_wait3A_1663 : memref<!tpu.dma_semaphore, #tpu.memory_space<semaphore_mem>>) src(%dma_wait3A_1671 : memref<56x64xf32, #tpu.memory_space<vmem>>) dst(%dma_wait3A_1667 : memref<56x64xf32, #tpu.memory_space<hbm>>)
      %mul3A_1672 = arith.constant 4 : i32
      %mul3A_1673 = arith.muli %add3A_1596, %mul3A_1672 : i32
      %add3A_1674 = arith.addi %mul3A_2, %mul3A_1673 : i32
      %add3A_1675 = arith.constant 3 : i32
      %add3A_1676 = arith.addi %add3A_1674, %add3A_1675 : i32
      %dma_wait3A_1677 = arith.constant 2 : i32
      %dma_wait3A_1678 = arith.constant 2 : i32
      %dma_wait3A_1679 = arith.constant 168 : i32
      %dma_wait3A_1680 = arith.constant 0 : i32
      %dma_wait3A_1681 = tpu.memref_slice %arg6[%dma_wait3A_1677, %dma_wait3A_1679, %dma_wait3A_1680] : memref<4x224x64xf32, #tpu.memory_space<vmem>> -> memref<1x56x64xf32, #tpu.memory_space<vmem>>
      %dma_wait3A_1682 = tpu.memref_squeeze %dma_wait3A_1681 : memref<1x56x64xf32, #tpu.memory_space<vmem>> -> memref<56x64xf32, #tpu.memory_space<vmem>>
      %dma_wait3A_1683 = arith.constant 0 : i32
      %dma_wait3A_1684 = arith.constant 0 : i32
      %dma_wait3A_1685 = tpu.memref_slice %arg4[%add3A_1676, %dma_wait3A_1683, %dma_wait3A_1684] : memref<16384x56x128xf32, #tpu.memory_space<hbm>> -> memref<1x56x64xf32, #tpu.memory_space<hbm>>
      %dma_wait3A_1686 = tpu.memref_squeeze %dma_wait3A_1685 : memref<1x56x64xf32, #tpu.memory_space<hbm>> -> memref<56x64xf32, #tpu.memory_space<hbm>>
      %dma_wait3A_1687 = tpu.memref_slice %arg8[%dma_wait3A_1678] : memref<4x!tpu.dma_semaphore, #tpu.memory_space<semaphore_mem>> -> memref<1x!tpu.dma_semaphore, #tpu.memory_space<semaphore_mem>>
      %dma_wait3A_1688 = tpu.memref_squeeze %dma_wait3A_1687 : memref<1x!tpu.dma_semaphore, #tpu.memory_space<semaphore_mem>> -> memref<!tpu.dma_semaphore, #tpu.memory_space<semaphore_mem>>
      %dma_wait3A_1689 = arith.constant 0 : i32
      %dma_wait3A_1690 = arith.constant 0 : i32
      %dma_wait3A_1691 = tpu.memref_slice %arg4[%add3A_1676, %dma_wait3A_1689, %dma_wait3A_1690] : memref<16384x56x128xf32, #tpu.memory_space<hbm>> -> memref<1x56x64xf32, #tpu.memory_space<hbm>>
      %dma_wait3A_1692 = tpu.memref_squeeze %dma_wait3A_1691 : memref<1x56x64xf32, #tpu.memory_space<hbm>> -> memref<56x64xf32, #tpu.memory_space<hbm>>
      %dma_wait3A_1693 = arith.constant 168 : i32
      %dma_wait3A_1694 = arith.constant 0 : i32
      %dma_wait3A_1695 = tpu.memref_slice %arg6[%dma_wait3A_1677, %dma_wait3A_1693, %dma_wait3A_1694] : memref<4x224x64xf32, #tpu.memory_space<vmem>> -> memref<1x56x64xf32, #tpu.memory_space<vmem>>
      %dma_wait3A_1696 = tpu.memref_squeeze %dma_wait3A_1695 : memref<1x56x64xf32, #tpu.memory_space<vmem>> -> memref<56x64xf32, #tpu.memory_space<vmem>>
      tpu.wait_dma2 semaphore(%dma_wait3A_1688 : memref<!tpu.dma_semaphore, #tpu.memory_space<semaphore_mem>>) src(%dma_wait3A_1696 : memref<56x64xf32, #tpu.memory_space<vmem>>) dst(%dma_wait3A_1692 : memref<56x64xf32, #tpu.memory_space<hbm>>)
      %add3A_1697 = arith.constant 4 : i32
      %add3A_1698 = arith.addi %mul3A_882, %add3A_1697 : i32
      %add3A_1699 = arith.constant 2 : i32
      %add3A_1700 = arith.addi %add3A_1698, %add3A_1699 : i32
      %mul3A_1701 = arith.constant 224 : i32
      %mul3A_1702 = arith.muli %add3A_1700, %mul3A_1701 : i32
      %dma_start3A_1703 = arith.constant 2 : i32
      %dma_start3A_1704 = arith.constant 2 : i32
      %dma_start3A_1705 = arith.constant 0 : i32
      %dma_start3A_1706 = arith.constant 0 : i32
      %dma_start3A_1707 = tpu.memref_slice %arg6[%dma_start3A_1703, %dma_start3A_1705, %dma_start3A_1706] : memref<4x224x64xf32, #tpu.memory_space<vmem>> -> memref<1x224x64xf32, #tpu.memory_space<vmem>>
      %dma_start3A_1708 = tpu.memref_squeeze %dma_start3A_1707 : memref<1x224x64xf32, #tpu.memory_space<vmem>> -> memref<224x64xf32, #tpu.memory_space<vmem>>
      %dma_start3A_1709 = tpu.memref_slice %arg5[%mul3A_1702] : memref<28672xi32, #tpu.memory_space<vmem>> -> memref<224xi32, #tpu.memory_space<vmem>>
      %dma_start3A_1710 = arith.constant 0 : i32
      %dma_start3A_1711 = arith.constant 0 : i32
      %dma_start3A_1712 = tpu.memref_slice %arg3[%dma_start3A_1710, %dma_start3A_1711] : memref<1000000x64xf32, #tpu.memory_space<hbm>> -> memref<1000000x64xf32, #tpu.memory_space<hbm>>
      %dma_start3A_1713 = tpu.memref_slice %arg7[%dma_start3A_1704] : memref<4x!tpu.dma_semaphore, #tpu.memory_space<semaphore_mem>> -> memref<1x!tpu.dma_semaphore, #tpu.memory_space<semaphore_mem>>
      %dma_start3A_1714 = tpu.memref_squeeze %dma_start3A_1713 : memref<1x!tpu.dma_semaphore, #tpu.memory_space<semaphore_mem>> -> memref<!tpu.dma_semaphore, #tpu.memory_space<semaphore_mem>>
      tpu.enqueue_indirect_dma source(%dma_start3A_1712 : memref<1000000x64xf32, #tpu.memory_space<hbm>>) target(%dma_start3A_1708 : memref<224x64xf32, #tpu.memory_space<vmem>>) offsets(%dma_start3A_1709 : memref<224xi32, #tpu.memory_space<vmem>>) semaphore(%dma_start3A_1714 : memref<!tpu.dma_semaphore, #tpu.memory_space<semaphore_mem>>)
      %add3A_1715 = arith.constant 3 : i32
      %add3A_1716 = arith.addi %mul3A_882, %add3A_1715 : i32
      %mul3A_1717 = arith.constant 4 : i32
      %mul3A_1718 = arith.muli %add3A_1716, %mul3A_1717 : i32
      %add3A_1719 = arith.addi %mul3A_2, %mul3A_1718 : i32
      %add3A_1720 = arith.constant 0 : i32
      %add3A_1721 = arith.addi %add3A_1719, %add3A_1720 : i32
      %dma_wait3A_1722 = arith.constant 3 : i32
      %dma_wait3A_1723 = arith.constant 3 : i32
      %dma_wait3A_1724 = arith.constant 0 : i32
      %dma_wait3A_1725 = arith.constant 0 : i32
      %dma_wait3A_1726 = tpu.memref_slice %arg6[%dma_wait3A_1722, %dma_wait3A_1724, %dma_wait3A_1725] : memref<4x224x64xf32, #tpu.memory_space<vmem>> -> memref<1x56x64xf32, #tpu.memory_space<vmem>>
      %dma_wait3A_1727 = tpu.memref_squeeze %dma_wait3A_1726 : memref<1x56x64xf32, #tpu.memory_space<vmem>> -> memref<56x64xf32, #tpu.memory_space<vmem>>
      %dma_wait3A_1728 = arith.constant 0 : i32
      %dma_wait3A_1729 = arith.constant 0 : i32
      %dma_wait3A_1730 = tpu.memref_slice %arg4[%add3A_1721, %dma_wait3A_1728, %dma_wait3A_1729] : memref<16384x56x128xf32, #tpu.memory_space<hbm>> -> memref<1x56x64xf32, #tpu.memory_space<hbm>>
      %dma_wait3A_1731 = tpu.memref_squeeze %dma_wait3A_1730 : memref<1x56x64xf32, #tpu.memory_space<hbm>> -> memref<56x64xf32, #tpu.memory_space<hbm>>
      %dma_wait3A_1732 = tpu.memref_slice %arg8[%dma_wait3A_1723] : memref<4x!tpu.dma_semaphore, #tpu.memory_space<semaphore_mem>> -> memref<1x!tpu.dma_semaphore, #tpu.memory_space<semaphore_mem>>
      %dma_wait3A_1733 = tpu.memref_squeeze %dma_wait3A_1732 : memref<1x!tpu.dma_semaphore, #tpu.memory_space<semaphore_mem>> -> memref<!tpu.dma_semaphore, #tpu.memory_space<semaphore_mem>>
      %dma_wait3A_1734 = arith.constant 0 : i32
      %dma_wait3A_1735 = arith.constant 0 : i32
      %dma_wait3A_1736 = tpu.memref_slice %arg4[%add3A_1721, %dma_wait3A_1734, %dma_wait3A_1735] : memref<16384x56x128xf32, #tpu.memory_space<hbm>> -> memref<1x56x64xf32, #tpu.memory_space<hbm>>
      %dma_wait3A_1737 = tpu.memref_squeeze %dma_wait3A_1736 : memref<1x56x64xf32, #tpu.memory_space<hbm>> -> memref<56x64xf32, #tpu.memory_space<hbm>>
      %dma_wait3A_1738 = arith.constant 0 : i32
      %dma_wait3A_1739 = arith.constant 0 : i32
      %dma_wait3A_1740 = tpu.memref_slice %arg6[%dma_wait3A_1722, %dma_wait3A_1738, %dma_wait3A_1739] : memref<4x224x64xf32, #tpu.memory_space<vmem>> -> memref<1x56x64xf32, #tpu.memory_space<vmem>>
      %dma_wait3A_1741 = tpu.memref_squeeze %dma_wait3A_1740 : memref<1x56x64xf32, #tpu.memory_space<vmem>> -> memref<56x64xf32, #tpu.memory_space<vmem>>
      tpu.wait_dma2 semaphore(%dma_wait3A_1733 : memref<!tpu.dma_semaphore, #tpu.memory_space<semaphore_mem>>) src(%dma_wait3A_1741 : memref<56x64xf32, #tpu.memory_space<vmem>>) dst(%dma_wait3A_1737 : memref<56x64xf32, #tpu.memory_space<hbm>>)
      %mul3A_1742 = arith.constant 4 : i32
      %mul3A_1743 = arith.muli %add3A_1716, %mul3A_1742 : i32
      %add3A_1744 = arith.addi %mul3A_2, %mul3A_1743 : i32
      %add3A_1745 = arith.constant 1 : i32
      %add3A_1746 = arith.addi %add3A_1744, %add3A_1745 : i32
      %dma_wait3A_1747 = arith.constant 3 : i32
      %dma_wait3A_1748 = arith.constant 3 : i32
      %dma_wait3A_1749 = arith.constant 56 : i32
      %dma_wait3A_1750 = arith.constant 0 : i32
      %dma_wait3A_1751 = tpu.memref_slice %arg6[%dma_wait3A_1747, %dma_wait3A_1749, %dma_wait3A_1750] : memref<4x224x64xf32, #tpu.memory_space<vmem>> -> memref<1x56x64xf32, #tpu.memory_space<vmem>>
      %dma_wait3A_1752 = tpu.memref_squeeze %dma_wait3A_1751 : memref<1x56x64xf32, #tpu.memory_space<vmem>> -> memref<56x64xf32, #tpu.memory_space<vmem>>
      %dma_wait3A_1753 = arith.constant 0 : i32
      %dma_wait3A_1754 = arith.constant 0 : i32
      %dma_wait3A_1755 = tpu.memref_slice %arg4[%add3A_1746, %dma_wait3A_1753, %dma_wait3A_1754] : memref<16384x56x128xf32, #tpu.memory_space<hbm>> -> memref<1x56x64xf32, #tpu.memory_space<hbm>>
      %dma_wait3A_1756 = tpu.memref_squeeze %dma_wait3A_1755 : memref<1x56x64xf32, #tpu.memory_space<hbm>> -> memref<56x64xf32, #tpu.memory_space<hbm>>
      %dma_wait3A_1757 = tpu.memref_slice %arg8[%dma_wait3A_1748] : memref<4x!tpu.dma_semaphore, #tpu.memory_space<semaphore_mem>> -> memref<1x!tpu.dma_semaphore, #tpu.memory_space<semaphore_mem>>
      %dma_wait3A_1758 = tpu.memref_squeeze %dma_wait3A_1757 : memref<1x!tpu.dma_semaphore, #tpu.memory_space<semaphore_mem>> -> memref<!tpu.dma_semaphore, #tpu.memory_space<semaphore_mem>>
      %dma_wait3A_1759 = arith.constant 0 : i32
      %dma_wait3A_1760 = arith.constant 0 : i32
      %dma_wait3A_1761 = tpu.memref_slice %arg4[%add3A_1746, %dma_wait3A_1759, %dma_wait3A_1760] : memref<16384x56x128xf32, #tpu.memory_space<hbm>> -> memref<1x56x64xf32, #tpu.memory_space<hbm>>
      %dma_wait3A_1762 = tpu.memref_squeeze %dma_wait3A_1761 : memref<1x56x64xf32, #tpu.memory_space<hbm>> -> memref<56x64xf32, #tpu.memory_space<hbm>>
      %dma_wait3A_1763 = arith.constant 56 : i32
      %dma_wait3A_1764 = arith.constant 0 : i32
      %dma_wait3A_1765 = tpu.memref_slice %arg6[%dma_wait3A_1747, %dma_wait3A_1763, %dma_wait3A_1764] : memref<4x224x64xf32, #tpu.memory_space<vmem>> -> memref<1x56x64xf32, #tpu.memory_space<vmem>>
      %dma_wait3A_1766 = tpu.memref_squeeze %dma_wait3A_1765 : memref<1x56x64xf32, #tpu.memory_space<vmem>> -> memref<56x64xf32, #tpu.memory_space<vmem>>
      tpu.wait_dma2 semaphore(%dma_wait3A_1758 : memref<!tpu.dma_semaphore, #tpu.memory_space<semaphore_mem>>) src(%dma_wait3A_1766 : memref<56x64xf32, #tpu.memory_space<vmem>>) dst(%dma_wait3A_1762 : memref<56x64xf32, #tpu.memory_space<hbm>>)
      %mul3A_1767 = arith.constant 4 : i32
      %mul3A_1768 = arith.muli %add3A_1716, %mul3A_1767 : i32
      %add3A_1769 = arith.addi %mul3A_2, %mul3A_1768 : i32
      %add3A_1770 = arith.constant 2 : i32
      %add3A_1771 = arith.addi %add3A_1769, %add3A_1770 : i32
      %dma_wait3A_1772 = arith.constant 3 : i32
      %dma_wait3A_1773 = arith.constant 3 : i32
      %dma_wait3A_1774 = arith.constant 112 : i32
      %dma_wait3A_1775 = arith.constant 0 : i32
      %dma_wait3A_1776 = tpu.memref_slice %arg6[%dma_wait3A_1772, %dma_wait3A_1774, %dma_wait3A_1775] : memref<4x224x64xf32, #tpu.memory_space<vmem>> -> memref<1x56x64xf32, #tpu.memory_space<vmem>>
      %dma_wait3A_1777 = tpu.memref_squeeze %dma_wait3A_1776 : memref<1x56x64xf32, #tpu.memory_space<vmem>> -> memref<56x64xf32, #tpu.memory_space<vmem>>
      %dma_wait3A_1778 = arith.constant 0 : i32
      %dma_wait3A_1779 = arith.constant 0 : i32
      %dma_wait3A_1780 = tpu.memref_slice %arg4[%add3A_1771, %dma_wait3A_1778, %dma_wait3A_1779] : memref<16384x56x128xf32, #tpu.memory_space<hbm>> -> memref<1x56x64xf32, #tpu.memory_space<hbm>>
      %dma_wait3A_1781 = tpu.memref_squeeze %dma_wait3A_1780 : memref<1x56x64xf32, #tpu.memory_space<hbm>> -> memref<56x64xf32, #tpu.memory_space<hbm>>
      %dma_wait3A_1782 = tpu.memref_slice %arg8[%dma_wait3A_1773] : memref<4x!tpu.dma_semaphore, #tpu.memory_space<semaphore_mem>> -> memref<1x!tpu.dma_semaphore, #tpu.memory_space<semaphore_mem>>
      %dma_wait3A_1783 = tpu.memref_squeeze %dma_wait3A_1782 : memref<1x!tpu.dma_semaphore, #tpu.memory_space<semaphore_mem>> -> memref<!tpu.dma_semaphore, #tpu.memory_space<semaphore_mem>>
      %dma_wait3A_1784 = arith.constant 0 : i32
      %dma_wait3A_1785 = arith.constant 0 : i32
      %dma_wait3A_1786 = tpu.memref_slice %arg4[%add3A_1771, %dma_wait3A_1784, %dma_wait3A_1785] : memref<16384x56x128xf32, #tpu.memory_space<hbm>> -> memref<1x56x64xf32, #tpu.memory_space<hbm>>
      %dma_wait3A_1787 = tpu.memref_squeeze %dma_wait3A_1786 : memref<1x56x64xf32, #tpu.memory_space<hbm>> -> memref<56x64xf32, #tpu.memory_space<hbm>>
      %dma_wait3A_1788 = arith.constant 112 : i32
      %dma_wait3A_1789 = arith.constant 0 : i32
      %dma_wait3A_1790 = tpu.memref_slice %arg6[%dma_wait3A_1772, %dma_wait3A_1788, %dma_wait3A_1789] : memref<4x224x64xf32, #tpu.memory_space<vmem>> -> memref<1x56x64xf32, #tpu.memory_space<vmem>>
      %dma_wait3A_1791 = tpu.memref_squeeze %dma_wait3A_1790 : memref<1x56x64xf32, #tpu.memory_space<vmem>> -> memref<56x64xf32, #tpu.memory_space<vmem>>
      tpu.wait_dma2 semaphore(%dma_wait3A_1783 : memref<!tpu.dma_semaphore, #tpu.memory_space<semaphore_mem>>) src(%dma_wait3A_1791 : memref<56x64xf32, #tpu.memory_space<vmem>>) dst(%dma_wait3A_1787 : memref<56x64xf32, #tpu.memory_space<hbm>>)
      %mul3A_1792 = arith.constant 4 : i32
      %mul3A_1793 = arith.muli %add3A_1716, %mul3A_1792 : i32
      %add3A_1794 = arith.addi %mul3A_2, %mul3A_1793 : i32
      %add3A_1795 = arith.constant 3 : i32
      %add3A_1796 = arith.addi %add3A_1794, %add3A_1795 : i32
      %dma_wait3A_1797 = arith.constant 3 : i32
      %dma_wait3A_1798 = arith.constant 3 : i32
      %dma_wait3A_1799 = arith.constant 168 : i32
      %dma_wait3A_1800 = arith.constant 0 : i32
      %dma_wait3A_1801 = tpu.memref_slice %arg6[%dma_wait3A_1797, %dma_wait3A_1799, %dma_wait3A_1800] : memref<4x224x64xf32, #tpu.memory_space<vmem>> -> memref<1x56x64xf32, #tpu.memory_space<vmem>>
      %dma_wait3A_1802 = tpu.memref_squeeze %dma_wait3A_1801 : memref<1x56x64xf32, #tpu.memory_space<vmem>> -> memref<56x64xf32, #tpu.memory_space<vmem>>
      %dma_wait3A_1803 = arith.constant 0 : i32
      %dma_wait3A_1804 = arith.constant 0 : i32
      %dma_wait3A_1805 = tpu.memref_slice %arg4[%add3A_1796, %dma_wait3A_1803, %dma_wait3A_1804] : memref<16384x56x128xf32, #tpu.memory_space<hbm>> -> memref<1x56x64xf32, #tpu.memory_space<hbm>>
      %dma_wait3A_1806 = tpu.memref_squeeze %dma_wait3A_1805 : memref<1x56x64xf32, #tpu.memory_space<hbm>> -> memref<56x64xf32, #tpu.memory_space<hbm>>
      %dma_wait3A_1807 = tpu.memref_slice %arg8[%dma_wait3A_1798] : memref<4x!tpu.dma_semaphore, #tpu.memory_space<semaphore_mem>> -> memref<1x!tpu.dma_semaphore, #tpu.memory_space<semaphore_mem>>
      %dma_wait3A_1808 = tpu.memref_squeeze %dma_wait3A_1807 : memref<1x!tpu.dma_semaphore, #tpu.memory_space<semaphore_mem>> -> memref<!tpu.dma_semaphore, #tpu.memory_space<semaphore_mem>>
      %dma_wait3A_1809 = arith.constant 0 : i32
      %dma_wait3A_1810 = arith.constant 0 : i32
      %dma_wait3A_1811 = tpu.memref_slice %arg4[%add3A_1796, %dma_wait3A_1809, %dma_wait3A_1810] : memref<16384x56x128xf32, #tpu.memory_space<hbm>> -> memref<1x56x64xf32, #tpu.memory_space<hbm>>
      %dma_wait3A_1812 = tpu.memref_squeeze %dma_wait3A_1811 : memref<1x56x64xf32, #tpu.memory_space<hbm>> -> memref<56x64xf32, #tpu.memory_space<hbm>>
      %dma_wait3A_1813 = arith.constant 168 : i32
      %dma_wait3A_1814 = arith.constant 0 : i32
      %dma_wait3A_1815 = tpu.memref_slice %arg6[%dma_wait3A_1797, %dma_wait3A_1813, %dma_wait3A_1814] : memref<4x224x64xf32, #tpu.memory_space<vmem>> -> memref<1x56x64xf32, #tpu.memory_space<vmem>>
      %dma_wait3A_1816 = tpu.memref_squeeze %dma_wait3A_1815 : memref<1x56x64xf32, #tpu.memory_space<vmem>> -> memref<56x64xf32, #tpu.memory_space<vmem>>
      tpu.wait_dma2 semaphore(%dma_wait3A_1808 : memref<!tpu.dma_semaphore, #tpu.memory_space<semaphore_mem>>) src(%dma_wait3A_1816 : memref<56x64xf32, #tpu.memory_space<vmem>>) dst(%dma_wait3A_1812 : memref<56x64xf32, #tpu.memory_space<hbm>>)
      %add3A_1817 = arith.constant 4 : i32
      %add3A_1818 = arith.addi %mul3A_882, %add3A_1817 : i32
      %add3A_1819 = arith.constant 3 : i32
      %add3A_1820 = arith.addi %add3A_1818, %add3A_1819 : i32
      %mul3A_1821 = arith.constant 224 : i32
      %mul3A_1822 = arith.muli %add3A_1820, %mul3A_1821 : i32
      %dma_start3A_1823 = arith.constant 3 : i32
      %dma_start3A_1824 = arith.constant 3 : i32
      %dma_start3A_1825 = arith.constant 0 : i32
      %dma_start3A_1826 = arith.constant 0 : i32
      %dma_start3A_1827 = tpu.memref_slice %arg6[%dma_start3A_1823, %dma_start3A_1825, %dma_start3A_1826] : memref<4x224x64xf32, #tpu.memory_space<vmem>> -> memref<1x224x64xf32, #tpu.memory_space<vmem>>
      %dma_start3A_1828 = tpu.memref_squeeze %dma_start3A_1827 : memref<1x224x64xf32, #tpu.memory_space<vmem>> -> memref<224x64xf32, #tpu.memory_space<vmem>>
      %dma_start3A_1829 = tpu.memref_slice %arg5[%mul3A_1822] : memref<28672xi32, #tpu.memory_space<vmem>> -> memref<224xi32, #tpu.memory_space<vmem>>
      %dma_start3A_1830 = arith.constant 0 : i32
      %dma_start3A_1831 = arith.constant 0 : i32
      %dma_start3A_1832 = tpu.memref_slice %arg3[%dma_start3A_1830, %dma_start3A_1831] : memref<1000000x64xf32, #tpu.memory_space<hbm>> -> memref<1000000x64xf32, #tpu.memory_space<hbm>>
      %dma_start3A_1833 = tpu.memref_slice %arg7[%dma_start3A_1824] : memref<4x!tpu.dma_semaphore, #tpu.memory_space<semaphore_mem>> -> memref<1x!tpu.dma_semaphore, #tpu.memory_space<semaphore_mem>>
      %dma_start3A_1834 = tpu.memref_squeeze %dma_start3A_1833 : memref<1x!tpu.dma_semaphore, #tpu.memory_space<semaphore_mem>> -> memref<!tpu.dma_semaphore, #tpu.memory_space<semaphore_mem>>
      tpu.enqueue_indirect_dma source(%dma_start3A_1832 : memref<1000000x64xf32, #tpu.memory_space<hbm>>) target(%dma_start3A_1828 : memref<224x64xf32, #tpu.memory_space<vmem>>) offsets(%dma_start3A_1829 : memref<224xi32, #tpu.memory_space<vmem>>) semaphore(%dma_start3A_1834 : memref<!tpu.dma_semaphore, #tpu.memory_space<semaphore_mem>>)
    }
    %scan3A_60 = arith.constant 31 : i32
    %dma_wait3A = arith.constant 0 : i32
    %dma_wait3A_61 = arith.constant 0 : i32
    %dma_wait3A_62 = arith.constant 0 : i32
    %dma_wait3A_63 = arith.constant 0 : i32
    %dma_wait3A_64 = tpu.memref_slice %arg6[%dma_wait3A, %dma_wait3A_62, %dma_wait3A_63] : memref<4x224x64xf32, #tpu.memory_space<vmem>> -> memref<1x224x64xf32, #tpu.memory_space<vmem>>
    %dma_wait3A_65 = tpu.memref_squeeze %dma_wait3A_64 : memref<1x224x64xf32, #tpu.memory_space<vmem>> -> memref<224x64xf32, #tpu.memory_space<vmem>>
    %dma_wait3A_66 = arith.constant 27776 : i32
    %dma_wait3A_67 = tpu.memref_slice %arg5[%dma_wait3A_66] : memref<28672xi32, #tpu.memory_space<vmem>> -> memref<224xi32, #tpu.memory_space<vmem>>
    %dma_wait3A_68 = arith.constant 0 : i32
    %dma_wait3A_69 = arith.constant 0 : i32
    %dma_wait3A_70 = tpu.memref_slice %arg3[%dma_wait3A_68, %dma_wait3A_69] : memref<1000000x64xf32, #tpu.memory_space<hbm>> -> memref<1000000x64xf32, #tpu.memory_space<hbm>>
    %dma_wait3A_71 = tpu.memref_slice %arg7[%dma_wait3A_61] : memref<4x!tpu.dma_semaphore, #tpu.memory_space<semaphore_mem>> -> memref<1x!tpu.dma_semaphore, #tpu.memory_space<semaphore_mem>>
    %dma_wait3A_72 = tpu.memref_squeeze %dma_wait3A_71 : memref<1x!tpu.dma_semaphore, #tpu.memory_space<semaphore_mem>> -> memref<!tpu.dma_semaphore, #tpu.memory_space<semaphore_mem>>
    tpu.wait_indirect_dma semaphore(%dma_wait3A_72 : memref<!tpu.dma_semaphore, #tpu.memory_space<semaphore_mem>>) src(%dma_wait3A_70 : memref<1000000x64xf32, #tpu.memory_space<hbm>>) dst(%dma_wait3A_65 : memref<224x64xf32, #tpu.memory_space<vmem>>)
    %add3A_73 = arith.constant 496 : i32
    %add3A_74 = arith.addi %mul3A_2, %add3A_73 : i32
    %add3A_75 = arith.constant 0 : i32
    %add3A_76 = arith.addi %add3A_74, %add3A_75 : i32
    %dma_start3A_77 = arith.constant 0 : i32
    %dma_start3A_78 = arith.constant 0 : i32
    %dma_start3A_79 = arith.constant 0 : i32
    %dma_start3A_80 = arith.constant 0 : i32
    %dma_start3A_81 = tpu.memref_slice %arg6[%dma_start3A_77, %dma_start3A_79, %dma_start3A_80] : memref<4x224x64xf32, #tpu.memory_space<vmem>> -> memref<1x56x64xf32, #tpu.memory_space<vmem>>
    %dma_start3A_82 = tpu.memref_squeeze %dma_start3A_81 : memref<1x56x64xf32, #tpu.memory_space<vmem>> -> memref<56x64xf32, #tpu.memory_space<vmem>>
    %dma_start3A_83 = arith.constant 0 : i32
    %dma_start3A_84 = arith.constant 0 : i32
    %dma_start3A_85 = tpu.memref_slice %arg4[%add3A_76, %dma_start3A_83, %dma_start3A_84] : memref<16384x56x128xf32, #tpu.memory_space<hbm>> -> memref<1x56x64xf32, #tpu.memory_space<hbm>>
    %dma_start3A_86 = tpu.memref_squeeze %dma_start3A_85 : memref<1x56x64xf32, #tpu.memory_space<hbm>> -> memref<56x64xf32, #tpu.memory_space<hbm>>
    %dma_start3A_87 = tpu.memref_slice %arg8[%dma_start3A_78] : memref<4x!tpu.dma_semaphore, #tpu.memory_space<semaphore_mem>> -> memref<1x!tpu.dma_semaphore, #tpu.memory_space<semaphore_mem>>
    %dma_start3A_88 = tpu.memref_squeeze %dma_start3A_87 : memref<1x!tpu.dma_semaphore, #tpu.memory_space<semaphore_mem>> -> memref<!tpu.dma_semaphore, #tpu.memory_space<semaphore_mem>>
    %dma_start3A_89 = arith.constant 0 : i32
    %dma_start3A_90 = arith.constant 0 : i32
    %dma_start3A_91 = tpu.memref_slice %arg4[%add3A_76, %dma_start3A_89, %dma_start3A_90] : memref<16384x56x128xf32, #tpu.memory_space<hbm>> -> memref<1x56x64xf32, #tpu.memory_space<hbm>>
    %dma_start3A_92 = tpu.memref_squeeze %dma_start3A_91 : memref<1x56x64xf32, #tpu.memory_space<hbm>> -> memref<56x64xf32, #tpu.memory_space<hbm>>
    %dma_start3A_93 = arith.constant 0 : i32
    %dma_start3A_94 = arith.constant 0 : i32
    %dma_start3A_95 = tpu.memref_slice %arg6[%dma_start3A_77, %dma_start3A_93, %dma_start3A_94] : memref<4x224x64xf32, #tpu.memory_space<vmem>> -> memref<1x56x64xf32, #tpu.memory_space<vmem>>
    %dma_start3A_96 = tpu.memref_squeeze %dma_start3A_95 : memref<1x56x64xf32, #tpu.memory_space<vmem>> -> memref<56x64xf32, #tpu.memory_space<vmem>>
    tpu.enqueue_dma source(%dma_start3A_96 : memref<56x64xf32, #tpu.memory_space<vmem>>) target(%dma_start3A_92 : memref<56x64xf32, #tpu.memory_space<hbm>>) target_semaphore(%dma_start3A_88 : memref<!tpu.dma_semaphore, #tpu.memory_space<semaphore_mem>>)
    %add3A_97 = arith.constant 496 : i32
    %add3A_98 = arith.addi %mul3A_2, %add3A_97 : i32
    %add3A_99 = arith.constant 1 : i32
    %add3A_100 = arith.addi %add3A_98, %add3A_99 : i32
    %dma_start3A_101 = arith.constant 0 : i32
    %dma_start3A_102 = arith.constant 0 : i32
    %dma_start3A_103 = arith.constant 56 : i32
    %dma_start3A_104 = arith.constant 0 : i32
    %dma_start3A_105 = tpu.memref_slice %arg6[%dma_start3A_101, %dma_start3A_103, %dma_start3A_104] : memref<4x224x64xf32, #tpu.memory_space<vmem>> -> memref<1x56x64xf32, #tpu.memory_space<vmem>>
    %dma_start3A_106 = tpu.memref_squeeze %dma_start3A_105 : memref<1x56x64xf32, #tpu.memory_space<vmem>> -> memref<56x64xf32, #tpu.memory_space<vmem>>
    %dma_start3A_107 = arith.constant 0 : i32
    %dma_start3A_108 = arith.constant 0 : i32
    %dma_start3A_109 = tpu.memref_slice %arg4[%add3A_100, %dma_start3A_107, %dma_start3A_108] : memref<16384x56x128xf32, #tpu.memory_space<hbm>> -> memref<1x56x64xf32, #tpu.memory_space<hbm>>
    %dma_start3A_110 = tpu.memref_squeeze %dma_start3A_109 : memref<1x56x64xf32, #tpu.memory_space<hbm>> -> memref<56x64xf32, #tpu.memory_space<hbm>>
    %dma_start3A_111 = tpu.memref_slice %arg8[%dma_start3A_102] : memref<4x!tpu.dma_semaphore, #tpu.memory_space<semaphore_mem>> -> memref<1x!tpu.dma_semaphore, #tpu.memory_space<semaphore_mem>>
    %dma_start3A_112 = tpu.memref_squeeze %dma_start3A_111 : memref<1x!tpu.dma_semaphore, #tpu.memory_space<semaphore_mem>> -> memref<!tpu.dma_semaphore, #tpu.memory_space<semaphore_mem>>
    %dma_start3A_113 = arith.constant 0 : i32
    %dma_start3A_114 = arith.constant 0 : i32
    %dma_start3A_115 = tpu.memref_slice %arg4[%add3A_100, %dma_start3A_113, %dma_start3A_114] : memref<16384x56x128xf32, #tpu.memory_space<hbm>> -> memref<1x56x64xf32, #tpu.memory_space<hbm>>
    %dma_start3A_116 = tpu.memref_squeeze %dma_start3A_115 : memref<1x56x64xf32, #tpu.memory_space<hbm>> -> memref<56x64xf32, #tpu.memory_space<hbm>>
    %dma_start3A_117 = arith.constant 56 : i32
    %dma_start3A_118 = arith.constant 0 : i32
    %dma_start3A_119 = tpu.memref_slice %arg6[%dma_start3A_101, %dma_start3A_117, %dma_start3A_118] : memref<4x224x64xf32, #tpu.memory_space<vmem>> -> memref<1x56x64xf32, #tpu.memory_space<vmem>>
    %dma_start3A_120 = tpu.memref_squeeze %dma_start3A_119 : memref<1x56x64xf32, #tpu.memory_space<vmem>> -> memref<56x64xf32, #tpu.memory_space<vmem>>
    tpu.enqueue_dma source(%dma_start3A_120 : memref<56x64xf32, #tpu.memory_space<vmem>>) target(%dma_start3A_116 : memref<56x64xf32, #tpu.memory_space<hbm>>) target_semaphore(%dma_start3A_112 : memref<!tpu.dma_semaphore, #tpu.memory_space<semaphore_mem>>)
    %add3A_121 = arith.constant 496 : i32
    %add3A_122 = arith.addi %mul3A_2, %add3A_121 : i32
    %add3A_123 = arith.constant 2 : i32
    %add3A_124 = arith.addi %add3A_122, %add3A_123 : i32
    %dma_start3A_125 = arith.constant 0 : i32
    %dma_start3A_126 = arith.constant 0 : i32
    %dma_start3A_127 = arith.constant 112 : i32
    %dma_start3A_128 = arith.constant 0 : i32
    %dma_start3A_129 = tpu.memref_slice %arg6[%dma_start3A_125, %dma_start3A_127, %dma_start3A_128] : memref<4x224x64xf32, #tpu.memory_space<vmem>> -> memref<1x56x64xf32, #tpu.memory_space<vmem>>
    %dma_start3A_130 = tpu.memref_squeeze %dma_start3A_129 : memref<1x56x64xf32, #tpu.memory_space<vmem>> -> memref<56x64xf32, #tpu.memory_space<vmem>>
    %dma_start3A_131 = arith.constant 0 : i32
    %dma_start3A_132 = arith.constant 0 : i32
    %dma_start3A_133 = tpu.memref_slice %arg4[%add3A_124, %dma_start3A_131, %dma_start3A_132] : memref<16384x56x128xf32, #tpu.memory_space<hbm>> -> memref<1x56x64xf32, #tpu.memory_space<hbm>>
    %dma_start3A_134 = tpu.memref_squeeze %dma_start3A_133 : memref<1x56x64xf32, #tpu.memory_space<hbm>> -> memref<56x64xf32, #tpu.memory_space<hbm>>
    %dma_start3A_135 = tpu.memref_slice %arg8[%dma_start3A_126] : memref<4x!tpu.dma_semaphore, #tpu.memory_space<semaphore_mem>> -> memref<1x!tpu.dma_semaphore, #tpu.memory_space<semaphore_mem>>
    %dma_start3A_136 = tpu.memref_squeeze %dma_start3A_135 : memref<1x!tpu.dma_semaphore, #tpu.memory_space<semaphore_mem>> -> memref<!tpu.dma_semaphore, #tpu.memory_space<semaphore_mem>>
    %dma_start3A_137 = arith.constant 0 : i32
    %dma_start3A_138 = arith.constant 0 : i32
    %dma_start3A_139 = tpu.memref_slice %arg4[%add3A_124, %dma_start3A_137, %dma_start3A_138] : memref<16384x56x128xf32, #tpu.memory_space<hbm>> -> memref<1x56x64xf32, #tpu.memory_space<hbm>>
    %dma_start3A_140 = tpu.memref_squeeze %dma_start3A_139 : memref<1x56x64xf32, #tpu.memory_space<hbm>> -> memref<56x64xf32, #tpu.memory_space<hbm>>
    %dma_start3A_141 = arith.constant 112 : i32
    %dma_start3A_142 = arith.constant 0 : i32
    %dma_start3A_143 = tpu.memref_slice %arg6[%dma_start3A_125, %dma_start3A_141, %dma_start3A_142] : memref<4x224x64xf32, #tpu.memory_space<vmem>> -> memref<1x56x64xf32, #tpu.memory_space<vmem>>
    %dma_start3A_144 = tpu.memref_squeeze %dma_start3A_143 : memref<1x56x64xf32, #tpu.memory_space<vmem>> -> memref<56x64xf32, #tpu.memory_space<vmem>>
    tpu.enqueue_dma source(%dma_start3A_144 : memref<56x64xf32, #tpu.memory_space<vmem>>) target(%dma_start3A_140 : memref<56x64xf32, #tpu.memory_space<hbm>>) target_semaphore(%dma_start3A_136 : memref<!tpu.dma_semaphore, #tpu.memory_space<semaphore_mem>>)
    %add3A_145 = arith.constant 496 : i32
    %add3A_146 = arith.addi %mul3A_2, %add3A_145 : i32
    %add3A_147 = arith.constant 3 : i32
    %add3A_148 = arith.addi %add3A_146, %add3A_147 : i32
    %dma_start3A_149 = arith.constant 0 : i32
    %dma_start3A_150 = arith.constant 0 : i32
    %dma_start3A_151 = arith.constant 168 : i32
    %dma_start3A_152 = arith.constant 0 : i32
    %dma_start3A_153 = tpu.memref_slice %arg6[%dma_start3A_149, %dma_start3A_151, %dma_start3A_152] : memref<4x224x64xf32, #tpu.memory_space<vmem>> -> memref<1x56x64xf32, #tpu.memory_space<vmem>>
    %dma_start3A_154 = tpu.memref_squeeze %dma_start3A_153 : memref<1x56x64xf32, #tpu.memory_space<vmem>> -> memref<56x64xf32, #tpu.memory_space<vmem>>
    %dma_start3A_155 = arith.constant 0 : i32
    %dma_start3A_156 = arith.constant 0 : i32
    %dma_start3A_157 = tpu.memref_slice %arg4[%add3A_148, %dma_start3A_155, %dma_start3A_156] : memref<16384x56x128xf32, #tpu.memory_space<hbm>> -> memref<1x56x64xf32, #tpu.memory_space<hbm>>
    %dma_start3A_158 = tpu.memref_squeeze %dma_start3A_157 : memref<1x56x64xf32, #tpu.memory_space<hbm>> -> memref<56x64xf32, #tpu.memory_space<hbm>>
    %dma_start3A_159 = tpu.memref_slice %arg8[%dma_start3A_150] : memref<4x!tpu.dma_semaphore, #tpu.memory_space<semaphore_mem>> -> memref<1x!tpu.dma_semaphore, #tpu.memory_space<semaphore_mem>>
    %dma_start3A_160 = tpu.memref_squeeze %dma_start3A_159 : memref<1x!tpu.dma_semaphore, #tpu.memory_space<semaphore_mem>> -> memref<!tpu.dma_semaphore, #tpu.memory_space<semaphore_mem>>
    %dma_start3A_161 = arith.constant 0 : i32
    %dma_start3A_162 = arith.constant 0 : i32
    %dma_start3A_163 = tpu.memref_slice %arg4[%add3A_148, %dma_start3A_161, %dma_start3A_162] : memref<16384x56x128xf32, #tpu.memory_space<hbm>> -> memref<1x56x64xf32, #tpu.memory_space<hbm>>
    %dma_start3A_164 = tpu.memref_squeeze %dma_start3A_163 : memref<1x56x64xf32, #tpu.memory_space<hbm>> -> memref<56x64xf32, #tpu.memory_space<hbm>>
    %dma_start3A_165 = arith.constant 168 : i32
    %dma_start3A_166 = arith.constant 0 : i32
    %dma_start3A_167 = tpu.memref_slice %arg6[%dma_start3A_149, %dma_start3A_165, %dma_start3A_166] : memref<4x224x64xf32, #tpu.memory_space<vmem>> -> memref<1x56x64xf32, #tpu.memory_space<vmem>>
    %dma_start3A_168 = tpu.memref_squeeze %dma_start3A_167 : memref<1x56x64xf32, #tpu.memory_space<vmem>> -> memref<56x64xf32, #tpu.memory_space<vmem>>
    tpu.enqueue_dma source(%dma_start3A_168 : memref<56x64xf32, #tpu.memory_space<vmem>>) target(%dma_start3A_164 : memref<56x64xf32, #tpu.memory_space<hbm>>) target_semaphore(%dma_start3A_160 : memref<!tpu.dma_semaphore, #tpu.memory_space<semaphore_mem>>)
    %dma_wait3A_169 = arith.constant 1 : i32
    %dma_wait3A_170 = arith.constant 1 : i32
    %dma_wait3A_171 = arith.constant 0 : i32
    %dma_wait3A_172 = arith.constant 0 : i32
    %dma_wait3A_173 = tpu.memref_slice %arg6[%dma_wait3A_169, %dma_wait3A_171, %dma_wait3A_172] : memref<4x224x64xf32, #tpu.memory_space<vmem>> -> memref<1x224x64xf32, #tpu.memory_space<vmem>>
    %dma_wait3A_174 = tpu.memref_squeeze %dma_wait3A_173 : memref<1x224x64xf32, #tpu.memory_space<vmem>> -> memref<224x64xf32, #tpu.memory_space<vmem>>
    %dma_wait3A_175 = arith.constant 28000 : i32
    %dma_wait3A_176 = tpu.memref_slice %arg5[%dma_wait3A_175] : memref<28672xi32, #tpu.memory_space<vmem>> -> memref<224xi32, #tpu.memory_space<vmem>>
    %dma_wait3A_177 = arith.constant 0 : i32
    %dma_wait3A_178 = arith.constant 0 : i32
    %dma_wait3A_179 = tpu.memref_slice %arg3[%dma_wait3A_177, %dma_wait3A_178] : memref<1000000x64xf32, #tpu.memory_space<hbm>> -> memref<1000000x64xf32, #tpu.memory_space<hbm>>
    %dma_wait3A_180 = tpu.memref_slice %arg7[%dma_wait3A_170] : memref<4x!tpu.dma_semaphore, #tpu.memory_space<semaphore_mem>> -> memref<1x!tpu.dma_semaphore, #tpu.memory_space<semaphore_mem>>
    %dma_wait3A_181 = tpu.memref_squeeze %dma_wait3A_180 : memref<1x!tpu.dma_semaphore, #tpu.memory_space<semaphore_mem>> -> memref<!tpu.dma_semaphore, #tpu.memory_space<semaphore_mem>>
    tpu.wait_indirect_dma semaphore(%dma_wait3A_181 : memref<!tpu.dma_semaphore, #tpu.memory_space<semaphore_mem>>) src(%dma_wait3A_179 : memref<1000000x64xf32, #tpu.memory_space<hbm>>) dst(%dma_wait3A_174 : memref<224x64xf32, #tpu.memory_space<vmem>>)
    %add3A_182 = arith.constant 500 : i32
    %add3A_183 = arith.addi %mul3A_2, %add3A_182 : i32
    %add3A_184 = arith.constant 0 : i32
    %add3A_185 = arith.addi %add3A_183, %add3A_184 : i32
    %dma_start3A_186 = arith.constant 1 : i32
    %dma_start3A_187 = arith.constant 1 : i32
    %dma_start3A_188 = arith.constant 0 : i32
    %dma_start3A_189 = arith.constant 0 : i32
    %dma_start3A_190 = tpu.memref_slice %arg6[%dma_start3A_186, %dma_start3A_188, %dma_start3A_189] : memref<4x224x64xf32, #tpu.memory_space<vmem>> -> memref<1x56x64xf32, #tpu.memory_space<vmem>>
    %dma_start3A_191 = tpu.memref_squeeze %dma_start3A_190 : memref<1x56x64xf32, #tpu.memory_space<vmem>> -> memref<56x64xf32, #tpu.memory_space<vmem>>
    %dma_start3A_192 = arith.constant 0 : i32
    %dma_start3A_193 = arith.constant 0 : i32
    %dma_start3A_194 = tpu.memref_slice %arg4[%add3A_185, %dma_start3A_192, %dma_start3A_193] : memref<16384x56x128xf32, #tpu.memory_space<hbm>> -> memref<1x56x64xf32, #tpu.memory_space<hbm>>
    %dma_start3A_195 = tpu.memref_squeeze %dma_start3A_194 : memref<1x56x64xf32, #tpu.memory_space<hbm>> -> memref<56x64xf32, #tpu.memory_space<hbm>>
    %dma_start3A_196 = tpu.memref_slice %arg8[%dma_start3A_187] : memref<4x!tpu.dma_semaphore, #tpu.memory_space<semaphore_mem>> -> memref<1x!tpu.dma_semaphore, #tpu.memory_space<semaphore_mem>>
    %dma_start3A_197 = tpu.memref_squeeze %dma_start3A_196 : memref<1x!tpu.dma_semaphore, #tpu.memory_space<semaphore_mem>> -> memref<!tpu.dma_semaphore, #tpu.memory_space<semaphore_mem>>
    %dma_start3A_198 = arith.constant 0 : i32
    %dma_start3A_199 = arith.constant 0 : i32
    %dma_start3A_200 = tpu.memref_slice %arg4[%add3A_185, %dma_start3A_198, %dma_start3A_199] : memref<16384x56x128xf32, #tpu.memory_space<hbm>> -> memref<1x56x64xf32, #tpu.memory_space<hbm>>
    %dma_start3A_201 = tpu.memref_squeeze %dma_start3A_200 : memref<1x56x64xf32, #tpu.memory_space<hbm>> -> memref<56x64xf32, #tpu.memory_space<hbm>>
    %dma_start3A_202 = arith.constant 0 : i32
    %dma_start3A_203 = arith.constant 0 : i32
    %dma_start3A_204 = tpu.memref_slice %arg6[%dma_start3A_186, %dma_start3A_202, %dma_start3A_203] : memref<4x224x64xf32, #tpu.memory_space<vmem>> -> memref<1x56x64xf32, #tpu.memory_space<vmem>>
    %dma_start3A_205 = tpu.memref_squeeze %dma_start3A_204 : memref<1x56x64xf32, #tpu.memory_space<vmem>> -> memref<56x64xf32, #tpu.memory_space<vmem>>
    tpu.enqueue_dma source(%dma_start3A_205 : memref<56x64xf32, #tpu.memory_space<vmem>>) target(%dma_start3A_201 : memref<56x64xf32, #tpu.memory_space<hbm>>) target_semaphore(%dma_start3A_197 : memref<!tpu.dma_semaphore, #tpu.memory_space<semaphore_mem>>)
    %add3A_206 = arith.constant 500 : i32
    %add3A_207 = arith.addi %mul3A_2, %add3A_206 : i32
    %add3A_208 = arith.constant 1 : i32
    %add3A_209 = arith.addi %add3A_207, %add3A_208 : i32
    %dma_start3A_210 = arith.constant 1 : i32
    %dma_start3A_211 = arith.constant 1 : i32
    %dma_start3A_212 = arith.constant 56 : i32
    %dma_start3A_213 = arith.constant 0 : i32
    %dma_start3A_214 = tpu.memref_slice %arg6[%dma_start3A_210, %dma_start3A_212, %dma_start3A_213] : memref<4x224x64xf32, #tpu.memory_space<vmem>> -> memref<1x56x64xf32, #tpu.memory_space<vmem>>
    %dma_start3A_215 = tpu.memref_squeeze %dma_start3A_214 : memref<1x56x64xf32, #tpu.memory_space<vmem>> -> memref<56x64xf32, #tpu.memory_space<vmem>>
    %dma_start3A_216 = arith.constant 0 : i32
    %dma_start3A_217 = arith.constant 0 : i32
    %dma_start3A_218 = tpu.memref_slice %arg4[%add3A_209, %dma_start3A_216, %dma_start3A_217] : memref<16384x56x128xf32, #tpu.memory_space<hbm>> -> memref<1x56x64xf32, #tpu.memory_space<hbm>>
    %dma_start3A_219 = tpu.memref_squeeze %dma_start3A_218 : memref<1x56x64xf32, #tpu.memory_space<hbm>> -> memref<56x64xf32, #tpu.memory_space<hbm>>
    %dma_start3A_220 = tpu.memref_slice %arg8[%dma_start3A_211] : memref<4x!tpu.dma_semaphore, #tpu.memory_space<semaphore_mem>> -> memref<1x!tpu.dma_semaphore, #tpu.memory_space<semaphore_mem>>
    %dma_start3A_221 = tpu.memref_squeeze %dma_start3A_220 : memref<1x!tpu.dma_semaphore, #tpu.memory_space<semaphore_mem>> -> memref<!tpu.dma_semaphore, #tpu.memory_space<semaphore_mem>>
    %dma_start3A_222 = arith.constant 0 : i32
    %dma_start3A_223 = arith.constant 0 : i32
    %dma_start3A_224 = tpu.memref_slice %arg4[%add3A_209, %dma_start3A_222, %dma_start3A_223] : memref<16384x56x128xf32, #tpu.memory_space<hbm>> -> memref<1x56x64xf32, #tpu.memory_space<hbm>>
    %dma_start3A_225 = tpu.memref_squeeze %dma_start3A_224 : memref<1x56x64xf32, #tpu.memory_space<hbm>> -> memref<56x64xf32, #tpu.memory_space<hbm>>
    %dma_start3A_226 = arith.constant 56 : i32
    %dma_start3A_227 = arith.constant 0 : i32
    %dma_start3A_228 = tpu.memref_slice %arg6[%dma_start3A_210, %dma_start3A_226, %dma_start3A_227] : memref<4x224x64xf32, #tpu.memory_space<vmem>> -> memref<1x56x64xf32, #tpu.memory_space<vmem>>
    %dma_start3A_229 = tpu.memref_squeeze %dma_start3A_228 : memref<1x56x64xf32, #tpu.memory_space<vmem>> -> memref<56x64xf32, #tpu.memory_space<vmem>>
    tpu.enqueue_dma source(%dma_start3A_229 : memref<56x64xf32, #tpu.memory_space<vmem>>) target(%dma_start3A_225 : memref<56x64xf32, #tpu.memory_space<hbm>>) target_semaphore(%dma_start3A_221 : memref<!tpu.dma_semaphore, #tpu.memory_space<semaphore_mem>>)
    %add3A_230 = arith.constant 500 : i32
    %add3A_231 = arith.addi %mul3A_2, %add3A_230 : i32
    %add3A_232 = arith.constant 2 : i32
    %add3A_233 = arith.addi %add3A_231, %add3A_232 : i32
    %dma_start3A_234 = arith.constant 1 : i32
    %dma_start3A_235 = arith.constant 1 : i32
    %dma_start3A_236 = arith.constant 112 : i32
    %dma_start3A_237 = arith.constant 0 : i32
    %dma_start3A_238 = tpu.memref_slice %arg6[%dma_start3A_234, %dma_start3A_236, %dma_start3A_237] : memref<4x224x64xf32, #tpu.memory_space<vmem>> -> memref<1x56x64xf32, #tpu.memory_space<vmem>>
    %dma_start3A_239 = tpu.memref_squeeze %dma_start3A_238 : memref<1x56x64xf32, #tpu.memory_space<vmem>> -> memref<56x64xf32, #tpu.memory_space<vmem>>
    %dma_start3A_240 = arith.constant 0 : i32
    %dma_start3A_241 = arith.constant 0 : i32
    %dma_start3A_242 = tpu.memref_slice %arg4[%add3A_233, %dma_start3A_240, %dma_start3A_241] : memref<16384x56x128xf32, #tpu.memory_space<hbm>> -> memref<1x56x64xf32, #tpu.memory_space<hbm>>
    %dma_start3A_243 = tpu.memref_squeeze %dma_start3A_242 : memref<1x56x64xf32, #tpu.memory_space<hbm>> -> memref<56x64xf32, #tpu.memory_space<hbm>>
    %dma_start3A_244 = tpu.memref_slice %arg8[%dma_start3A_235] : memref<4x!tpu.dma_semaphore, #tpu.memory_space<semaphore_mem>> -> memref<1x!tpu.dma_semaphore, #tpu.memory_space<semaphore_mem>>
    %dma_start3A_245 = tpu.memref_squeeze %dma_start3A_244 : memref<1x!tpu.dma_semaphore, #tpu.memory_space<semaphore_mem>> -> memref<!tpu.dma_semaphore, #tpu.memory_space<semaphore_mem>>
    %dma_start3A_246 = arith.constant 0 : i32
    %dma_start3A_247 = arith.constant 0 : i32
    %dma_start3A_248 = tpu.memref_slice %arg4[%add3A_233, %dma_start3A_246, %dma_start3A_247] : memref<16384x56x128xf32, #tpu.memory_space<hbm>> -> memref<1x56x64xf32, #tpu.memory_space<hbm>>
    %dma_start3A_249 = tpu.memref_squeeze %dma_start3A_248 : memref<1x56x64xf32, #tpu.memory_space<hbm>> -> memref<56x64xf32, #tpu.memory_space<hbm>>
    %dma_start3A_250 = arith.constant 112 : i32
    %dma_start3A_251 = arith.constant 0 : i32
    %dma_start3A_252 = tpu.memref_slice %arg6[%dma_start3A_234, %dma_start3A_250, %dma_start3A_251] : memref<4x224x64xf32, #tpu.memory_space<vmem>> -> memref<1x56x64xf32, #tpu.memory_space<vmem>>
    %dma_start3A_253 = tpu.memref_squeeze %dma_start3A_252 : memref<1x56x64xf32, #tpu.memory_space<vmem>> -> memref<56x64xf32, #tpu.memory_space<vmem>>
    tpu.enqueue_dma source(%dma_start3A_253 : memref<56x64xf32, #tpu.memory_space<vmem>>) target(%dma_start3A_249 : memref<56x64xf32, #tpu.memory_space<hbm>>) target_semaphore(%dma_start3A_245 : memref<!tpu.dma_semaphore, #tpu.memory_space<semaphore_mem>>)
    %add3A_254 = arith.constant 500 : i32
    %add3A_255 = arith.addi %mul3A_2, %add3A_254 : i32
    %add3A_256 = arith.constant 3 : i32
    %add3A_257 = arith.addi %add3A_255, %add3A_256 : i32
    %dma_start3A_258 = arith.constant 1 : i32
    %dma_start3A_259 = arith.constant 1 : i32
    %dma_start3A_260 = arith.constant 168 : i32
    %dma_start3A_261 = arith.constant 0 : i32
    %dma_start3A_262 = tpu.memref_slice %arg6[%dma_start3A_258, %dma_start3A_260, %dma_start3A_261] : memref<4x224x64xf32, #tpu.memory_space<vmem>> -> memref<1x56x64xf32, #tpu.memory_space<vmem>>
    %dma_start3A_263 = tpu.memref_squeeze %dma_start3A_262 : memref<1x56x64xf32, #tpu.memory_space<vmem>> -> memref<56x64xf32, #tpu.memory_space<vmem>>
    %dma_start3A_264 = arith.constant 0 : i32
    %dma_start3A_265 = arith.constant 0 : i32
    %dma_start3A_266 = tpu.memref_slice %arg4[%add3A_257, %dma_start3A_264, %dma_start3A_265] : memref<16384x56x128xf32, #tpu.memory_space<hbm>> -> memref<1x56x64xf32, #tpu.memory_space<hbm>>
    %dma_start3A_267 = tpu.memref_squeeze %dma_start3A_266 : memref<1x56x64xf32, #tpu.memory_space<hbm>> -> memref<56x64xf32, #tpu.memory_space<hbm>>
    %dma_start3A_268 = tpu.memref_slice %arg8[%dma_start3A_259] : memref<4x!tpu.dma_semaphore, #tpu.memory_space<semaphore_mem>> -> memref<1x!tpu.dma_semaphore, #tpu.memory_space<semaphore_mem>>
    %dma_start3A_269 = tpu.memref_squeeze %dma_start3A_268 : memref<1x!tpu.dma_semaphore, #tpu.memory_space<semaphore_mem>> -> memref<!tpu.dma_semaphore, #tpu.memory_space<semaphore_mem>>
    %dma_start3A_270 = arith.constant 0 : i32
    %dma_start3A_271 = arith.constant 0 : i32
    %dma_start3A_272 = tpu.memref_slice %arg4[%add3A_257, %dma_start3A_270, %dma_start3A_271] : memref<16384x56x128xf32, #tpu.memory_space<hbm>> -> memref<1x56x64xf32, #tpu.memory_space<hbm>>
    %dma_start3A_273 = tpu.memref_squeeze %dma_start3A_272 : memref<1x56x64xf32, #tpu.memory_space<hbm>> -> memref<56x64xf32, #tpu.memory_space<hbm>>
    %dma_start3A_274 = arith.constant 168 : i32
    %dma_start3A_275 = arith.constant 0 : i32
    %dma_start3A_276 = tpu.memref_slice %arg6[%dma_start3A_258, %dma_start3A_274, %dma_start3A_275] : memref<4x224x64xf32, #tpu.memory_space<vmem>> -> memref<1x56x64xf32, #tpu.memory_space<vmem>>
    %dma_start3A_277 = tpu.memref_squeeze %dma_start3A_276 : memref<1x56x64xf32, #tpu.memory_space<vmem>> -> memref<56x64xf32, #tpu.memory_space<vmem>>
    tpu.enqueue_dma source(%dma_start3A_277 : memref<56x64xf32, #tpu.memory_space<vmem>>) target(%dma_start3A_273 : memref<56x64xf32, #tpu.memory_space<hbm>>) target_semaphore(%dma_start3A_269 : memref<!tpu.dma_semaphore, #tpu.memory_space<semaphore_mem>>)
    %dma_wait3A_278 = arith.constant 2 : i32
    %dma_wait3A_279 = arith.constant 2 : i32
    %dma_wait3A_280 = arith.constant 0 : i32
    %dma_wait3A_281 = arith.constant 0 : i32
    %dma_wait3A_282 = tpu.memref_slice %arg6[%dma_wait3A_278, %dma_wait3A_280, %dma_wait3A_281] : memref<4x224x64xf32, #tpu.memory_space<vmem>> -> memref<1x224x64xf32, #tpu.memory_space<vmem>>
    %dma_wait3A_283 = tpu.memref_squeeze %dma_wait3A_282 : memref<1x224x64xf32, #tpu.memory_space<vmem>> -> memref<224x64xf32, #tpu.memory_space<vmem>>
    %dma_wait3A_284 = arith.constant 28224 : i32
    %dma_wait3A_285 = tpu.memref_slice %arg5[%dma_wait3A_284] : memref<28672xi32, #tpu.memory_space<vmem>> -> memref<224xi32, #tpu.memory_space<vmem>>
    %dma_wait3A_286 = arith.constant 0 : i32
    %dma_wait3A_287 = arith.constant 0 : i32
    %dma_wait3A_288 = tpu.memref_slice %arg3[%dma_wait3A_286, %dma_wait3A_287] : memref<1000000x64xf32, #tpu.memory_space<hbm>> -> memref<1000000x64xf32, #tpu.memory_space<hbm>>
    %dma_wait3A_289 = tpu.memref_slice %arg7[%dma_wait3A_279] : memref<4x!tpu.dma_semaphore, #tpu.memory_space<semaphore_mem>> -> memref<1x!tpu.dma_semaphore, #tpu.memory_space<semaphore_mem>>
    %dma_wait3A_290 = tpu.memref_squeeze %dma_wait3A_289 : memref<1x!tpu.dma_semaphore, #tpu.memory_space<semaphore_mem>> -> memref<!tpu.dma_semaphore, #tpu.memory_space<semaphore_mem>>
    tpu.wait_indirect_dma semaphore(%dma_wait3A_290 : memref<!tpu.dma_semaphore, #tpu.memory_space<semaphore_mem>>) src(%dma_wait3A_288 : memref<1000000x64xf32, #tpu.memory_space<hbm>>) dst(%dma_wait3A_283 : memref<224x64xf32, #tpu.memory_space<vmem>>)
    %add3A_291 = arith.constant 504 : i32
    %add3A_292 = arith.addi %mul3A_2, %add3A_291 : i32
    %add3A_293 = arith.constant 0 : i32
    %add3A_294 = arith.addi %add3A_292, %add3A_293 : i32
    %dma_start3A_295 = arith.constant 2 : i32
    %dma_start3A_296 = arith.constant 2 : i32
    %dma_start3A_297 = arith.constant 0 : i32
    %dma_start3A_298 = arith.constant 0 : i32
    %dma_start3A_299 = tpu.memref_slice %arg6[%dma_start3A_295, %dma_start3A_297, %dma_start3A_298] : memref<4x224x64xf32, #tpu.memory_space<vmem>> -> memref<1x56x64xf32, #tpu.memory_space<vmem>>
    %dma_start3A_300 = tpu.memref_squeeze %dma_start3A_299 : memref<1x56x64xf32, #tpu.memory_space<vmem>> -> memref<56x64xf32, #tpu.memory_space<vmem>>
    %dma_start3A_301 = arith.constant 0 : i32
    %dma_start3A_302 = arith.constant 0 : i32
    %dma_start3A_303 = tpu.memref_slice %arg4[%add3A_294, %dma_start3A_301, %dma_start3A_302] : memref<16384x56x128xf32, #tpu.memory_space<hbm>> -> memref<1x56x64xf32, #tpu.memory_space<hbm>>
    %dma_start3A_304 = tpu.memref_squeeze %dma_start3A_303 : memref<1x56x64xf32, #tpu.memory_space<hbm>> -> memref<56x64xf32, #tpu.memory_space<hbm>>
    %dma_start3A_305 = tpu.memref_slice %arg8[%dma_start3A_296] : memref<4x!tpu.dma_semaphore, #tpu.memory_space<semaphore_mem>> -> memref<1x!tpu.dma_semaphore, #tpu.memory_space<semaphore_mem>>
    %dma_start3A_306 = tpu.memref_squeeze %dma_start3A_305 : memref<1x!tpu.dma_semaphore, #tpu.memory_space<semaphore_mem>> -> memref<!tpu.dma_semaphore, #tpu.memory_space<semaphore_mem>>
    %dma_start3A_307 = arith.constant 0 : i32
    %dma_start3A_308 = arith.constant 0 : i32
    %dma_start3A_309 = tpu.memref_slice %arg4[%add3A_294, %dma_start3A_307, %dma_start3A_308] : memref<16384x56x128xf32, #tpu.memory_space<hbm>> -> memref<1x56x64xf32, #tpu.memory_space<hbm>>
    %dma_start3A_310 = tpu.memref_squeeze %dma_start3A_309 : memref<1x56x64xf32, #tpu.memory_space<hbm>> -> memref<56x64xf32, #tpu.memory_space<hbm>>
    %dma_start3A_311 = arith.constant 0 : i32
    %dma_start3A_312 = arith.constant 0 : i32
    %dma_start3A_313 = tpu.memref_slice %arg6[%dma_start3A_295, %dma_start3A_311, %dma_start3A_312] : memref<4x224x64xf32, #tpu.memory_space<vmem>> -> memref<1x56x64xf32, #tpu.memory_space<vmem>>
    %dma_start3A_314 = tpu.memref_squeeze %dma_start3A_313 : memref<1x56x64xf32, #tpu.memory_space<vmem>> -> memref<56x64xf32, #tpu.memory_space<vmem>>
    tpu.enqueue_dma source(%dma_start3A_314 : memref<56x64xf32, #tpu.memory_space<vmem>>) target(%dma_start3A_310 : memref<56x64xf32, #tpu.memory_space<hbm>>) target_semaphore(%dma_start3A_306 : memref<!tpu.dma_semaphore, #tpu.memory_space<semaphore_mem>>)
    %add3A_315 = arith.constant 504 : i32
    %add3A_316 = arith.addi %mul3A_2, %add3A_315 : i32
    %add3A_317 = arith.constant 1 : i32
    %add3A_318 = arith.addi %add3A_316, %add3A_317 : i32
    %dma_start3A_319 = arith.constant 2 : i32
    %dma_start3A_320 = arith.constant 2 : i32
    %dma_start3A_321 = arith.constant 56 : i32
    %dma_start3A_322 = arith.constant 0 : i32
    %dma_start3A_323 = tpu.memref_slice %arg6[%dma_start3A_319, %dma_start3A_321, %dma_start3A_322] : memref<4x224x64xf32, #tpu.memory_space<vmem>> -> memref<1x56x64xf32, #tpu.memory_space<vmem>>
    %dma_start3A_324 = tpu.memref_squeeze %dma_start3A_323 : memref<1x56x64xf32, #tpu.memory_space<vmem>> -> memref<56x64xf32, #tpu.memory_space<vmem>>
    %dma_start3A_325 = arith.constant 0 : i32
    %dma_start3A_326 = arith.constant 0 : i32
    %dma_start3A_327 = tpu.memref_slice %arg4[%add3A_318, %dma_start3A_325, %dma_start3A_326] : memref<16384x56x128xf32, #tpu.memory_space<hbm>> -> memref<1x56x64xf32, #tpu.memory_space<hbm>>
    %dma_start3A_328 = tpu.memref_squeeze %dma_start3A_327 : memref<1x56x64xf32, #tpu.memory_space<hbm>> -> memref<56x64xf32, #tpu.memory_space<hbm>>
    %dma_start3A_329 = tpu.memref_slice %arg8[%dma_start3A_320] : memref<4x!tpu.dma_semaphore, #tpu.memory_space<semaphore_mem>> -> memref<1x!tpu.dma_semaphore, #tpu.memory_space<semaphore_mem>>
    %dma_start3A_330 = tpu.memref_squeeze %dma_start3A_329 : memref<1x!tpu.dma_semaphore, #tpu.memory_space<semaphore_mem>> -> memref<!tpu.dma_semaphore, #tpu.memory_space<semaphore_mem>>
    %dma_start3A_331 = arith.constant 0 : i32
    %dma_start3A_332 = arith.constant 0 : i32
    %dma_start3A_333 = tpu.memref_slice %arg4[%add3A_318, %dma_start3A_331, %dma_start3A_332] : memref<16384x56x128xf32, #tpu.memory_space<hbm>> -> memref<1x56x64xf32, #tpu.memory_space<hbm>>
    %dma_start3A_334 = tpu.memref_squeeze %dma_start3A_333 : memref<1x56x64xf32, #tpu.memory_space<hbm>> -> memref<56x64xf32, #tpu.memory_space<hbm>>
    %dma_start3A_335 = arith.constant 56 : i32
    %dma_start3A_336 = arith.constant 0 : i32
    %dma_start3A_337 = tpu.memref_slice %arg6[%dma_start3A_319, %dma_start3A_335, %dma_start3A_336] : memref<4x224x64xf32, #tpu.memory_space<vmem>> -> memref<1x56x64xf32, #tpu.memory_space<vmem>>
    %dma_start3A_338 = tpu.memref_squeeze %dma_start3A_337 : memref<1x56x64xf32, #tpu.memory_space<vmem>> -> memref<56x64xf32, #tpu.memory_space<vmem>>
    tpu.enqueue_dma source(%dma_start3A_338 : memref<56x64xf32, #tpu.memory_space<vmem>>) target(%dma_start3A_334 : memref<56x64xf32, #tpu.memory_space<hbm>>) target_semaphore(%dma_start3A_330 : memref<!tpu.dma_semaphore, #tpu.memory_space<semaphore_mem>>)
    %add3A_339 = arith.constant 504 : i32
    %add3A_340 = arith.addi %mul3A_2, %add3A_339 : i32
    %add3A_341 = arith.constant 2 : i32
    %add3A_342 = arith.addi %add3A_340, %add3A_341 : i32
    %dma_start3A_343 = arith.constant 2 : i32
    %dma_start3A_344 = arith.constant 2 : i32
    %dma_start3A_345 = arith.constant 112 : i32
    %dma_start3A_346 = arith.constant 0 : i32
    %dma_start3A_347 = tpu.memref_slice %arg6[%dma_start3A_343, %dma_start3A_345, %dma_start3A_346] : memref<4x224x64xf32, #tpu.memory_space<vmem>> -> memref<1x56x64xf32, #tpu.memory_space<vmem>>
    %dma_start3A_348 = tpu.memref_squeeze %dma_start3A_347 : memref<1x56x64xf32, #tpu.memory_space<vmem>> -> memref<56x64xf32, #tpu.memory_space<vmem>>
    %dma_start3A_349 = arith.constant 0 : i32
    %dma_start3A_350 = arith.constant 0 : i32
    %dma_start3A_351 = tpu.memref_slice %arg4[%add3A_342, %dma_start3A_349, %dma_start3A_350] : memref<16384x56x128xf32, #tpu.memory_space<hbm>> -> memref<1x56x64xf32, #tpu.memory_space<hbm>>
    %dma_start3A_352 = tpu.memref_squeeze %dma_start3A_351 : memref<1x56x64xf32, #tpu.memory_space<hbm>> -> memref<56x64xf32, #tpu.memory_space<hbm>>
    %dma_start3A_353 = tpu.memref_slice %arg8[%dma_start3A_344] : memref<4x!tpu.dma_semaphore, #tpu.memory_space<semaphore_mem>> -> memref<1x!tpu.dma_semaphore, #tpu.memory_space<semaphore_mem>>
    %dma_start3A_354 = tpu.memref_squeeze %dma_start3A_353 : memref<1x!tpu.dma_semaphore, #tpu.memory_space<semaphore_mem>> -> memref<!tpu.dma_semaphore, #tpu.memory_space<semaphore_mem>>
    %dma_start3A_355 = arith.constant 0 : i32
    %dma_start3A_356 = arith.constant 0 : i32
    %dma_start3A_357 = tpu.memref_slice %arg4[%add3A_342, %dma_start3A_355, %dma_start3A_356] : memref<16384x56x128xf32, #tpu.memory_space<hbm>> -> memref<1x56x64xf32, #tpu.memory_space<hbm>>
    %dma_start3A_358 = tpu.memref_squeeze %dma_start3A_357 : memref<1x56x64xf32, #tpu.memory_space<hbm>> -> memref<56x64xf32, #tpu.memory_space<hbm>>
    %dma_start3A_359 = arith.constant 112 : i32
    %dma_start3A_360 = arith.constant 0 : i32
    %dma_start3A_361 = tpu.memref_slice %arg6[%dma_start3A_343, %dma_start3A_359, %dma_start3A_360] : memref<4x224x64xf32, #tpu.memory_space<vmem>> -> memref<1x56x64xf32, #tpu.memory_space<vmem>>
    %dma_start3A_362 = tpu.memref_squeeze %dma_start3A_361 : memref<1x56x64xf32, #tpu.memory_space<vmem>> -> memref<56x64xf32, #tpu.memory_space<vmem>>
    tpu.enqueue_dma source(%dma_start3A_362 : memref<56x64xf32, #tpu.memory_space<vmem>>) target(%dma_start3A_358 : memref<56x64xf32, #tpu.memory_space<hbm>>) target_semaphore(%dma_start3A_354 : memref<!tpu.dma_semaphore, #tpu.memory_space<semaphore_mem>>)
    %add3A_363 = arith.constant 504 : i32
    %add3A_364 = arith.addi %mul3A_2, %add3A_363 : i32
    %add3A_365 = arith.constant 3 : i32
    %add3A_366 = arith.addi %add3A_364, %add3A_365 : i32
    %dma_start3A_367 = arith.constant 2 : i32
    %dma_start3A_368 = arith.constant 2 : i32
    %dma_start3A_369 = arith.constant 168 : i32
    %dma_start3A_370 = arith.constant 0 : i32
    %dma_start3A_371 = tpu.memref_slice %arg6[%dma_start3A_367, %dma_start3A_369, %dma_start3A_370] : memref<4x224x64xf32, #tpu.memory_space<vmem>> -> memref<1x56x64xf32, #tpu.memory_space<vmem>>
    %dma_start3A_372 = tpu.memref_squeeze %dma_start3A_371 : memref<1x56x64xf32, #tpu.memory_space<vmem>> -> memref<56x64xf32, #tpu.memory_space<vmem>>
    %dma_start3A_373 = arith.constant 0 : i32
    %dma_start3A_374 = arith.constant 0 : i32
    %dma_start3A_375 = tpu.memref_slice %arg4[%add3A_366, %dma_start3A_373, %dma_start3A_374] : memref<16384x56x128xf32, #tpu.memory_space<hbm>> -> memref<1x56x64xf32, #tpu.memory_space<hbm>>
    %dma_start3A_376 = tpu.memref_squeeze %dma_start3A_375 : memref<1x56x64xf32, #tpu.memory_space<hbm>> -> memref<56x64xf32, #tpu.memory_space<hbm>>
    %dma_start3A_377 = tpu.memref_slice %arg8[%dma_start3A_368] : memref<4x!tpu.dma_semaphore, #tpu.memory_space<semaphore_mem>> -> memref<1x!tpu.dma_semaphore, #tpu.memory_space<semaphore_mem>>
    %dma_start3A_378 = tpu.memref_squeeze %dma_start3A_377 : memref<1x!tpu.dma_semaphore, #tpu.memory_space<semaphore_mem>> -> memref<!tpu.dma_semaphore, #tpu.memory_space<semaphore_mem>>
    %dma_start3A_379 = arith.constant 0 : i32
    %dma_start3A_380 = arith.constant 0 : i32
    %dma_start3A_381 = tpu.memref_slice %arg4[%add3A_366, %dma_start3A_379, %dma_start3A_380] : memref<16384x56x128xf32, #tpu.memory_space<hbm>> -> memref<1x56x64xf32, #tpu.memory_space<hbm>>
    %dma_start3A_382 = tpu.memref_squeeze %dma_start3A_381 : memref<1x56x64xf32, #tpu.memory_space<hbm>> -> memref<56x64xf32, #tpu.memory_space<hbm>>
    %dma_start3A_383 = arith.constant 168 : i32
    %dma_start3A_384 = arith.constant 0 : i32
    %dma_start3A_385 = tpu.memref_slice %arg6[%dma_start3A_367, %dma_start3A_383, %dma_start3A_384] : memref<4x224x64xf32, #tpu.memory_space<vmem>> -> memref<1x56x64xf32, #tpu.memory_space<vmem>>
    %dma_start3A_386 = tpu.memref_squeeze %dma_start3A_385 : memref<1x56x64xf32, #tpu.memory_space<vmem>> -> memref<56x64xf32, #tpu.memory_space<vmem>>
    tpu.enqueue_dma source(%dma_start3A_386 : memref<56x64xf32, #tpu.memory_space<vmem>>) target(%dma_start3A_382 : memref<56x64xf32, #tpu.memory_space<hbm>>) target_semaphore(%dma_start3A_378 : memref<!tpu.dma_semaphore, #tpu.memory_space<semaphore_mem>>)
    %dma_wait3A_387 = arith.constant 3 : i32
    %dma_wait3A_388 = arith.constant 3 : i32
    %dma_wait3A_389 = arith.constant 0 : i32
    %dma_wait3A_390 = arith.constant 0 : i32
    %dma_wait3A_391 = tpu.memref_slice %arg6[%dma_wait3A_387, %dma_wait3A_389, %dma_wait3A_390] : memref<4x224x64xf32, #tpu.memory_space<vmem>> -> memref<1x224x64xf32, #tpu.memory_space<vmem>>
    %dma_wait3A_392 = tpu.memref_squeeze %dma_wait3A_391 : memref<1x224x64xf32, #tpu.memory_space<vmem>> -> memref<224x64xf32, #tpu.memory_space<vmem>>
    %dma_wait3A_393 = arith.constant 28448 : i32
    %dma_wait3A_394 = tpu.memref_slice %arg5[%dma_wait3A_393] : memref<28672xi32, #tpu.memory_space<vmem>> -> memref<224xi32, #tpu.memory_space<vmem>>
    %dma_wait3A_395 = arith.constant 0 : i32
    %dma_wait3A_396 = arith.constant 0 : i32
    %dma_wait3A_397 = tpu.memref_slice %arg3[%dma_wait3A_395, %dma_wait3A_396] : memref<1000000x64xf32, #tpu.memory_space<hbm>> -> memref<1000000x64xf32, #tpu.memory_space<hbm>>
    %dma_wait3A_398 = tpu.memref_slice %arg7[%dma_wait3A_388] : memref<4x!tpu.dma_semaphore, #tpu.memory_space<semaphore_mem>> -> memref<1x!tpu.dma_semaphore, #tpu.memory_space<semaphore_mem>>
    %dma_wait3A_399 = tpu.memref_squeeze %dma_wait3A_398 : memref<1x!tpu.dma_semaphore, #tpu.memory_space<semaphore_mem>> -> memref<!tpu.dma_semaphore, #tpu.memory_space<semaphore_mem>>
    tpu.wait_indirect_dma semaphore(%dma_wait3A_399 : memref<!tpu.dma_semaphore, #tpu.memory_space<semaphore_mem>>) src(%dma_wait3A_397 : memref<1000000x64xf32, #tpu.memory_space<hbm>>) dst(%dma_wait3A_392 : memref<224x64xf32, #tpu.memory_space<vmem>>)
    %add3A_400 = arith.constant 508 : i32
    %add3A_401 = arith.addi %mul3A_2, %add3A_400 : i32
    %add3A_402 = arith.constant 0 : i32
    %add3A_403 = arith.addi %add3A_401, %add3A_402 : i32
    %dma_start3A_404 = arith.constant 3 : i32
    %dma_start3A_405 = arith.constant 3 : i32
    %dma_start3A_406 = arith.constant 0 : i32
    %dma_start3A_407 = arith.constant 0 : i32
    %dma_start3A_408 = tpu.memref_slice %arg6[%dma_start3A_404, %dma_start3A_406, %dma_start3A_407] : memref<4x224x64xf32, #tpu.memory_space<vmem>> -> memref<1x56x64xf32, #tpu.memory_space<vmem>>
    %dma_start3A_409 = tpu.memref_squeeze %dma_start3A_408 : memref<1x56x64xf32, #tpu.memory_space<vmem>> -> memref<56x64xf32, #tpu.memory_space<vmem>>
    %dma_start3A_410 = arith.constant 0 : i32
    %dma_start3A_411 = arith.constant 0 : i32
    %dma_start3A_412 = tpu.memref_slice %arg4[%add3A_403, %dma_start3A_410, %dma_start3A_411] : memref<16384x56x128xf32, #tpu.memory_space<hbm>> -> memref<1x56x64xf32, #tpu.memory_space<hbm>>
    %dma_start3A_413 = tpu.memref_squeeze %dma_start3A_412 : memref<1x56x64xf32, #tpu.memory_space<hbm>> -> memref<56x64xf32, #tpu.memory_space<hbm>>
    %dma_start3A_414 = tpu.memref_slice %arg8[%dma_start3A_405] : memref<4x!tpu.dma_semaphore, #tpu.memory_space<semaphore_mem>> -> memref<1x!tpu.dma_semaphore, #tpu.memory_space<semaphore_mem>>
    %dma_start3A_415 = tpu.memref_squeeze %dma_start3A_414 : memref<1x!tpu.dma_semaphore, #tpu.memory_space<semaphore_mem>> -> memref<!tpu.dma_semaphore, #tpu.memory_space<semaphore_mem>>
    %dma_start3A_416 = arith.constant 0 : i32
    %dma_start3A_417 = arith.constant 0 : i32
    %dma_start3A_418 = tpu.memref_slice %arg4[%add3A_403, %dma_start3A_416, %dma_start3A_417] : memref<16384x56x128xf32, #tpu.memory_space<hbm>> -> memref<1x56x64xf32, #tpu.memory_space<hbm>>
    %dma_start3A_419 = tpu.memref_squeeze %dma_start3A_418 : memref<1x56x64xf32, #tpu.memory_space<hbm>> -> memref<56x64xf32, #tpu.memory_space<hbm>>
    %dma_start3A_420 = arith.constant 0 : i32
    %dma_start3A_421 = arith.constant 0 : i32
    %dma_start3A_422 = tpu.memref_slice %arg6[%dma_start3A_404, %dma_start3A_420, %dma_start3A_421] : memref<4x224x64xf32, #tpu.memory_space<vmem>> -> memref<1x56x64xf32, #tpu.memory_space<vmem>>
    %dma_start3A_423 = tpu.memref_squeeze %dma_start3A_422 : memref<1x56x64xf32, #tpu.memory_space<vmem>> -> memref<56x64xf32, #tpu.memory_space<vmem>>
    tpu.enqueue_dma source(%dma_start3A_423 : memref<56x64xf32, #tpu.memory_space<vmem>>) target(%dma_start3A_419 : memref<56x64xf32, #tpu.memory_space<hbm>>) target_semaphore(%dma_start3A_415 : memref<!tpu.dma_semaphore, #tpu.memory_space<semaphore_mem>>)
    %add3A_424 = arith.constant 508 : i32
    %add3A_425 = arith.addi %mul3A_2, %add3A_424 : i32
    %add3A_426 = arith.constant 1 : i32
    %add3A_427 = arith.addi %add3A_425, %add3A_426 : i32
    %dma_start3A_428 = arith.constant 3 : i32
    %dma_start3A_429 = arith.constant 3 : i32
    %dma_start3A_430 = arith.constant 56 : i32
    %dma_start3A_431 = arith.constant 0 : i32
    %dma_start3A_432 = tpu.memref_slice %arg6[%dma_start3A_428, %dma_start3A_430, %dma_start3A_431] : memref<4x224x64xf32, #tpu.memory_space<vmem>> -> memref<1x56x64xf32, #tpu.memory_space<vmem>>
    %dma_start3A_433 = tpu.memref_squeeze %dma_start3A_432 : memref<1x56x64xf32, #tpu.memory_space<vmem>> -> memref<56x64xf32, #tpu.memory_space<vmem>>
    %dma_start3A_434 = arith.constant 0 : i32
    %dma_start3A_435 = arith.constant 0 : i32
    %dma_start3A_436 = tpu.memref_slice %arg4[%add3A_427, %dma_start3A_434, %dma_start3A_435] : memref<16384x56x128xf32, #tpu.memory_space<hbm>> -> memref<1x56x64xf32, #tpu.memory_space<hbm>>
    %dma_start3A_437 = tpu.memref_squeeze %dma_start3A_436 : memref<1x56x64xf32, #tpu.memory_space<hbm>> -> memref<56x64xf32, #tpu.memory_space<hbm>>
    %dma_start3A_438 = tpu.memref_slice %arg8[%dma_start3A_429] : memref<4x!tpu.dma_semaphore, #tpu.memory_space<semaphore_mem>> -> memref<1x!tpu.dma_semaphore, #tpu.memory_space<semaphore_mem>>
    %dma_start3A_439 = tpu.memref_squeeze %dma_start3A_438 : memref<1x!tpu.dma_semaphore, #tpu.memory_space<semaphore_mem>> -> memref<!tpu.dma_semaphore, #tpu.memory_space<semaphore_mem>>
    %dma_start3A_440 = arith.constant 0 : i32
    %dma_start3A_441 = arith.constant 0 : i32
    %dma_start3A_442 = tpu.memref_slice %arg4[%add3A_427, %dma_start3A_440, %dma_start3A_441] : memref<16384x56x128xf32, #tpu.memory_space<hbm>> -> memref<1x56x64xf32, #tpu.memory_space<hbm>>
    %dma_start3A_443 = tpu.memref_squeeze %dma_start3A_442 : memref<1x56x64xf32, #tpu.memory_space<hbm>> -> memref<56x64xf32, #tpu.memory_space<hbm>>
    %dma_start3A_444 = arith.constant 56 : i32
    %dma_start3A_445 = arith.constant 0 : i32
    %dma_start3A_446 = tpu.memref_slice %arg6[%dma_start3A_428, %dma_start3A_444, %dma_start3A_445] : memref<4x224x64xf32, #tpu.memory_space<vmem>> -> memref<1x56x64xf32, #tpu.memory_space<vmem>>
    %dma_start3A_447 = tpu.memref_squeeze %dma_start3A_446 : memref<1x56x64xf32, #tpu.memory_space<vmem>> -> memref<56x64xf32, #tpu.memory_space<vmem>>
    tpu.enqueue_dma source(%dma_start3A_447 : memref<56x64xf32, #tpu.memory_space<vmem>>) target(%dma_start3A_443 : memref<56x64xf32, #tpu.memory_space<hbm>>) target_semaphore(%dma_start3A_439 : memref<!tpu.dma_semaphore, #tpu.memory_space<semaphore_mem>>)
    %add3A_448 = arith.constant 508 : i32
    %add3A_449 = arith.addi %mul3A_2, %add3A_448 : i32
    %add3A_450 = arith.constant 2 : i32
    %add3A_451 = arith.addi %add3A_449, %add3A_450 : i32
    %dma_start3A_452 = arith.constant 3 : i32
    %dma_start3A_453 = arith.constant 3 : i32
    %dma_start3A_454 = arith.constant 112 : i32
    %dma_start3A_455 = arith.constant 0 : i32
    %dma_start3A_456 = tpu.memref_slice %arg6[%dma_start3A_452, %dma_start3A_454, %dma_start3A_455] : memref<4x224x64xf32, #tpu.memory_space<vmem>> -> memref<1x56x64xf32, #tpu.memory_space<vmem>>
    %dma_start3A_457 = tpu.memref_squeeze %dma_start3A_456 : memref<1x56x64xf32, #tpu.memory_space<vmem>> -> memref<56x64xf32, #tpu.memory_space<vmem>>
    %dma_start3A_458 = arith.constant 0 : i32
    %dma_start3A_459 = arith.constant 0 : i32
    %dma_start3A_460 = tpu.memref_slice %arg4[%add3A_451, %dma_start3A_458, %dma_start3A_459] : memref<16384x56x128xf32, #tpu.memory_space<hbm>> -> memref<1x56x64xf32, #tpu.memory_space<hbm>>
    %dma_start3A_461 = tpu.memref_squeeze %dma_start3A_460 : memref<1x56x64xf32, #tpu.memory_space<hbm>> -> memref<56x64xf32, #tpu.memory_space<hbm>>
    %dma_start3A_462 = tpu.memref_slice %arg8[%dma_start3A_453] : memref<4x!tpu.dma_semaphore, #tpu.memory_space<semaphore_mem>> -> memref<1x!tpu.dma_semaphore, #tpu.memory_space<semaphore_mem>>
    %dma_start3A_463 = tpu.memref_squeeze %dma_start3A_462 : memref<1x!tpu.dma_semaphore, #tpu.memory_space<semaphore_mem>> -> memref<!tpu.dma_semaphore, #tpu.memory_space<semaphore_mem>>
    %dma_start3A_464 = arith.constant 0 : i32
    %dma_start3A_465 = arith.constant 0 : i32
    %dma_start3A_466 = tpu.memref_slice %arg4[%add3A_451, %dma_start3A_464, %dma_start3A_465] : memref<16384x56x128xf32, #tpu.memory_space<hbm>> -> memref<1x56x64xf32, #tpu.memory_space<hbm>>
    %dma_start3A_467 = tpu.memref_squeeze %dma_start3A_466 : memref<1x56x64xf32, #tpu.memory_space<hbm>> -> memref<56x64xf32, #tpu.memory_space<hbm>>
    %dma_start3A_468 = arith.constant 112 : i32
    %dma_start3A_469 = arith.constant 0 : i32
    %dma_start3A_470 = tpu.memref_slice %arg6[%dma_start3A_452, %dma_start3A_468, %dma_start3A_469] : memref<4x224x64xf32, #tpu.memory_space<vmem>> -> memref<1x56x64xf32, #tpu.memory_space<vmem>>
    %dma_start3A_471 = tpu.memref_squeeze %dma_start3A_470 : memref<1x56x64xf32, #tpu.memory_space<vmem>> -> memref<56x64xf32, #tpu.memory_space<vmem>>
    tpu.enqueue_dma source(%dma_start3A_471 : memref<56x64xf32, #tpu.memory_space<vmem>>) target(%dma_start3A_467 : memref<56x64xf32, #tpu.memory_space<hbm>>) target_semaphore(%dma_start3A_463 : memref<!tpu.dma_semaphore, #tpu.memory_space<semaphore_mem>>)
    %add3A_472 = arith.constant 508 : i32
    %add3A_473 = arith.addi %mul3A_2, %add3A_472 : i32
    %add3A_474 = arith.constant 3 : i32
    %add3A_475 = arith.addi %add3A_473, %add3A_474 : i32
    %dma_start3A_476 = arith.constant 3 : i32
    %dma_start3A_477 = arith.constant 3 : i32
    %dma_start3A_478 = arith.constant 168 : i32
    %dma_start3A_479 = arith.constant 0 : i32
    %dma_start3A_480 = tpu.memref_slice %arg6[%dma_start3A_476, %dma_start3A_478, %dma_start3A_479] : memref<4x224x64xf32, #tpu.memory_space<vmem>> -> memref<1x56x64xf32, #tpu.memory_space<vmem>>
    %dma_start3A_481 = tpu.memref_squeeze %dma_start3A_480 : memref<1x56x64xf32, #tpu.memory_space<vmem>> -> memref<56x64xf32, #tpu.memory_space<vmem>>
    %dma_start3A_482 = arith.constant 0 : i32
    %dma_start3A_483 = arith.constant 0 : i32
    %dma_start3A_484 = tpu.memref_slice %arg4[%add3A_475, %dma_start3A_482, %dma_start3A_483] : memref<16384x56x128xf32, #tpu.memory_space<hbm>> -> memref<1x56x64xf32, #tpu.memory_space<hbm>>
    %dma_start3A_485 = tpu.memref_squeeze %dma_start3A_484 : memref<1x56x64xf32, #tpu.memory_space<hbm>> -> memref<56x64xf32, #tpu.memory_space<hbm>>
    %dma_start3A_486 = tpu.memref_slice %arg8[%dma_start3A_477] : memref<4x!tpu.dma_semaphore, #tpu.memory_space<semaphore_mem>> -> memref<1x!tpu.dma_semaphore, #tpu.memory_space<semaphore_mem>>
    %dma_start3A_487 = tpu.memref_squeeze %dma_start3A_486 : memref<1x!tpu.dma_semaphore, #tpu.memory_space<semaphore_mem>> -> memref<!tpu.dma_semaphore, #tpu.memory_space<semaphore_mem>>
    %dma_start3A_488 = arith.constant 0 : i32
    %dma_start3A_489 = arith.constant 0 : i32
    %dma_start3A_490 = tpu.memref_slice %arg4[%add3A_475, %dma_start3A_488, %dma_start3A_489] : memref<16384x56x128xf32, #tpu.memory_space<hbm>> -> memref<1x56x64xf32, #tpu.memory_space<hbm>>
    %dma_start3A_491 = tpu.memref_squeeze %dma_start3A_490 : memref<1x56x64xf32, #tpu.memory_space<hbm>> -> memref<56x64xf32, #tpu.memory_space<hbm>>
    %dma_start3A_492 = arith.constant 168 : i32
    %dma_start3A_493 = arith.constant 0 : i32
    %dma_start3A_494 = tpu.memref_slice %arg6[%dma_start3A_476, %dma_start3A_492, %dma_start3A_493] : memref<4x224x64xf32, #tpu.memory_space<vmem>> -> memref<1x56x64xf32, #tpu.memory_space<vmem>>
    %dma_start3A_495 = tpu.memref_squeeze %dma_start3A_494 : memref<1x56x64xf32, #tpu.memory_space<vmem>> -> memref<56x64xf32, #tpu.memory_space<vmem>>
    tpu.enqueue_dma source(%dma_start3A_495 : memref<56x64xf32, #tpu.memory_space<vmem>>) target(%dma_start3A_491 : memref<56x64xf32, #tpu.memory_space<hbm>>) target_semaphore(%dma_start3A_487 : memref<!tpu.dma_semaphore, #tpu.memory_space<semaphore_mem>>)
    %add3A_496 = arith.constant 496 : i32
    %add3A_497 = arith.addi %mul3A_2, %add3A_496 : i32
    %add3A_498 = arith.constant 0 : i32
    %add3A_499 = arith.addi %add3A_497, %add3A_498 : i32
    %dma_wait3A_500 = arith.constant 0 : i32
    %dma_wait3A_501 = arith.constant 0 : i32
    %dma_wait3A_502 = arith.constant 0 : i32
    %dma_wait3A_503 = arith.constant 0 : i32
    %dma_wait3A_504 = tpu.memref_slice %arg6[%dma_wait3A_500, %dma_wait3A_502, %dma_wait3A_503] : memref<4x224x64xf32, #tpu.memory_space<vmem>> -> memref<1x56x64xf32, #tpu.memory_space<vmem>>
    %dma_wait3A_505 = tpu.memref_squeeze %dma_wait3A_504 : memref<1x56x64xf32, #tpu.memory_space<vmem>> -> memref<56x64xf32, #tpu.memory_space<vmem>>
    %dma_wait3A_506 = arith.constant 0 : i32
    %dma_wait3A_507 = arith.constant 0 : i32
    %dma_wait3A_508 = tpu.memref_slice %arg4[%add3A_499, %dma_wait3A_506, %dma_wait3A_507] : memref<16384x56x128xf32, #tpu.memory_space<hbm>> -> memref<1x56x64xf32, #tpu.memory_space<hbm>>
    %dma_wait3A_509 = tpu.memref_squeeze %dma_wait3A_508 : memref<1x56x64xf32, #tpu.memory_space<hbm>> -> memref<56x64xf32, #tpu.memory_space<hbm>>
    %dma_wait3A_510 = tpu.memref_slice %arg8[%dma_wait3A_501] : memref<4x!tpu.dma_semaphore, #tpu.memory_space<semaphore_mem>> -> memref<1x!tpu.dma_semaphore, #tpu.memory_space<semaphore_mem>>
    %dma_wait3A_511 = tpu.memref_squeeze %dma_wait3A_510 : memref<1x!tpu.dma_semaphore, #tpu.memory_space<semaphore_mem>> -> memref<!tpu.dma_semaphore, #tpu.memory_space<semaphore_mem>>
    %dma_wait3A_512 = arith.constant 0 : i32
    %dma_wait3A_513 = arith.constant 0 : i32
    %dma_wait3A_514 = tpu.memref_slice %arg4[%add3A_499, %dma_wait3A_512, %dma_wait3A_513] : memref<16384x56x128xf32, #tpu.memory_space<hbm>> -> memref<1x56x64xf32, #tpu.memory_space<hbm>>
    %dma_wait3A_515 = tpu.memref_squeeze %dma_wait3A_514 : memref<1x56x64xf32, #tpu.memory_space<hbm>> -> memref<56x64xf32, #tpu.memory_space<hbm>>
    %dma_wait3A_516 = arith.constant 0 : i32
    %dma_wait3A_517 = arith.constant 0 : i32
    %dma_wait3A_518 = tpu.memref_slice %arg6[%dma_wait3A_500, %dma_wait3A_516, %dma_wait3A_517] : memref<4x224x64xf32, #tpu.memory_space<vmem>> -> memref<1x56x64xf32, #tpu.memory_space<vmem>>
    %dma_wait3A_519 = tpu.memref_squeeze %dma_wait3A_518 : memref<1x56x64xf32, #tpu.memory_space<vmem>> -> memref<56x64xf32, #tpu.memory_space<vmem>>
    tpu.wait_dma2 semaphore(%dma_wait3A_511 : memref<!tpu.dma_semaphore, #tpu.memory_space<semaphore_mem>>) src(%dma_wait3A_519 : memref<56x64xf32, #tpu.memory_space<vmem>>) dst(%dma_wait3A_515 : memref<56x64xf32, #tpu.memory_space<hbm>>)
    %add3A_520 = arith.constant 496 : i32
    %add3A_521 = arith.addi %mul3A_2, %add3A_520 : i32
    %add3A_522 = arith.constant 1 : i32
    %add3A_523 = arith.addi %add3A_521, %add3A_522 : i32
    %dma_wait3A_524 = arith.constant 0 : i32
    %dma_wait3A_525 = arith.constant 0 : i32
    %dma_wait3A_526 = arith.constant 56 : i32
    %dma_wait3A_527 = arith.constant 0 : i32
    %dma_wait3A_528 = tpu.memref_slice %arg6[%dma_wait3A_524, %dma_wait3A_526, %dma_wait3A_527] : memref<4x224x64xf32, #tpu.memory_space<vmem>> -> memref<1x56x64xf32, #tpu.memory_space<vmem>>
    %dma_wait3A_529 = tpu.memref_squeeze %dma_wait3A_528 : memref<1x56x64xf32, #tpu.memory_space<vmem>> -> memref<56x64xf32, #tpu.memory_space<vmem>>
    %dma_wait3A_530 = arith.constant 0 : i32
    %dma_wait3A_531 = arith.constant 0 : i32
    %dma_wait3A_532 = tpu.memref_slice %arg4[%add3A_523, %dma_wait3A_530, %dma_wait3A_531] : memref<16384x56x128xf32, #tpu.memory_space<hbm>> -> memref<1x56x64xf32, #tpu.memory_space<hbm>>
    %dma_wait3A_533 = tpu.memref_squeeze %dma_wait3A_532 : memref<1x56x64xf32, #tpu.memory_space<hbm>> -> memref<56x64xf32, #tpu.memory_space<hbm>>
    %dma_wait3A_534 = tpu.memref_slice %arg8[%dma_wait3A_525] : memref<4x!tpu.dma_semaphore, #tpu.memory_space<semaphore_mem>> -> memref<1x!tpu.dma_semaphore, #tpu.memory_space<semaphore_mem>>
    %dma_wait3A_535 = tpu.memref_squeeze %dma_wait3A_534 : memref<1x!tpu.dma_semaphore, #tpu.memory_space<semaphore_mem>> -> memref<!tpu.dma_semaphore, #tpu.memory_space<semaphore_mem>>
    %dma_wait3A_536 = arith.constant 0 : i32
    %dma_wait3A_537 = arith.constant 0 : i32
    %dma_wait3A_538 = tpu.memref_slice %arg4[%add3A_523, %dma_wait3A_536, %dma_wait3A_537] : memref<16384x56x128xf32, #tpu.memory_space<hbm>> -> memref<1x56x64xf32, #tpu.memory_space<hbm>>
    %dma_wait3A_539 = tpu.memref_squeeze %dma_wait3A_538 : memref<1x56x64xf32, #tpu.memory_space<hbm>> -> memref<56x64xf32, #tpu.memory_space<hbm>>
    %dma_wait3A_540 = arith.constant 56 : i32
    %dma_wait3A_541 = arith.constant 0 : i32
    %dma_wait3A_542 = tpu.memref_slice %arg6[%dma_wait3A_524, %dma_wait3A_540, %dma_wait3A_541] : memref<4x224x64xf32, #tpu.memory_space<vmem>> -> memref<1x56x64xf32, #tpu.memory_space<vmem>>
    %dma_wait3A_543 = tpu.memref_squeeze %dma_wait3A_542 : memref<1x56x64xf32, #tpu.memory_space<vmem>> -> memref<56x64xf32, #tpu.memory_space<vmem>>
    tpu.wait_dma2 semaphore(%dma_wait3A_535 : memref<!tpu.dma_semaphore, #tpu.memory_space<semaphore_mem>>) src(%dma_wait3A_543 : memref<56x64xf32, #tpu.memory_space<vmem>>) dst(%dma_wait3A_539 : memref<56x64xf32, #tpu.memory_space<hbm>>)
    %add3A_544 = arith.constant 496 : i32
    %add3A_545 = arith.addi %mul3A_2, %add3A_544 : i32
    %add3A_546 = arith.constant 2 : i32
    %add3A_547 = arith.addi %add3A_545, %add3A_546 : i32
    %dma_wait3A_548 = arith.constant 0 : i32
    %dma_wait3A_549 = arith.constant 0 : i32
    %dma_wait3A_550 = arith.constant 112 : i32
    %dma_wait3A_551 = arith.constant 0 : i32
    %dma_wait3A_552 = tpu.memref_slice %arg6[%dma_wait3A_548, %dma_wait3A_550, %dma_wait3A_551] : memref<4x224x64xf32, #tpu.memory_space<vmem>> -> memref<1x56x64xf32, #tpu.memory_space<vmem>>
    %dma_wait3A_553 = tpu.memref_squeeze %dma_wait3A_552 : memref<1x56x64xf32, #tpu.memory_space<vmem>> -> memref<56x64xf32, #tpu.memory_space<vmem>>
    %dma_wait3A_554 = arith.constant 0 : i32
    %dma_wait3A_555 = arith.constant 0 : i32
    %dma_wait3A_556 = tpu.memref_slice %arg4[%add3A_547, %dma_wait3A_554, %dma_wait3A_555] : memref<16384x56x128xf32, #tpu.memory_space<hbm>> -> memref<1x56x64xf32, #tpu.memory_space<hbm>>
    %dma_wait3A_557 = tpu.memref_squeeze %dma_wait3A_556 : memref<1x56x64xf32, #tpu.memory_space<hbm>> -> memref<56x64xf32, #tpu.memory_space<hbm>>
    %dma_wait3A_558 = tpu.memref_slice %arg8[%dma_wait3A_549] : memref<4x!tpu.dma_semaphore, #tpu.memory_space<semaphore_mem>> -> memref<1x!tpu.dma_semaphore, #tpu.memory_space<semaphore_mem>>
    %dma_wait3A_559 = tpu.memref_squeeze %dma_wait3A_558 : memref<1x!tpu.dma_semaphore, #tpu.memory_space<semaphore_mem>> -> memref<!tpu.dma_semaphore, #tpu.memory_space<semaphore_mem>>
    %dma_wait3A_560 = arith.constant 0 : i32
    %dma_wait3A_561 = arith.constant 0 : i32
    %dma_wait3A_562 = tpu.memref_slice %arg4[%add3A_547, %dma_wait3A_560, %dma_wait3A_561] : memref<16384x56x128xf32, #tpu.memory_space<hbm>> -> memref<1x56x64xf32, #tpu.memory_space<hbm>>
    %dma_wait3A_563 = tpu.memref_squeeze %dma_wait3A_562 : memref<1x56x64xf32, #tpu.memory_space<hbm>> -> memref<56x64xf32, #tpu.memory_space<hbm>>
    %dma_wait3A_564 = arith.constant 112 : i32
    %dma_wait3A_565 = arith.constant 0 : i32
    %dma_wait3A_566 = tpu.memref_slice %arg6[%dma_wait3A_548, %dma_wait3A_564, %dma_wait3A_565] : memref<4x224x64xf32, #tpu.memory_space<vmem>> -> memref<1x56x64xf32, #tpu.memory_space<vmem>>
    %dma_wait3A_567 = tpu.memref_squeeze %dma_wait3A_566 : memref<1x56x64xf32, #tpu.memory_space<vmem>> -> memref<56x64xf32, #tpu.memory_space<vmem>>
    tpu.wait_dma2 semaphore(%dma_wait3A_559 : memref<!tpu.dma_semaphore, #tpu.memory_space<semaphore_mem>>) src(%dma_wait3A_567 : memref<56x64xf32, #tpu.memory_space<vmem>>) dst(%dma_wait3A_563 : memref<56x64xf32, #tpu.memory_space<hbm>>)
    %add3A_568 = arith.constant 496 : i32
    %add3A_569 = arith.addi %mul3A_2, %add3A_568 : i32
    %add3A_570 = arith.constant 3 : i32
    %add3A_571 = arith.addi %add3A_569, %add3A_570 : i32
    %dma_wait3A_572 = arith.constant 0 : i32
    %dma_wait3A_573 = arith.constant 0 : i32
    %dma_wait3A_574 = arith.constant 168 : i32
    %dma_wait3A_575 = arith.constant 0 : i32
    %dma_wait3A_576 = tpu.memref_slice %arg6[%dma_wait3A_572, %dma_wait3A_574, %dma_wait3A_575] : memref<4x224x64xf32, #tpu.memory_space<vmem>> -> memref<1x56x64xf32, #tpu.memory_space<vmem>>
    %dma_wait3A_577 = tpu.memref_squeeze %dma_wait3A_576 : memref<1x56x64xf32, #tpu.memory_space<vmem>> -> memref<56x64xf32, #tpu.memory_space<vmem>>
    %dma_wait3A_578 = arith.constant 0 : i32
    %dma_wait3A_579 = arith.constant 0 : i32
    %dma_wait3A_580 = tpu.memref_slice %arg4[%add3A_571, %dma_wait3A_578, %dma_wait3A_579] : memref<16384x56x128xf32, #tpu.memory_space<hbm>> -> memref<1x56x64xf32, #tpu.memory_space<hbm>>
    %dma_wait3A_581 = tpu.memref_squeeze %dma_wait3A_580 : memref<1x56x64xf32, #tpu.memory_space<hbm>> -> memref<56x64xf32, #tpu.memory_space<hbm>>
    %dma_wait3A_582 = tpu.memref_slice %arg8[%dma_wait3A_573] : memref<4x!tpu.dma_semaphore, #tpu.memory_space<semaphore_mem>> -> memref<1x!tpu.dma_semaphore, #tpu.memory_space<semaphore_mem>>
    %dma_wait3A_583 = tpu.memref_squeeze %dma_wait3A_582 : memref<1x!tpu.dma_semaphore, #tpu.memory_space<semaphore_mem>> -> memref<!tpu.dma_semaphore, #tpu.memory_space<semaphore_mem>>
    %dma_wait3A_584 = arith.constant 0 : i32
    %dma_wait3A_585 = arith.constant 0 : i32
    %dma_wait3A_586 = tpu.memref_slice %arg4[%add3A_571, %dma_wait3A_584, %dma_wait3A_585] : memref<16384x56x128xf32, #tpu.memory_space<hbm>> -> memref<1x56x64xf32, #tpu.memory_space<hbm>>
    %dma_wait3A_587 = tpu.memref_squeeze %dma_wait3A_586 : memref<1x56x64xf32, #tpu.memory_space<hbm>> -> memref<56x64xf32, #tpu.memory_space<hbm>>
    %dma_wait3A_588 = arith.constant 168 : i32
    %dma_wait3A_589 = arith.constant 0 : i32
    %dma_wait3A_590 = tpu.memref_slice %arg6[%dma_wait3A_572, %dma_wait3A_588, %dma_wait3A_589] : memref<4x224x64xf32, #tpu.memory_space<vmem>> -> memref<1x56x64xf32, #tpu.memory_space<vmem>>
    %dma_wait3A_591 = tpu.memref_squeeze %dma_wait3A_590 : memref<1x56x64xf32, #tpu.memory_space<vmem>> -> memref<56x64xf32, #tpu.memory_space<vmem>>
    tpu.wait_dma2 semaphore(%dma_wait3A_583 : memref<!tpu.dma_semaphore, #tpu.memory_space<semaphore_mem>>) src(%dma_wait3A_591 : memref<56x64xf32, #tpu.memory_space<vmem>>) dst(%dma_wait3A_587 : memref<56x64xf32, #tpu.memory_space<hbm>>)
    %add3A_592 = arith.constant 500 : i32
    %add3A_593 = arith.addi %mul3A_2, %add3A_592 : i32
    %add3A_594 = arith.constant 0 : i32
    %add3A_595 = arith.addi %add3A_593, %add3A_594 : i32
    %dma_wait3A_596 = arith.constant 1 : i32
    %dma_wait3A_597 = arith.constant 1 : i32
    %dma_wait3A_598 = arith.constant 0 : i32
    %dma_wait3A_599 = arith.constant 0 : i32
    %dma_wait3A_600 = tpu.memref_slice %arg6[%dma_wait3A_596, %dma_wait3A_598, %dma_wait3A_599] : memref<4x224x64xf32, #tpu.memory_space<vmem>> -> memref<1x56x64xf32, #tpu.memory_space<vmem>>
    %dma_wait3A_601 = tpu.memref_squeeze %dma_wait3A_600 : memref<1x56x64xf32, #tpu.memory_space<vmem>> -> memref<56x64xf32, #tpu.memory_space<vmem>>
    %dma_wait3A_602 = arith.constant 0 : i32
    %dma_wait3A_603 = arith.constant 0 : i32
    %dma_wait3A_604 = tpu.memref_slice %arg4[%add3A_595, %dma_wait3A_602, %dma_wait3A_603] : memref<16384x56x128xf32, #tpu.memory_space<hbm>> -> memref<1x56x64xf32, #tpu.memory_space<hbm>>
    %dma_wait3A_605 = tpu.memref_squeeze %dma_wait3A_604 : memref<1x56x64xf32, #tpu.memory_space<hbm>> -> memref<56x64xf32, #tpu.memory_space<hbm>>
    %dma_wait3A_606 = tpu.memref_slice %arg8[%dma_wait3A_597] : memref<4x!tpu.dma_semaphore, #tpu.memory_space<semaphore_mem>> -> memref<1x!tpu.dma_semaphore, #tpu.memory_space<semaphore_mem>>
    %dma_wait3A_607 = tpu.memref_squeeze %dma_wait3A_606 : memref<1x!tpu.dma_semaphore, #tpu.memory_space<semaphore_mem>> -> memref<!tpu.dma_semaphore, #tpu.memory_space<semaphore_mem>>
    %dma_wait3A_608 = arith.constant 0 : i32
    %dma_wait3A_609 = arith.constant 0 : i32
    %dma_wait3A_610 = tpu.memref_slice %arg4[%add3A_595, %dma_wait3A_608, %dma_wait3A_609] : memref<16384x56x128xf32, #tpu.memory_space<hbm>> -> memref<1x56x64xf32, #tpu.memory_space<hbm>>
    %dma_wait3A_611 = tpu.memref_squeeze %dma_wait3A_610 : memref<1x56x64xf32, #tpu.memory_space<hbm>> -> memref<56x64xf32, #tpu.memory_space<hbm>>
    %dma_wait3A_612 = arith.constant 0 : i32
    %dma_wait3A_613 = arith.constant 0 : i32
    %dma_wait3A_614 = tpu.memref_slice %arg6[%dma_wait3A_596, %dma_wait3A_612, %dma_wait3A_613] : memref<4x224x64xf32, #tpu.memory_space<vmem>> -> memref<1x56x64xf32, #tpu.memory_space<vmem>>
    %dma_wait3A_615 = tpu.memref_squeeze %dma_wait3A_614 : memref<1x56x64xf32, #tpu.memory_space<vmem>> -> memref<56x64xf32, #tpu.memory_space<vmem>>
    tpu.wait_dma2 semaphore(%dma_wait3A_607 : memref<!tpu.dma_semaphore, #tpu.memory_space<semaphore_mem>>) src(%dma_wait3A_615 : memref<56x64xf32, #tpu.memory_space<vmem>>) dst(%dma_wait3A_611 : memref<56x64xf32, #tpu.memory_space<hbm>>)
    %add3A_616 = arith.constant 500 : i32
    %add3A_617 = arith.addi %mul3A_2, %add3A_616 : i32
    %add3A_618 = arith.constant 1 : i32
    %add3A_619 = arith.addi %add3A_617, %add3A_618 : i32
    %dma_wait3A_620 = arith.constant 1 : i32
    %dma_wait3A_621 = arith.constant 1 : i32
    %dma_wait3A_622 = arith.constant 56 : i32
    %dma_wait3A_623 = arith.constant 0 : i32
    %dma_wait3A_624 = tpu.memref_slice %arg6[%dma_wait3A_620, %dma_wait3A_622, %dma_wait3A_623] : memref<4x224x64xf32, #tpu.memory_space<vmem>> -> memref<1x56x64xf32, #tpu.memory_space<vmem>>
    %dma_wait3A_625 = tpu.memref_squeeze %dma_wait3A_624 : memref<1x56x64xf32, #tpu.memory_space<vmem>> -> memref<56x64xf32, #tpu.memory_space<vmem>>
    %dma_wait3A_626 = arith.constant 0 : i32
    %dma_wait3A_627 = arith.constant 0 : i32
    %dma_wait3A_628 = tpu.memref_slice %arg4[%add3A_619, %dma_wait3A_626, %dma_wait3A_627] : memref<16384x56x128xf32, #tpu.memory_space<hbm>> -> memref<1x56x64xf32, #tpu.memory_space<hbm>>
    %dma_wait3A_629 = tpu.memref_squeeze %dma_wait3A_628 : memref<1x56x64xf32, #tpu.memory_space<hbm>> -> memref<56x64xf32, #tpu.memory_space<hbm>>
    %dma_wait3A_630 = tpu.memref_slice %arg8[%dma_wait3A_621] : memref<4x!tpu.dma_semaphore, #tpu.memory_space<semaphore_mem>> -> memref<1x!tpu.dma_semaphore, #tpu.memory_space<semaphore_mem>>
    %dma_wait3A_631 = tpu.memref_squeeze %dma_wait3A_630 : memref<1x!tpu.dma_semaphore, #tpu.memory_space<semaphore_mem>> -> memref<!tpu.dma_semaphore, #tpu.memory_space<semaphore_mem>>
    %dma_wait3A_632 = arith.constant 0 : i32
    %dma_wait3A_633 = arith.constant 0 : i32
    %dma_wait3A_634 = tpu.memref_slice %arg4[%add3A_619, %dma_wait3A_632, %dma_wait3A_633] : memref<16384x56x128xf32, #tpu.memory_space<hbm>> -> memref<1x56x64xf32, #tpu.memory_space<hbm>>
    %dma_wait3A_635 = tpu.memref_squeeze %dma_wait3A_634 : memref<1x56x64xf32, #tpu.memory_space<hbm>> -> memref<56x64xf32, #tpu.memory_space<hbm>>
    %dma_wait3A_636 = arith.constant 56 : i32
    %dma_wait3A_637 = arith.constant 0 : i32
    %dma_wait3A_638 = tpu.memref_slice %arg6[%dma_wait3A_620, %dma_wait3A_636, %dma_wait3A_637] : memref<4x224x64xf32, #tpu.memory_space<vmem>> -> memref<1x56x64xf32, #tpu.memory_space<vmem>>
    %dma_wait3A_639 = tpu.memref_squeeze %dma_wait3A_638 : memref<1x56x64xf32, #tpu.memory_space<vmem>> -> memref<56x64xf32, #tpu.memory_space<vmem>>
    tpu.wait_dma2 semaphore(%dma_wait3A_631 : memref<!tpu.dma_semaphore, #tpu.memory_space<semaphore_mem>>) src(%dma_wait3A_639 : memref<56x64xf32, #tpu.memory_space<vmem>>) dst(%dma_wait3A_635 : memref<56x64xf32, #tpu.memory_space<hbm>>)
    %add3A_640 = arith.constant 500 : i32
    %add3A_641 = arith.addi %mul3A_2, %add3A_640 : i32
    %add3A_642 = arith.constant 2 : i32
    %add3A_643 = arith.addi %add3A_641, %add3A_642 : i32
    %dma_wait3A_644 = arith.constant 1 : i32
    %dma_wait3A_645 = arith.constant 1 : i32
    %dma_wait3A_646 = arith.constant 112 : i32
    %dma_wait3A_647 = arith.constant 0 : i32
    %dma_wait3A_648 = tpu.memref_slice %arg6[%dma_wait3A_644, %dma_wait3A_646, %dma_wait3A_647] : memref<4x224x64xf32, #tpu.memory_space<vmem>> -> memref<1x56x64xf32, #tpu.memory_space<vmem>>
    %dma_wait3A_649 = tpu.memref_squeeze %dma_wait3A_648 : memref<1x56x64xf32, #tpu.memory_space<vmem>> -> memref<56x64xf32, #tpu.memory_space<vmem>>
    %dma_wait3A_650 = arith.constant 0 : i32
    %dma_wait3A_651 = arith.constant 0 : i32
    %dma_wait3A_652 = tpu.memref_slice %arg4[%add3A_643, %dma_wait3A_650, %dma_wait3A_651] : memref<16384x56x128xf32, #tpu.memory_space<hbm>> -> memref<1x56x64xf32, #tpu.memory_space<hbm>>
    %dma_wait3A_653 = tpu.memref_squeeze %dma_wait3A_652 : memref<1x56x64xf32, #tpu.memory_space<hbm>> -> memref<56x64xf32, #tpu.memory_space<hbm>>
    %dma_wait3A_654 = tpu.memref_slice %arg8[%dma_wait3A_645] : memref<4x!tpu.dma_semaphore, #tpu.memory_space<semaphore_mem>> -> memref<1x!tpu.dma_semaphore, #tpu.memory_space<semaphore_mem>>
    %dma_wait3A_655 = tpu.memref_squeeze %dma_wait3A_654 : memref<1x!tpu.dma_semaphore, #tpu.memory_space<semaphore_mem>> -> memref<!tpu.dma_semaphore, #tpu.memory_space<semaphore_mem>>
    %dma_wait3A_656 = arith.constant 0 : i32
    %dma_wait3A_657 = arith.constant 0 : i32
    %dma_wait3A_658 = tpu.memref_slice %arg4[%add3A_643, %dma_wait3A_656, %dma_wait3A_657] : memref<16384x56x128xf32, #tpu.memory_space<hbm>> -> memref<1x56x64xf32, #tpu.memory_space<hbm>>
    %dma_wait3A_659 = tpu.memref_squeeze %dma_wait3A_658 : memref<1x56x64xf32, #tpu.memory_space<hbm>> -> memref<56x64xf32, #tpu.memory_space<hbm>>
    %dma_wait3A_660 = arith.constant 112 : i32
    %dma_wait3A_661 = arith.constant 0 : i32
    %dma_wait3A_662 = tpu.memref_slice %arg6[%dma_wait3A_644, %dma_wait3A_660, %dma_wait3A_661] : memref<4x224x64xf32, #tpu.memory_space<vmem>> -> memref<1x56x64xf32, #tpu.memory_space<vmem>>
    %dma_wait3A_663 = tpu.memref_squeeze %dma_wait3A_662 : memref<1x56x64xf32, #tpu.memory_space<vmem>> -> memref<56x64xf32, #tpu.memory_space<vmem>>
    tpu.wait_dma2 semaphore(%dma_wait3A_655 : memref<!tpu.dma_semaphore, #tpu.memory_space<semaphore_mem>>) src(%dma_wait3A_663 : memref<56x64xf32, #tpu.memory_space<vmem>>) dst(%dma_wait3A_659 : memref<56x64xf32, #tpu.memory_space<hbm>>)
    %add3A_664 = arith.constant 500 : i32
    %add3A_665 = arith.addi %mul3A_2, %add3A_664 : i32
    %add3A_666 = arith.constant 3 : i32
    %add3A_667 = arith.addi %add3A_665, %add3A_666 : i32
    %dma_wait3A_668 = arith.constant 1 : i32
    %dma_wait3A_669 = arith.constant 1 : i32
    %dma_wait3A_670 = arith.constant 168 : i32
    %dma_wait3A_671 = arith.constant 0 : i32
    %dma_wait3A_672 = tpu.memref_slice %arg6[%dma_wait3A_668, %dma_wait3A_670, %dma_wait3A_671] : memref<4x224x64xf32, #tpu.memory_space<vmem>> -> memref<1x56x64xf32, #tpu.memory_space<vmem>>
    %dma_wait3A_673 = tpu.memref_squeeze %dma_wait3A_672 : memref<1x56x64xf32, #tpu.memory_space<vmem>> -> memref<56x64xf32, #tpu.memory_space<vmem>>
    %dma_wait3A_674 = arith.constant 0 : i32
    %dma_wait3A_675 = arith.constant 0 : i32
    %dma_wait3A_676 = tpu.memref_slice %arg4[%add3A_667, %dma_wait3A_674, %dma_wait3A_675] : memref<16384x56x128xf32, #tpu.memory_space<hbm>> -> memref<1x56x64xf32, #tpu.memory_space<hbm>>
    %dma_wait3A_677 = tpu.memref_squeeze %dma_wait3A_676 : memref<1x56x64xf32, #tpu.memory_space<hbm>> -> memref<56x64xf32, #tpu.memory_space<hbm>>
    %dma_wait3A_678 = tpu.memref_slice %arg8[%dma_wait3A_669] : memref<4x!tpu.dma_semaphore, #tpu.memory_space<semaphore_mem>> -> memref<1x!tpu.dma_semaphore, #tpu.memory_space<semaphore_mem>>
    %dma_wait3A_679 = tpu.memref_squeeze %dma_wait3A_678 : memref<1x!tpu.dma_semaphore, #tpu.memory_space<semaphore_mem>> -> memref<!tpu.dma_semaphore, #tpu.memory_space<semaphore_mem>>
    %dma_wait3A_680 = arith.constant 0 : i32
    %dma_wait3A_681 = arith.constant 0 : i32
    %dma_wait3A_682 = tpu.memref_slice %arg4[%add3A_667, %dma_wait3A_680, %dma_wait3A_681] : memref<16384x56x128xf32, #tpu.memory_space<hbm>> -> memref<1x56x64xf32, #tpu.memory_space<hbm>>
    %dma_wait3A_683 = tpu.memref_squeeze %dma_wait3A_682 : memref<1x56x64xf32, #tpu.memory_space<hbm>> -> memref<56x64xf32, #tpu.memory_space<hbm>>
    %dma_wait3A_684 = arith.constant 168 : i32
    %dma_wait3A_685 = arith.constant 0 : i32
    %dma_wait3A_686 = tpu.memref_slice %arg6[%dma_wait3A_668, %dma_wait3A_684, %dma_wait3A_685] : memref<4x224x64xf32, #tpu.memory_space<vmem>> -> memref<1x56x64xf32, #tpu.memory_space<vmem>>
    %dma_wait3A_687 = tpu.memref_squeeze %dma_wait3A_686 : memref<1x56x64xf32, #tpu.memory_space<vmem>> -> memref<56x64xf32, #tpu.memory_space<vmem>>
    tpu.wait_dma2 semaphore(%dma_wait3A_679 : memref<!tpu.dma_semaphore, #tpu.memory_space<semaphore_mem>>) src(%dma_wait3A_687 : memref<56x64xf32, #tpu.memory_space<vmem>>) dst(%dma_wait3A_683 : memref<56x64xf32, #tpu.memory_space<hbm>>)
    %add3A_688 = arith.constant 504 : i32
    %add3A_689 = arith.addi %mul3A_2, %add3A_688 : i32
    %add3A_690 = arith.constant 0 : i32
    %add3A_691 = arith.addi %add3A_689, %add3A_690 : i32
    %dma_wait3A_692 = arith.constant 2 : i32
    %dma_wait3A_693 = arith.constant 2 : i32
    %dma_wait3A_694 = arith.constant 0 : i32
    %dma_wait3A_695 = arith.constant 0 : i32
    %dma_wait3A_696 = tpu.memref_slice %arg6[%dma_wait3A_692, %dma_wait3A_694, %dma_wait3A_695] : memref<4x224x64xf32, #tpu.memory_space<vmem>> -> memref<1x56x64xf32, #tpu.memory_space<vmem>>
    %dma_wait3A_697 = tpu.memref_squeeze %dma_wait3A_696 : memref<1x56x64xf32, #tpu.memory_space<vmem>> -> memref<56x64xf32, #tpu.memory_space<vmem>>
    %dma_wait3A_698 = arith.constant 0 : i32
    %dma_wait3A_699 = arith.constant 0 : i32
    %dma_wait3A_700 = tpu.memref_slice %arg4[%add3A_691, %dma_wait3A_698, %dma_wait3A_699] : memref<16384x56x128xf32, #tpu.memory_space<hbm>> -> memref<1x56x64xf32, #tpu.memory_space<hbm>>
    %dma_wait3A_701 = tpu.memref_squeeze %dma_wait3A_700 : memref<1x56x64xf32, #tpu.memory_space<hbm>> -> memref<56x64xf32, #tpu.memory_space<hbm>>
    %dma_wait3A_702 = tpu.memref_slice %arg8[%dma_wait3A_693] : memref<4x!tpu.dma_semaphore, #tpu.memory_space<semaphore_mem>> -> memref<1x!tpu.dma_semaphore, #tpu.memory_space<semaphore_mem>>
    %dma_wait3A_703 = tpu.memref_squeeze %dma_wait3A_702 : memref<1x!tpu.dma_semaphore, #tpu.memory_space<semaphore_mem>> -> memref<!tpu.dma_semaphore, #tpu.memory_space<semaphore_mem>>
    %dma_wait3A_704 = arith.constant 0 : i32
    %dma_wait3A_705 = arith.constant 0 : i32
    %dma_wait3A_706 = tpu.memref_slice %arg4[%add3A_691, %dma_wait3A_704, %dma_wait3A_705] : memref<16384x56x128xf32, #tpu.memory_space<hbm>> -> memref<1x56x64xf32, #tpu.memory_space<hbm>>
    %dma_wait3A_707 = tpu.memref_squeeze %dma_wait3A_706 : memref<1x56x64xf32, #tpu.memory_space<hbm>> -> memref<56x64xf32, #tpu.memory_space<hbm>>
    %dma_wait3A_708 = arith.constant 0 : i32
    %dma_wait3A_709 = arith.constant 0 : i32
    %dma_wait3A_710 = tpu.memref_slice %arg6[%dma_wait3A_692, %dma_wait3A_708, %dma_wait3A_709] : memref<4x224x64xf32, #tpu.memory_space<vmem>> -> memref<1x56x64xf32, #tpu.memory_space<vmem>>
    %dma_wait3A_711 = tpu.memref_squeeze %dma_wait3A_710 : memref<1x56x64xf32, #tpu.memory_space<vmem>> -> memref<56x64xf32, #tpu.memory_space<vmem>>
    tpu.wait_dma2 semaphore(%dma_wait3A_703 : memref<!tpu.dma_semaphore, #tpu.memory_space<semaphore_mem>>) src(%dma_wait3A_711 : memref<56x64xf32, #tpu.memory_space<vmem>>) dst(%dma_wait3A_707 : memref<56x64xf32, #tpu.memory_space<hbm>>)
    %add3A_712 = arith.constant 504 : i32
    %add3A_713 = arith.addi %mul3A_2, %add3A_712 : i32
    %add3A_714 = arith.constant 1 : i32
    %add3A_715 = arith.addi %add3A_713, %add3A_714 : i32
    %dma_wait3A_716 = arith.constant 2 : i32
    %dma_wait3A_717 = arith.constant 2 : i32
    %dma_wait3A_718 = arith.constant 56 : i32
    %dma_wait3A_719 = arith.constant 0 : i32
    %dma_wait3A_720 = tpu.memref_slice %arg6[%dma_wait3A_716, %dma_wait3A_718, %dma_wait3A_719] : memref<4x224x64xf32, #tpu.memory_space<vmem>> -> memref<1x56x64xf32, #tpu.memory_space<vmem>>
    %dma_wait3A_721 = tpu.memref_squeeze %dma_wait3A_720 : memref<1x56x64xf32, #tpu.memory_space<vmem>> -> memref<56x64xf32, #tpu.memory_space<vmem>>
    %dma_wait3A_722 = arith.constant 0 : i32
    %dma_wait3A_723 = arith.constant 0 : i32
    %dma_wait3A_724 = tpu.memref_slice %arg4[%add3A_715, %dma_wait3A_722, %dma_wait3A_723] : memref<16384x56x128xf32, #tpu.memory_space<hbm>> -> memref<1x56x64xf32, #tpu.memory_space<hbm>>
    %dma_wait3A_725 = tpu.memref_squeeze %dma_wait3A_724 : memref<1x56x64xf32, #tpu.memory_space<hbm>> -> memref<56x64xf32, #tpu.memory_space<hbm>>
    %dma_wait3A_726 = tpu.memref_slice %arg8[%dma_wait3A_717] : memref<4x!tpu.dma_semaphore, #tpu.memory_space<semaphore_mem>> -> memref<1x!tpu.dma_semaphore, #tpu.memory_space<semaphore_mem>>
    %dma_wait3A_727 = tpu.memref_squeeze %dma_wait3A_726 : memref<1x!tpu.dma_semaphore, #tpu.memory_space<semaphore_mem>> -> memref<!tpu.dma_semaphore, #tpu.memory_space<semaphore_mem>>
    %dma_wait3A_728 = arith.constant 0 : i32
    %dma_wait3A_729 = arith.constant 0 : i32
    %dma_wait3A_730 = tpu.memref_slice %arg4[%add3A_715, %dma_wait3A_728, %dma_wait3A_729] : memref<16384x56x128xf32, #tpu.memory_space<hbm>> -> memref<1x56x64xf32, #tpu.memory_space<hbm>>
    %dma_wait3A_731 = tpu.memref_squeeze %dma_wait3A_730 : memref<1x56x64xf32, #tpu.memory_space<hbm>> -> memref<56x64xf32, #tpu.memory_space<hbm>>
    %dma_wait3A_732 = arith.constant 56 : i32
    %dma_wait3A_733 = arith.constant 0 : i32
    %dma_wait3A_734 = tpu.memref_slice %arg6[%dma_wait3A_716, %dma_wait3A_732, %dma_wait3A_733] : memref<4x224x64xf32, #tpu.memory_space<vmem>> -> memref<1x56x64xf32, #tpu.memory_space<vmem>>
    %dma_wait3A_735 = tpu.memref_squeeze %dma_wait3A_734 : memref<1x56x64xf32, #tpu.memory_space<vmem>> -> memref<56x64xf32, #tpu.memory_space<vmem>>
    tpu.wait_dma2 semaphore(%dma_wait3A_727 : memref<!tpu.dma_semaphore, #tpu.memory_space<semaphore_mem>>) src(%dma_wait3A_735 : memref<56x64xf32, #tpu.memory_space<vmem>>) dst(%dma_wait3A_731 : memref<56x64xf32, #tpu.memory_space<hbm>>)
    %add3A_736 = arith.constant 504 : i32
    %add3A_737 = arith.addi %mul3A_2, %add3A_736 : i32
    %add3A_738 = arith.constant 2 : i32
    %add3A_739 = arith.addi %add3A_737, %add3A_738 : i32
    %dma_wait3A_740 = arith.constant 2 : i32
    %dma_wait3A_741 = arith.constant 2 : i32
    %dma_wait3A_742 = arith.constant 112 : i32
    %dma_wait3A_743 = arith.constant 0 : i32
    %dma_wait3A_744 = tpu.memref_slice %arg6[%dma_wait3A_740, %dma_wait3A_742, %dma_wait3A_743] : memref<4x224x64xf32, #tpu.memory_space<vmem>> -> memref<1x56x64xf32, #tpu.memory_space<vmem>>
    %dma_wait3A_745 = tpu.memref_squeeze %dma_wait3A_744 : memref<1x56x64xf32, #tpu.memory_space<vmem>> -> memref<56x64xf32, #tpu.memory_space<vmem>>
    %dma_wait3A_746 = arith.constant 0 : i32
    %dma_wait3A_747 = arith.constant 0 : i32
    %dma_wait3A_748 = tpu.memref_slice %arg4[%add3A_739, %dma_wait3A_746, %dma_wait3A_747] : memref<16384x56x128xf32, #tpu.memory_space<hbm>> -> memref<1x56x64xf32, #tpu.memory_space<hbm>>
    %dma_wait3A_749 = tpu.memref_squeeze %dma_wait3A_748 : memref<1x56x64xf32, #tpu.memory_space<hbm>> -> memref<56x64xf32, #tpu.memory_space<hbm>>
    %dma_wait3A_750 = tpu.memref_slice %arg8[%dma_wait3A_741] : memref<4x!tpu.dma_semaphore, #tpu.memory_space<semaphore_mem>> -> memref<1x!tpu.dma_semaphore, #tpu.memory_space<semaphore_mem>>
    %dma_wait3A_751 = tpu.memref_squeeze %dma_wait3A_750 : memref<1x!tpu.dma_semaphore, #tpu.memory_space<semaphore_mem>> -> memref<!tpu.dma_semaphore, #tpu.memory_space<semaphore_mem>>
    %dma_wait3A_752 = arith.constant 0 : i32
    %dma_wait3A_753 = arith.constant 0 : i32
    %dma_wait3A_754 = tpu.memref_slice %arg4[%add3A_739, %dma_wait3A_752, %dma_wait3A_753] : memref<16384x56x128xf32, #tpu.memory_space<hbm>> -> memref<1x56x64xf32, #tpu.memory_space<hbm>>
    %dma_wait3A_755 = tpu.memref_squeeze %dma_wait3A_754 : memref<1x56x64xf32, #tpu.memory_space<hbm>> -> memref<56x64xf32, #tpu.memory_space<hbm>>
    %dma_wait3A_756 = arith.constant 112 : i32
    %dma_wait3A_757 = arith.constant 0 : i32
    %dma_wait3A_758 = tpu.memref_slice %arg6[%dma_wait3A_740, %dma_wait3A_756, %dma_wait3A_757] : memref<4x224x64xf32, #tpu.memory_space<vmem>> -> memref<1x56x64xf32, #tpu.memory_space<vmem>>
    %dma_wait3A_759 = tpu.memref_squeeze %dma_wait3A_758 : memref<1x56x64xf32, #tpu.memory_space<vmem>> -> memref<56x64xf32, #tpu.memory_space<vmem>>
    tpu.wait_dma2 semaphore(%dma_wait3A_751 : memref<!tpu.dma_semaphore, #tpu.memory_space<semaphore_mem>>) src(%dma_wait3A_759 : memref<56x64xf32, #tpu.memory_space<vmem>>) dst(%dma_wait3A_755 : memref<56x64xf32, #tpu.memory_space<hbm>>)
    %add3A_760 = arith.constant 504 : i32
    %add3A_761 = arith.addi %mul3A_2, %add3A_760 : i32
    %add3A_762 = arith.constant 3 : i32
    %add3A_763 = arith.addi %add3A_761, %add3A_762 : i32
    %dma_wait3A_764 = arith.constant 2 : i32
    %dma_wait3A_765 = arith.constant 2 : i32
    %dma_wait3A_766 = arith.constant 168 : i32
    %dma_wait3A_767 = arith.constant 0 : i32
    %dma_wait3A_768 = tpu.memref_slice %arg6[%dma_wait3A_764, %dma_wait3A_766, %dma_wait3A_767] : memref<4x224x64xf32, #tpu.memory_space<vmem>> -> memref<1x56x64xf32, #tpu.memory_space<vmem>>
    %dma_wait3A_769 = tpu.memref_squeeze %dma_wait3A_768 : memref<1x56x64xf32, #tpu.memory_space<vmem>> -> memref<56x64xf32, #tpu.memory_space<vmem>>
    %dma_wait3A_770 = arith.constant 0 : i32
    %dma_wait3A_771 = arith.constant 0 : i32
    %dma_wait3A_772 = tpu.memref_slice %arg4[%add3A_763, %dma_wait3A_770, %dma_wait3A_771] : memref<16384x56x128xf32, #tpu.memory_space<hbm>> -> memref<1x56x64xf32, #tpu.memory_space<hbm>>
    %dma_wait3A_773 = tpu.memref_squeeze %dma_wait3A_772 : memref<1x56x64xf32, #tpu.memory_space<hbm>> -> memref<56x64xf32, #tpu.memory_space<hbm>>
    %dma_wait3A_774 = tpu.memref_slice %arg8[%dma_wait3A_765] : memref<4x!tpu.dma_semaphore, #tpu.memory_space<semaphore_mem>> -> memref<1x!tpu.dma_semaphore, #tpu.memory_space<semaphore_mem>>
    %dma_wait3A_775 = tpu.memref_squeeze %dma_wait3A_774 : memref<1x!tpu.dma_semaphore, #tpu.memory_space<semaphore_mem>> -> memref<!tpu.dma_semaphore, #tpu.memory_space<semaphore_mem>>
    %dma_wait3A_776 = arith.constant 0 : i32
    %dma_wait3A_777 = arith.constant 0 : i32
    %dma_wait3A_778 = tpu.memref_slice %arg4[%add3A_763, %dma_wait3A_776, %dma_wait3A_777] : memref<16384x56x128xf32, #tpu.memory_space<hbm>> -> memref<1x56x64xf32, #tpu.memory_space<hbm>>
    %dma_wait3A_779 = tpu.memref_squeeze %dma_wait3A_778 : memref<1x56x64xf32, #tpu.memory_space<hbm>> -> memref<56x64xf32, #tpu.memory_space<hbm>>
    %dma_wait3A_780 = arith.constant 168 : i32
    %dma_wait3A_781 = arith.constant 0 : i32
    %dma_wait3A_782 = tpu.memref_slice %arg6[%dma_wait3A_764, %dma_wait3A_780, %dma_wait3A_781] : memref<4x224x64xf32, #tpu.memory_space<vmem>> -> memref<1x56x64xf32, #tpu.memory_space<vmem>>
    %dma_wait3A_783 = tpu.memref_squeeze %dma_wait3A_782 : memref<1x56x64xf32, #tpu.memory_space<vmem>> -> memref<56x64xf32, #tpu.memory_space<vmem>>
    tpu.wait_dma2 semaphore(%dma_wait3A_775 : memref<!tpu.dma_semaphore, #tpu.memory_space<semaphore_mem>>) src(%dma_wait3A_783 : memref<56x64xf32, #tpu.memory_space<vmem>>) dst(%dma_wait3A_779 : memref<56x64xf32, #tpu.memory_space<hbm>>)
    %add3A_784 = arith.constant 508 : i32
    %add3A_785 = arith.addi %mul3A_2, %add3A_784 : i32
    %add3A_786 = arith.constant 0 : i32
    %add3A_787 = arith.addi %add3A_785, %add3A_786 : i32
    %dma_wait3A_788 = arith.constant 3 : i32
    %dma_wait3A_789 = arith.constant 3 : i32
    %dma_wait3A_790 = arith.constant 0 : i32
    %dma_wait3A_791 = arith.constant 0 : i32
    %dma_wait3A_792 = tpu.memref_slice %arg6[%dma_wait3A_788, %dma_wait3A_790, %dma_wait3A_791] : memref<4x224x64xf32, #tpu.memory_space<vmem>> -> memref<1x56x64xf32, #tpu.memory_space<vmem>>
    %dma_wait3A_793 = tpu.memref_squeeze %dma_wait3A_792 : memref<1x56x64xf32, #tpu.memory_space<vmem>> -> memref<56x64xf32, #tpu.memory_space<vmem>>
    %dma_wait3A_794 = arith.constant 0 : i32
    %dma_wait3A_795 = arith.constant 0 : i32
    %dma_wait3A_796 = tpu.memref_slice %arg4[%add3A_787, %dma_wait3A_794, %dma_wait3A_795] : memref<16384x56x128xf32, #tpu.memory_space<hbm>> -> memref<1x56x64xf32, #tpu.memory_space<hbm>>
    %dma_wait3A_797 = tpu.memref_squeeze %dma_wait3A_796 : memref<1x56x64xf32, #tpu.memory_space<hbm>> -> memref<56x64xf32, #tpu.memory_space<hbm>>
    %dma_wait3A_798 = tpu.memref_slice %arg8[%dma_wait3A_789] : memref<4x!tpu.dma_semaphore, #tpu.memory_space<semaphore_mem>> -> memref<1x!tpu.dma_semaphore, #tpu.memory_space<semaphore_mem>>
    %dma_wait3A_799 = tpu.memref_squeeze %dma_wait3A_798 : memref<1x!tpu.dma_semaphore, #tpu.memory_space<semaphore_mem>> -> memref<!tpu.dma_semaphore, #tpu.memory_space<semaphore_mem>>
    %dma_wait3A_800 = arith.constant 0 : i32
    %dma_wait3A_801 = arith.constant 0 : i32
    %dma_wait3A_802 = tpu.memref_slice %arg4[%add3A_787, %dma_wait3A_800, %dma_wait3A_801] : memref<16384x56x128xf32, #tpu.memory_space<hbm>> -> memref<1x56x64xf32, #tpu.memory_space<hbm>>
    %dma_wait3A_803 = tpu.memref_squeeze %dma_wait3A_802 : memref<1x56x64xf32, #tpu.memory_space<hbm>> -> memref<56x64xf32, #tpu.memory_space<hbm>>
    %dma_wait3A_804 = arith.constant 0 : i32
    %dma_wait3A_805 = arith.constant 0 : i32
    %dma_wait3A_806 = tpu.memref_slice %arg6[%dma_wait3A_788, %dma_wait3A_804, %dma_wait3A_805] : memref<4x224x64xf32, #tpu.memory_space<vmem>> -> memref<1x56x64xf32, #tpu.memory_space<vmem>>
    %dma_wait3A_807 = tpu.memref_squeeze %dma_wait3A_806 : memref<1x56x64xf32, #tpu.memory_space<vmem>> -> memref<56x64xf32, #tpu.memory_space<vmem>>
    tpu.wait_dma2 semaphore(%dma_wait3A_799 : memref<!tpu.dma_semaphore, #tpu.memory_space<semaphore_mem>>) src(%dma_wait3A_807 : memref<56x64xf32, #tpu.memory_space<vmem>>) dst(%dma_wait3A_803 : memref<56x64xf32, #tpu.memory_space<hbm>>)
    %add3A_808 = arith.constant 508 : i32
    %add3A_809 = arith.addi %mul3A_2, %add3A_808 : i32
    %add3A_810 = arith.constant 1 : i32
    %add3A_811 = arith.addi %add3A_809, %add3A_810 : i32
    %dma_wait3A_812 = arith.constant 3 : i32
    %dma_wait3A_813 = arith.constant 3 : i32
    %dma_wait3A_814 = arith.constant 56 : i32
    %dma_wait3A_815 = arith.constant 0 : i32
    %dma_wait3A_816 = tpu.memref_slice %arg6[%dma_wait3A_812, %dma_wait3A_814, %dma_wait3A_815] : memref<4x224x64xf32, #tpu.memory_space<vmem>> -> memref<1x56x64xf32, #tpu.memory_space<vmem>>
    %dma_wait3A_817 = tpu.memref_squeeze %dma_wait3A_816 : memref<1x56x64xf32, #tpu.memory_space<vmem>> -> memref<56x64xf32, #tpu.memory_space<vmem>>
    %dma_wait3A_818 = arith.constant 0 : i32
    %dma_wait3A_819 = arith.constant 0 : i32
    %dma_wait3A_820 = tpu.memref_slice %arg4[%add3A_811, %dma_wait3A_818, %dma_wait3A_819] : memref<16384x56x128xf32, #tpu.memory_space<hbm>> -> memref<1x56x64xf32, #tpu.memory_space<hbm>>
    %dma_wait3A_821 = tpu.memref_squeeze %dma_wait3A_820 : memref<1x56x64xf32, #tpu.memory_space<hbm>> -> memref<56x64xf32, #tpu.memory_space<hbm>>
    %dma_wait3A_822 = tpu.memref_slice %arg8[%dma_wait3A_813] : memref<4x!tpu.dma_semaphore, #tpu.memory_space<semaphore_mem>> -> memref<1x!tpu.dma_semaphore, #tpu.memory_space<semaphore_mem>>
    %dma_wait3A_823 = tpu.memref_squeeze %dma_wait3A_822 : memref<1x!tpu.dma_semaphore, #tpu.memory_space<semaphore_mem>> -> memref<!tpu.dma_semaphore, #tpu.memory_space<semaphore_mem>>
    %dma_wait3A_824 = arith.constant 0 : i32
    %dma_wait3A_825 = arith.constant 0 : i32
    %dma_wait3A_826 = tpu.memref_slice %arg4[%add3A_811, %dma_wait3A_824, %dma_wait3A_825] : memref<16384x56x128xf32, #tpu.memory_space<hbm>> -> memref<1x56x64xf32, #tpu.memory_space<hbm>>
    %dma_wait3A_827 = tpu.memref_squeeze %dma_wait3A_826 : memref<1x56x64xf32, #tpu.memory_space<hbm>> -> memref<56x64xf32, #tpu.memory_space<hbm>>
    %dma_wait3A_828 = arith.constant 56 : i32
    %dma_wait3A_829 = arith.constant 0 : i32
    %dma_wait3A_830 = tpu.memref_slice %arg6[%dma_wait3A_812, %dma_wait3A_828, %dma_wait3A_829] : memref<4x224x64xf32, #tpu.memory_space<vmem>> -> memref<1x56x64xf32, #tpu.memory_space<vmem>>
    %dma_wait3A_831 = tpu.memref_squeeze %dma_wait3A_830 : memref<1x56x64xf32, #tpu.memory_space<vmem>> -> memref<56x64xf32, #tpu.memory_space<vmem>>
    tpu.wait_dma2 semaphore(%dma_wait3A_823 : memref<!tpu.dma_semaphore, #tpu.memory_space<semaphore_mem>>) src(%dma_wait3A_831 : memref<56x64xf32, #tpu.memory_space<vmem>>) dst(%dma_wait3A_827 : memref<56x64xf32, #tpu.memory_space<hbm>>)
    %add3A_832 = arith.constant 508 : i32
    %add3A_833 = arith.addi %mul3A_2, %add3A_832 : i32
    %add3A_834 = arith.constant 2 : i32
    %add3A_835 = arith.addi %add3A_833, %add3A_834 : i32
    %dma_wait3A_836 = arith.constant 3 : i32
    %dma_wait3A_837 = arith.constant 3 : i32
    %dma_wait3A_838 = arith.constant 112 : i32
    %dma_wait3A_839 = arith.constant 0 : i32
    %dma_wait3A_840 = tpu.memref_slice %arg6[%dma_wait3A_836, %dma_wait3A_838, %dma_wait3A_839] : memref<4x224x64xf32, #tpu.memory_space<vmem>> -> memref<1x56x64xf32, #tpu.memory_space<vmem>>
    %dma_wait3A_841 = tpu.memref_squeeze %dma_wait3A_840 : memref<1x56x64xf32, #tpu.memory_space<vmem>> -> memref<56x64xf32, #tpu.memory_space<vmem>>
    %dma_wait3A_842 = arith.constant 0 : i32
    %dma_wait3A_843 = arith.constant 0 : i32
    %dma_wait3A_844 = tpu.memref_slice %arg4[%add3A_835, %dma_wait3A_842, %dma_wait3A_843] : memref<16384x56x128xf32, #tpu.memory_space<hbm>> -> memref<1x56x64xf32, #tpu.memory_space<hbm>>
    %dma_wait3A_845 = tpu.memref_squeeze %dma_wait3A_844 : memref<1x56x64xf32, #tpu.memory_space<hbm>> -> memref<56x64xf32, #tpu.memory_space<hbm>>
    %dma_wait3A_846 = tpu.memref_slice %arg8[%dma_wait3A_837] : memref<4x!tpu.dma_semaphore, #tpu.memory_space<semaphore_mem>> -> memref<1x!tpu.dma_semaphore, #tpu.memory_space<semaphore_mem>>
    %dma_wait3A_847 = tpu.memref_squeeze %dma_wait3A_846 : memref<1x!tpu.dma_semaphore, #tpu.memory_space<semaphore_mem>> -> memref<!tpu.dma_semaphore, #tpu.memory_space<semaphore_mem>>
    %dma_wait3A_848 = arith.constant 0 : i32
    %dma_wait3A_849 = arith.constant 0 : i32
    %dma_wait3A_850 = tpu.memref_slice %arg4[%add3A_835, %dma_wait3A_848, %dma_wait3A_849] : memref<16384x56x128xf32, #tpu.memory_space<hbm>> -> memref<1x56x64xf32, #tpu.memory_space<hbm>>
    %dma_wait3A_851 = tpu.memref_squeeze %dma_wait3A_850 : memref<1x56x64xf32, #tpu.memory_space<hbm>> -> memref<56x64xf32, #tpu.memory_space<hbm>>
    %dma_wait3A_852 = arith.constant 112 : i32
    %dma_wait3A_853 = arith.constant 0 : i32
    %dma_wait3A_854 = tpu.memref_slice %arg6[%dma_wait3A_836, %dma_wait3A_852, %dma_wait3A_853] : memref<4x224x64xf32, #tpu.memory_space<vmem>> -> memref<1x56x64xf32, #tpu.memory_space<vmem>>
    %dma_wait3A_855 = tpu.memref_squeeze %dma_wait3A_854 : memref<1x56x64xf32, #tpu.memory_space<vmem>> -> memref<56x64xf32, #tpu.memory_space<vmem>>
    tpu.wait_dma2 semaphore(%dma_wait3A_847 : memref<!tpu.dma_semaphore, #tpu.memory_space<semaphore_mem>>) src(%dma_wait3A_855 : memref<56x64xf32, #tpu.memory_space<vmem>>) dst(%dma_wait3A_851 : memref<56x64xf32, #tpu.memory_space<hbm>>)
    %add3A_856 = arith.constant 508 : i32
    %add3A_857 = arith.addi %mul3A_2, %add3A_856 : i32
    %add3A_858 = arith.constant 3 : i32
    %add3A_859 = arith.addi %add3A_857, %add3A_858 : i32
    %dma_wait3A_860 = arith.constant 3 : i32
    %dma_wait3A_861 = arith.constant 3 : i32
    %dma_wait3A_862 = arith.constant 168 : i32
    %dma_wait3A_863 = arith.constant 0 : i32
    %dma_wait3A_864 = tpu.memref_slice %arg6[%dma_wait3A_860, %dma_wait3A_862, %dma_wait3A_863] : memref<4x224x64xf32, #tpu.memory_space<vmem>> -> memref<1x56x64xf32, #tpu.memory_space<vmem>>
    %dma_wait3A_865 = tpu.memref_squeeze %dma_wait3A_864 : memref<1x56x64xf32, #tpu.memory_space<vmem>> -> memref<56x64xf32, #tpu.memory_space<vmem>>
    %dma_wait3A_866 = arith.constant 0 : i32
    %dma_wait3A_867 = arith.constant 0 : i32
    %dma_wait3A_868 = tpu.memref_slice %arg4[%add3A_859, %dma_wait3A_866, %dma_wait3A_867] : memref<16384x56x128xf32, #tpu.memory_space<hbm>> -> memref<1x56x64xf32, #tpu.memory_space<hbm>>
    %dma_wait3A_869 = tpu.memref_squeeze %dma_wait3A_868 : memref<1x56x64xf32, #tpu.memory_space<hbm>> -> memref<56x64xf32, #tpu.memory_space<hbm>>
    %dma_wait3A_870 = tpu.memref_slice %arg8[%dma_wait3A_861] : memref<4x!tpu.dma_semaphore, #tpu.memory_space<semaphore_mem>> -> memref<1x!tpu.dma_semaphore, #tpu.memory_space<semaphore_mem>>
    %dma_wait3A_871 = tpu.memref_squeeze %dma_wait3A_870 : memref<1x!tpu.dma_semaphore, #tpu.memory_space<semaphore_mem>> -> memref<!tpu.dma_semaphore, #tpu.memory_space<semaphore_mem>>
    %dma_wait3A_872 = arith.constant 0 : i32
    %dma_wait3A_873 = arith.constant 0 : i32
    %dma_wait3A_874 = tpu.memref_slice %arg4[%add3A_859, %dma_wait3A_872, %dma_wait3A_873] : memref<16384x56x128xf32, #tpu.memory_space<hbm>> -> memref<1x56x64xf32, #tpu.memory_space<hbm>>
    %dma_wait3A_875 = tpu.memref_squeeze %dma_wait3A_874 : memref<1x56x64xf32, #tpu.memory_space<hbm>> -> memref<56x64xf32, #tpu.memory_space<hbm>>
    %dma_wait3A_876 = arith.constant 168 : i32
    %dma_wait3A_877 = arith.constant 0 : i32
    %dma_wait3A_878 = tpu.memref_slice %arg6[%dma_wait3A_860, %dma_wait3A_876, %dma_wait3A_877] : memref<4x224x64xf32, #tpu.memory_space<vmem>> -> memref<1x56x64xf32, #tpu.memory_space<vmem>>
    %dma_wait3A_879 = tpu.memref_squeeze %dma_wait3A_878 : memref<1x56x64xf32, #tpu.memory_space<vmem>> -> memref<56x64xf32, #tpu.memory_space<vmem>>
    tpu.wait_dma2 semaphore(%dma_wait3A_871 : memref<!tpu.dma_semaphore, #tpu.memory_space<semaphore_mem>>) src(%dma_wait3A_879 : memref<56x64xf32, #tpu.memory_space<vmem>>) dst(%dma_wait3A_875 : memref<56x64xf32, #tpu.memory_space<hbm>>)
    return
  }
}

</mosaic_0001>

<sc_bundles>
// kernel: kernel.3.cloned.1.call-start
scs
__scs_entry_jumppad:
0x0: {  	(pc) =	sbr.rel $0x88, $3  }
0x1: {  	(tag) =	ssettag $0x0;
	lr =	simm.s32 $0x1  }
0x2: {  	[smem:$0x3F9F] =	sst lr;
	_ =	strace $0xD0000000  }
0x3: {  	_ = 	snop  }
0x4: {  	_ = 	snop  }
0x5: {  	_ = 	snop  }
0x6: {  	_ = 	snop  }
0x7: {  	_ = 	snop  }
__scs_overlays_trampoline_lowered:
0x8: {  	[smem:$0x3FAE] =	sst s0  }
0x9: {  	[smem:$0x3FAF] =	sst s1  }
0xa: {  	[smem:$0x3FB0] =	sst s2  }
0xb: {  	[smem:$0x3FB1] =	sst s3  }
0xc: {  	[smem:$0x3FB2] =	sst s4  }
0xd: {  	[smem:$0x3FB3] =	sst s5  }
0xe: {  	[smem:$0x3FB4] =	sst s6  }
0xf: {  	[smem:$0x3FB5] =	sst s7  }
0x10: {  	[smem:$0x3FB6] =	sst s8  }
0x11: {  	[smem:$0x3FB7] =	sst s9;
	s0 =	simm.s32 @!p0 $0x0  }
0x12: {  	s1 =	sld [smem:$0x3F9D];
	s0 =	simm.s32 @p0 $0x1  }
0x13: {  	[smem:$0x3FB8] =	sst s0;
	s0 =	simm.s32 @!p1 $0x0  }
0x14: {  	s2 =	sld [smem:$0x3F9C];
	s0 =	simm.s32 @p1 $0x1  }
0x15: {  	[smem:$0x3FB9] =	sst s0;
	s0 =	simm.s32 @!p2 $0x0  }
0x16: {  	s3 =	sld [smem:$0x3FDB];
	s0 =	simm.s32 @p2 $0x1  }
0x17: {  	s4 =	simm.s32 $0x1BF5;
	[smem:$0x3FBB] =	sst s0  }
0x18: {  	s0 =	sld [smem:$0x3F9E];
	_ =	swait.ge [sflag:s4], $0x0  }
0x19: {  	s7 =	sld [smem:$0x3F9F]  }
0x1a: {  	s8 =	sadd.s32 $0xFFFFE003, lr  }
0x1b: {  	s9 =	sadd.s32 $0xFFFFFEF7, lr;
	s5 =	simm.s32 $0xFFFFFFFF;
	p2 =	slt.u32 s8, $0xFFFFF086  }
0x1c: {  	p1 =	slt.u32 s9, $0xF7A;
	s5 =	simm.s32 @!p2 $0x0  }
0x1d: {  	s5 =	simm.s32 @p1 $0x1;
	p0 =	seq.s32 s7, s2  }
0x1e: {  	s7 =	smul.u32 @!p0 $0xF7A, s2;
	p2 =	seq.s32 @!p0 s5, $0x0  }
0x1f: {  	s9 =	smul.u32 $0xF7A, s1;
	s8 =	simm.s32 @!p0 $0x1BF5;
	p2 =	por !p2, p0  }
0x20: {  	[sflag:s8] =	ssyncset.s32 @!p0 $0xFFFFF086;
	s6 =	sadd.s32 @!p0 s3, s7;
	s7 =	simm.s32 @!p0 $0x108  }
0x21: {  	s3 =	sadd.s32 s3, s9;
	s6 =	sadd.s32 @!p0 $0x88, s6;
	s7 =	simm.s32 @p2 $0x1082  }
0x22: {  	[simem:s7], [sflag:s8] =	dma.local @!p0 [hbm:s6], $0xF7A  }
0x23: {  	s9 =	sor.u32 $0xD0000000, s2;
	s6 =	simm.s32 $0x108;
	_ =	swait.ge @!p0 [sflag:s8], $0x0  }
0x24: {  	s3 =	sadd.s32 $0x88, s3;
	s6 =	simm.s32 @!p1 $0x1082;
	[sflag:s4] =	ssyncset.s32 $0xFFFFF086  }
0x25: {  	[simem:s6], [sflag:s4] =	dma.local [hbm:s3], $0xF7A  }
0x26: {  	[smem:$0x3F9F] =	sst s1;
	(tag) =	ssettag s2;
	_ =	strace s9  }
0x27: {  	s1 =	sld [smem:$0x3FAF]  }
0x28: {  	s2 =	sld [smem:$0x3FB0]  }
0x29: {  	s4 =	sld [smem:$0x3FB2]  }
0x2a: {  	p0 =	seq.s32 s5, $0x0;
	s5 =	sld [smem:$0x3FB3]  }
0x2b: {  	s6 =	sld [smem:$0x3FB4]  }
0x2c: {  	s7 =	sld [smem:$0x3FB5]  }
0x2d: {  	s3 =	simm.s32 $0x108;
	s8 =	sld [smem:$0x3FB6]  }
0x2e: {  	s3 =	simm.s32 @!p0 $0x1082;
	s9 =	sld [smem:$0x3FB7]  }
0x2f: {  	lr =	sadd.s32 s0, s3;
	s0 =	sld [smem:$0x3FAE]  }
0x30: {  	s3 =	sld [smem:$0x3FB1]  }
0x31: {  	[smem:$0x3FBA] =	sst s10  }
0x32: {  	s10 =	sld [smem:$0x3FB8];
	_ =	sdelay $0x3  }
0x33: {  	p0 =	seq.s32 s10, $0x1;
	s10 =	sld [smem:$0x3FBA];
	_ =	sdelay $0x3  }
0x34: {  	[smem:$0x3FBA] =	sst s10  }
0x35: {  	s10 =	sld [smem:$0x3FB9];
	_ =	sdelay $0x3  }
0x36: {  	p1 =	seq.s32 s10, $0x1;
	s10 =	sld [smem:$0x3FBA];
	_ =	sdelay $0x3  }
0x37: {  	[smem:$0x3FBA] =	sst s10  }
0x38: {  	s10 =	sld [smem:$0x3FBB]  }
0x39: {  	_ = 	snop;
	(pc) =	sbr.ind lr, $3  }
0x3a: {  	_ = 	snop  }
0x3b: {  	_ = 	snop  }
0x3c: {  	p2 =	seq.s32 s10, $0x1;
	s10 =	sld [smem:$0x3FBA]  }
0x3d: {  	_ =	shalt  }
0x3e: {  	_ =	shalt  }
0x3f: {  	_ =	shalt  }
0x40: {  	_ =	shalt  }
0x41: {  	_ =	shalt  }
0x42: {  	_ =	shalt  }
0x43: {  	_ =	shalt  }
0x44: {  	_ =	shalt  }
0x45: {  	_ =	shalt  }
0x46: {  	_ =	shalt  }
0x47: {  	_ =	shalt  }
0x48: {  	_ =	shalt  }
0x49: {  	_ =	shalt  }
0x4a: {  	_ =	shalt  }
0x4b: {  	_ =	shalt  }
0x4c: {  	_ =	shalt  }
0x4d: {  	_ =	shalt  }
0x4e: {  	_ =	shalt  }
0x4f: {  	_ =	shalt  }
0x50: {  	_ =	shalt  }
0x51: {  	_ =	shalt  }
0x52: {  	_ =	shalt  }
0x53: {  	_ =	shalt  }
0x54: {  	_ =	shalt  }
0x55: {  	_ =	shalt  }
0x56: {  	_ =	shalt  }
0x57: {  	_ =	shalt  }
0x58: {  	_ =	shalt  }
0x59: {  	_ =	shalt  }
0x5a: {  	_ =	shalt  }
0x5b: {  	_ =	shalt  }
0x5c: {  	_ =	shalt  }
0x5d: {  	_ =	shalt  }
0x5e: {  	_ =	shalt  }
0x5f: {  	_ =	shalt  }
0x60: {  	_ =	shalt  }
0x61: {  	_ =	shalt  }
0x62: {  	_ =	shalt  }
0x63: {  	_ =	shalt  }
0x64: {  	_ =	shalt  }
0x65: {  	_ =	shalt  }
0x66: {  	_ =	shalt  }
0x67: {  	_ =	shalt  }
0x68: {  	_ =	shalt  }
0x69: {  	_ =	shalt  }
0x6a: {  	_ =	shalt  }
0x6b: {  	_ =	shalt  }
0x6c: {  	_ =	shalt  }
0x6d: {  	_ =	shalt  }
0x6e: {  	_ =	shalt  }
0x6f: {  	_ =	shalt  }
0x70: {  	_ =	shalt  }
0x71: {  	_ =	shalt  }
0x72: {  	_ =	shalt  }
0x73: {  	_ =	shalt  }
0x74: {  	_ =	shalt  }
0x75: {  	_ =	shalt  }
0x76: {  	_ =	shalt  }
0x77: {  	_ =	shalt  }
0x78: {  	_ =	shalt  }
0x79: {  	_ =	shalt  }
0x7a: {  	_ =	shalt  }
0x7b: {  	_ =	shalt  }
0x7c: {  	_ =	shalt  }
0x7d: {  	_ =	shalt  }
0x7e: {  	_ =	shalt  }
0x7f: {  	_ =	shalt  }
0x80: {  	_ =	shalt  }
0x81: {  	_ =	shalt  }
0x82: {  	_ =	shalt  }
0x83: {  	_ =	shalt  }
0x84: {  	_ =	shalt  }
0x85: {  	_ =	shalt  }
0x86: {  	_ =	shalt  }
0x87: {  	_ =	shalt  }
.Lfunc_end0:
.L_simem_size_0:
called_computation.1_lowered:
.L_overlay_start_0:
0x88: {  	s2 =	sld [smem:$0x3FD9]  }
0x89: {  	s3 =	sld [smem:$0x3FFE];
	_ =	sdelay $0x1  }
0x8a: {  	s1 =	srdreg.scid  }
0x8b: {  	s0 =	sand.u32 $0x1, s1  }
0x8c: {  	s17 =	sshll.u32 s0, $0xA;
	s2 =	sadd.s32 s3, s2  }
0x8d: {  	s2 =	sadd.s32 s2, s17  }
0x8e: {  	[smem:$0x3FC6] =	sst s2  }
0x8f: {  	_ = 	snop  }
0x90: {  	s2 =	sld [smem:$0x3FD0];
	(tm) =	ssettm $0x1  }
0x91: {  	s18 =	sld [smem:$0x3FFB];
	_ =	sdelay $0x3  }
0x92: {  	_ =	strace s18  }
0x93: {  	s3 =	sld [smem:$0x3FFC];
	_ =	sdelay $0x3  }
0x94: {  	_ =	strace s3  }
0x95: {  	s3 =	sld [smem:$0x3FFD];
	_ =	sdelay $0x3  }
0x96: {  	_ =	strace s3  }
0x97: {  	_ =	strace $0x8FFFFFFF  }
0x98: {  	s19 =	sld [smem:$0x3FDB];
	_ =	sdelay $0x1  }
0x99: {  	s4 =	simm.s32 $_scs_section_size  }
0x9a: {  	s5 =	simm.s32 $_size__tile_overlayer_lowered;
	s6 =	simm.s32 $_tile_overlayer_lowered  }
0x9b: {  	s22 =	simm.s32 $0x1BFF;
	s21 =	sshll.u32 s6, $0x1;
	s3 =	sadd.s32 s4, s19  }
0x9c: {  	s7 =	simm.s32 $0x0;
	s20 =	sshll.u32 s5, $0x1;
	s5 =	sadd.s32 s21, s3  }
0x9d: {  	[timem:s7], [sflag:s22] =	dma.local [hbm:s5], s20  }
0x9e: {  	_ =	swait.ge [sflag:s22], s20  }
0x9f: {  	s4 =	ssub.s32 $0x0, s20;
	[sflag:s22] =	ssyncset.done $0x0  }
0xa0: {  	[sflag:s22] =	ssyncadd.s32 s4;
	_ =	sdelay $0x1  }
0xa1: {  	s23 =	simm.s32 $0x1B8B  }
0xa2: {  	_ =	swait.ge [sflag:s23], $0x1  }
0xa3: {  	[sflag:s23] =	ssyncset.done $0x0  }
0xa4: {  	s25 =	simm.s32 $0x1B8E;
	s24 =	sld [smem:$0x3FFE];
	[sflag:s23] =	ssyncadd.s32 $0xFFFFFFFF  }
0xa5: {  	s26 =	simm.s32 $execute0_lowered;
	[smem:$0x3FD2] =	sst s25  }
0xa6: {  	s5 =	sshll.u32 s26, $0x1;
	_ =	strace $0x80000046;
	[dreg:$0x1] =	wrdreg $0xFFFFFFFF  }
0xa7: {  	s28 =	simm.s32 $_size_execute0_lowered;
	s3 =	sadd.s32 s3, s5;
	[dreg:$0x0] =	wrdreg $0x0  }
0xa8: {  	s5 =	sshll.u32 s28, $0x1;
	[dreg:$0x2] =	wrdreg s3  }
0xa9: {  	[dreg:$0x3] =	wrdreg s5  }
0xaa: {  	[dreg:$0x4] =	wrdreg $0xC0  }
0xab: {  	_ =	task [dreg:s7], $0x5FFFF  }
0xac: {  	[dreg:$0x1] =	wrdreg $0xFFFFFFFF  }
0xad: {  	[dreg:$0x0] =	wrdreg $0x60  }
0xae: {  	[dreg:$0x2] =	wrdreg s2  }
0xaf: {  	[dreg:$0x3] =	wrdreg s24  }
0xb0: {  	[dreg:$0x4] =	wrdreg $0x9  }
0xb1: {  	_ =	task.clear_ibuf [dreg:s7], $0x5FFFF;
	_ =	strace $0x90000046  }
0xb2: {  	s29 =	simm.s32 $0x9;
	_ =	strace $0x80000048  }
0xb3: {  	_ =	swait.ge [sflag:s29], $0x1  }
0xb4: {  	[sflag:s29] =	ssyncadd.s32 $0xFFFFFFFF  }
0xb5: {  	_ =	strace $0x90000048  }
0xb6: {  	_ =	sfence  }
0xb7: {  	s30 =	sld [smem:$0x0];
	_ =	sdelay $0x2  }
0xb8: {  	s31 =	sshll.u32 s1, $0xD;
	s1 =	sshrl.u32 s1, $0x2  }
0xb9: {  	s3 =	sand.u32 $0x4000, s31;
	s1 =	sadd.s32 s1, s30  }
0xba: {  	s0 =	sor.u32 s3, s0;
	s1 =	sshll.u32 s1, $0x11  }
0xbb: {  	s0 =	sor.u32 s1, s0  }
0xbc: {  	s0 =	sadd.s32 $0x8F2B, s0  }
0xbd: {  	[sflag:s0] =	ssyncadd.remote.s32 $0x1  }
0xbe: {  	_ =	sfence.sel $0xFFFF  }
0xbf: {  	[dreg:$0x0] =	wrdreg $0xFFFFFFFF;
	(pc) =	sbr.abs _section_cstart, $3  }
0xc0: {  	[dreg:$0x1] =	wrdreg $0xFFFFFFFF  }
0xc1: {  	_ =	task.clear_ibuf [dreg:s7], $0x2FFFF;
	_ =	strace $0x9FFFFFFF  }
0xc2: {  	(tm) =	ssettm $0x7FFFFFFF  }
0xc3: {  	_ =	shalt  }
tec
execute0_lowered:
.L_overlay_start_1:
0x0: {  	(tag) =	ssettag $0x1  }
0x1: {  	s0 =	srdreg.scid;
	s9 =	stileid.u32  }
0x2: {  	s4 =	sand.u32 $0x1, s0;
	s8 =	sshll.u32 s9, $0x1  }
0x3: {  	s1 =	rddreg [dreg:$0x0];
	s3 =	sor.u32 s4, s8  }
0x4: {  	s2 =	rddreg [dreg:$0x1];
	s10 =	smul.u32 $0x380000, s3  }
0x5: {  	s5 =	simm.s32 $0x0;
	s28 =	simm.s32 $0xE000;
	s8 =	smul.u32 $0xE00, s3  }
0x6: {  	[smem:$0x7FF] =	sst s5;
	s0 =	sadd.s32 $0xC00, s2;
	s5 =	sshrl.u32 s10, $0x3  }
0x7: {  	s30 =	simm.s32 $0x11800;
	s1 =	sadd.s32 s1, s8;
	s5 =	sadd.s32 s0, s5  }
0x8: {  	_ =	strace $0x80000047;
	[dreg:$0xd] =	wrdreg s1;
	s11 =	sadd.s32 $0x6C800, s5  }
0x9: {  	s31 =	simm.s32 $0x1;
	s13 =	sadd.s32 $0x6CB80, s5;
	[dreg:$0xe] =	wrdreg s11  }
0xa: {  	s12 =	smul.u32 $0x700000, s9;
	s14 =	sadd.s32 $0x6CF00, s5;
	[dreg:$0xf] =	wrdreg s13  }
0xb: {  	s6 =	ssub.s32 $0x2, s4;
	s16 =	sadd.s32 $0x6D280, s5;
	[dreg:$0x10] =	wrdreg s14  }
0xc: {  	s15 =	smul.u32 $0x380000, s4;
	s17 =	sadd.s32 $0x6D600, s5;
	[dreg:$0x11] =	wrdreg s16  }
0xd: {  	s4 =	smul.u32 $0x70000, s4;
	s18 =	sadd.s32 $0x6D980, s5;
	[dreg:$0x12] =	wrdreg s17  }
0xe: {  	s7 =	sshrl.u32 s6, $0x1;
	s19 =	sadd.s32 $0x6DD00, s5;
	[dreg:$0x13] =	wrdreg s18  }
0xf: {  	s3 =	sadd.s32 $0xF43000, s2;
	s20 =	sadd.s32 $0x6E080, s5;
	[dreg:$0x14] =	wrdreg s19  }
0x10: {  	s2 =	ssub.s32 s6, s7;
	s21 =	sadd.s32 $0x6E400, s5;
	[dreg:$0x15] =	wrdreg s20  }
0x11: {  	s1 =	sadd.s32 s15, s12;
	s22 =	sadd.s32 $0x6E780, s5;
	[dreg:$0x16] =	wrdreg s21  }
0x12: {  	s23 =	sor.u32 $0x1A400, s1;
	s24 =	sadd.s32 $0x6EB00, s5;
	[dreg:$0x17] =	wrdreg s22  }
0x13: {  	s25 =	sadd.s32 $0x6EE80, s5;
	s26 =	sadd.s32 $0x6F200, s5;
	[dreg:$0x18] =	wrdreg s24  }
0x14: {  	s29 =	sor.u32 $0x18800, s1;
	s10 =	sor.u32 $0x16C00, s1;
	[dreg:$0x19] =	wrdreg s25  }
0x15: {  	s15 =	sadd.s32 $0x6F580, s5;
	s6 =	sshrl.u32 s23, $0x3;
	[dreg:$0x1a] =	wrdreg s26  }
0x16: {  	s8 =	sshrl.u32 s29, $0x3;
	s7 =	sshrl.u32 s10, $0x3;
	s11 =	smul.u32 $0xE0000, s9  }
0x17: {  	s14 =	sor.u32 $0x13400, s1;
	[dreg:$0x1b] =	wrdreg s15;
	s18 =	sor.u32 $0x11800, s1  }
0x18: {  	s20 =	sor.u32 $0xC400, s1;
	s21 =	sadd.s32 $0x6F900, s5;
	s23 =	sor.u32 $0xA800, s1  }
0x19: {  	s25 =	sor.u32 $0x8C00, s1;
	s1 =	sor.u32 $0x5400, s1;
	s5 =	sadd.s32 $0x6FC80, s5  }
0x1a: {  	s29 =	smax.u32 s2, $0x1;
	s9 =	simm.s32 $0xEE00;
	s10 =	simm.s32 $0xFC00  }
0x1b: {  	s15 =	simm.s32 $0x14200;
	s6 =	sadd.s32 s6, s0;
	s12 =	sadd.s32 s7, s0  }
0x1c: {  	s16 =	sshrl.u32 s14, $0x3;
	s19 =	sshrl.u32 s18, $0x3;
	[dreg:$0x1c] =	wrdreg s21  }
0x1d: {  	s24 =	sshrl.u32 s23, $0x3;
	s1 =	sshrl.u32 s1, $0x3;
	[dreg:$0x1d] =	wrdreg s5  }
0x1e: {  	[dreg:$0x1e] =	wrdreg s29;
	s23 =	simm.s32 $0xE0;
	s14 =	simm.s32 $0x13400  }
0x1f: {  	s18 =	simm.s32 $0x7;
	s5 =	simm.s32 $0x0;
	[dreg:$0x3] =	wrdreg s6  }
0x20: {  	s7 =	simm.s32 $0xB600;
	s6 =	sadd.s32 s8, s0;
	[dreg:$0x5] =	wrdreg s12  }
0x21: {  	s13 =	sadd.s32 s11, s0;
	s17 =	sadd.s32 s16, s0;
	s8 =	simm.s32 $0x3  }
0x22: {  	s11 =	simm.s32 $0x10A00;
	s12 =	simm.s32 $0x4;
	[dreg:$0x4] =	wrdreg s6  }
0x23: {  	s16 =	simm.s32 $0x5;
	s4 =	sadd.s32 s4, s13;
	[dreg:$0x7] =	wrdreg s17  }
0x24: {  	s6 =	sshrl.u32 s20, $0x3;
	s13 =	simm.s32 $0x12600;
	s17 =	simm.s32 $0x6  }
0x25: {  	[dreg:$0x6] =	wrdreg s4;
	s4 =	sadd.s32 s19, s0;
	s22 =	sadd.s32 s6, s0  }
0x26: {  	s6 =	sshrl.u32 s25, $0x3;
	s25 =	simm.s32 $0xA800;
	[dreg:$0x8] =	wrdreg s4  }
0x27: {  	s19 =	simm.s32 $0x8;
	[dreg:$0x9] =	wrdreg s22;
	s4 =	sadd.s32 s24, s0  }
0x28: {  	s26 =	sadd.s32 s6, s0;
	s0 =	sadd.s32 s1, s0;
	[dreg:$0xa] =	wrdreg s4  }
0x29: {  	s24 =	simm.s32 $0x7000;
	s1 =	simm.s32 $0x40;
	[dreg:$0xb] =	wrdreg s26  }
0x2a: {  	[dreg:$0xc] =	wrdreg s0;
	s0 =	simm.s32 $0x80;
	s4 =	simm.s32 $0x2  }
.LBB2_1:
0x2b: {  	[dreg:$0x1f] =	wrdreg s5  }
0x2c: {  	s2 =	simm.s32 $0x0;
	s20 =	rddreg [dreg:$0xd];
	s21 =	simm.s32 $0x9  }
0x2d: {  	[tilespmem:s2], [sflag:$0x9] =	stream.linear.gather [hbm4b:s20+s2], $0x7000, $0x38;
	[tilespmem:$0x15000] =	vst v63  }
0x2e: {  	_ =	swait.ge [sflag:s21], $0x7000  }
0x2f: {  	[sflag:s21] =	ssyncset.done $0x0  }
0x30: {  	[sflag:s21] =	ssyncadd.s32 $0xFFFF9000  }
0x31: {  	[tilespmem:s24], [sflag:$0x1] =	stream.indirect.gather [hbm4b:s3+s23], $0x40, s2, s23, $0xb8;
	[tilespmem:$0x15000] =	vst v63  }
0x32: {  	_ = 	snop  }
0x33: {  	[tilespmem:s25], [sflag:$0x2] =	stream.indirect.gather [hbm4b:s3+s23], $0x40, s23, s23, $0xb8;
	[tilespmem:$0x15000] =	vst v63  }
0x34: {  	s22 =	simm.s32 $0x1C0  }
0x35: {  	[tilespmem:s28], [sflag:$0x3] =	stream.indirect.gather [hbm4b:s3+s23], $0x40, s22, s23, $0xb8;
	[tilespmem:$0x15000] =	vst v63  }
0x36: {  	s26 =	simm.s32 $0x2A0  }
0x37: {  	[tilespmem:s30], [sflag:$0x4] =	stream.indirect.gather [hbm4b:s3+s23], $0x40, s26, s23, $0xb8;
	[tilespmem:$0x15000] =	vst v63  }
0x38: {  	_ =	swait.ge [sflag:s31], $0x3800  }
0x39: {  	s20 =	rddreg [dreg:$0x6];
	[sflag:s31] =	ssyncset.done $0x0  }
0x3a: {  	[sflag:s31] =	ssyncadd.s32 $0xFFFFC800;
	s20 =	sadd.s32 $0x0, s20  }
0x3b: {  	[hbm4b:s20+s1] =	stream.strided.scatter [tilespmem:s24], [sflag:$0x5], $0xE00, s0, s1, $0x38;
	[tilespmem:$0x15000] =	vst v63  }
0x3c: {  	s29 =	simm.s32 $0x7E00;
	s21 =	sadd.s32 $0x380, s20  }
0x3d: {  	[hbm4b:s21+s1] =	stream.strided.scatter [tilespmem:s29], [sflag:$0x5], $0xE00, s0, s1, $0x38;
	[tilespmem:$0x15000] =	vst v63  }
0x3e: {  	s6 =	simm.s32 $0x8C00;
	s22 =	rddreg [dreg:$0xc];
	s5 =	sadd.s32 $0x700, s20  }
0x3f: {  	[hbm4b:s5+s1] =	stream.strided.scatter [tilespmem:s6], [sflag:$0x5], $0xE00, s0, s1, $0x38;
	[tilespmem:$0x15000] =	vst v63  }
0x40: {  	s26 =	sadd.s32 $0x0, s22;
	s29 =	simm.s32 $0x9A00  }
0x41: {  	[hbm4b:s26+s1] =	stream.strided.scatter [tilespmem:s29], [sflag:$0x5], $0xE00, s0, s1, $0x38;
	[tilespmem:$0x15000] =	vst v63  }
0x42: {  	_ =	swait.ge [sflag:s4], $0x3800  }
0x43: {  	[sflag:s4] =	ssyncset.done $0x0  }
0x44: {  	s6 =	sadd.s32 $0xE00, s20;
	s5 =	rddreg [dreg:$0xb];
	[sflag:s4] =	ssyncadd.s32 $0xFFFFC800  }
0x45: {  	[hbm4b:s6+s1] =	stream.strided.scatter [tilespmem:s25], [sflag:$0x6], $0xE00, s0, s1, $0x38;
	[tilespmem:$0x15000] =	vst v63  }
0x46: {  	s29 =	simm.s32 $0xB600;
	s26 =	rddreg [dreg:$0xa];
	s21 =	sadd.s32 $0x0, s5  }
0x47: {  	[hbm4b:s21+s1] =	stream.strided.scatter [tilespmem:s29], [sflag:$0x6], $0xE00, s0, s1, $0x38;
	[tilespmem:$0x15000] =	vst v63  }
0x48: {  	s5 =	rddreg [dreg:$0x9];
	s22 =	sadd.s32 $0x0, s26;
	s6 =	simm.s32 $0xC400  }
0x49: {  	[hbm4b:s22+s1] =	stream.strided.scatter [tilespmem:s6], [sflag:$0x6], $0xE00, s0, s1, $0x38;
	[tilespmem:$0x15000] =	vst v63  }
0x4a: {  	s26 =	simm.s32 $0xD200;
	s21 =	sadd.s32 $0x0, s5  }
0x4b: {  	[hbm4b:s21+s1] =	stream.strided.scatter [tilespmem:s26], [sflag:$0x6], $0xE00, s0, s1, $0x38;
	[tilespmem:$0x15000] =	vst v63  }
0x4c: {  	_ =	swait.ge [sflag:s8], $0x3800  }
0x4d: {  	[sflag:s8] =	ssyncset.done $0x0  }
0x4e: {  	s29 =	sadd.s32 $0x1C00, s20;
	[sflag:s8] =	ssyncadd.s32 $0xFFFFC800  }
0x4f: {  	[hbm4b:s29+s1] =	stream.strided.scatter [tilespmem:s28], [sflag:$0x7], $0xE00, s0, s1, $0x38;
	[tilespmem:$0x15000] =	vst v63  }
0x50: {  	s5 =	sadd.s32 $0x1F80, s20;
	s2 =	rddreg [dreg:$0x8]  }
0x51: {  	[hbm4b:s5+s1] =	stream.strided.scatter [tilespmem:s9], [sflag:$0x7], $0xE00, s0, s1, $0x38;
	[tilespmem:$0x15000] =	vst v63  }
0x52: {  	s6 =	rddreg [dreg:$0x7];
	s21 =	sadd.s32 $0x0, s2  }
0x53: {  	[hbm4b:s21+s1] =	stream.strided.scatter [tilespmem:s10], [sflag:$0x7], $0xE00, s0, s1, $0x38;
	[tilespmem:$0x15000] =	vst v63  }
0x54: {  	s22 =	sadd.s32 $0x0, s6  }
0x55: {  	[hbm4b:s22+s1] =	stream.strided.scatter [tilespmem:s11], [sflag:$0x7], $0xE00, s0, s1, $0x38;
	[tilespmem:$0x15000] =	vst v63  }
0x56: {  	_ =	swait.ge [sflag:s12], $0x3800  }
0x57: {  	[sflag:s12] =	ssyncset.done $0x0  }
0x58: {  	s20 =	sadd.s32 $0x2A00, s20;
	s26 =	rddreg [dreg:$0x5];
	[sflag:s12] =	ssyncadd.s32 $0xFFFFC800  }
0x59: {  	[hbm4b:s20+s1] =	stream.strided.scatter [tilespmem:s30], [sflag:$0x8], $0xE00, s0, s1, $0x38;
	[tilespmem:$0x15000] =	vst v63  }
0x5a: {  	s29 =	rddreg [dreg:$0x4];
	s2 =	sadd.s32 $0x0, s26  }
0x5b: {  	[hbm4b:s2+s1] =	stream.strided.scatter [tilespmem:s13], [sflag:$0x8], $0xE00, s0, s1, $0x38;
	[tilespmem:$0x15000] =	vst v63  }
0x5c: {  	s5 =	rddreg [dreg:$0x3];
	s6 =	sadd.s32 $0x0, s29  }
0x5d: {  	[hbm4b:s6+s1] =	stream.strided.scatter [tilespmem:s14], [sflag:$0x8], $0xE00, s0, s1, $0x38;
	[tilespmem:$0x15000] =	vst v63  }
0x5e: {  	s21 =	sadd.s32 $0x0, s5  }
0x5f: {  	[hbm4b:s21+s1] =	stream.strided.scatter [tilespmem:s15], [sflag:$0x8], $0xE00, s0, s1, $0x38;
	[tilespmem:$0x15000] =	vst v63  }
0x60: {  	_ =	swait.ge [sflag:s16], $0xE00  }
0x61: {  	[sflag:s16] =	ssyncset.done $0x0  }
0x62: {  	[sflag:s16] =	ssyncadd.s32 $0xFFFFF200  }
0x63: {  	_ =	swait.ge [sflag:s16], $0xE00  }
0x64: {  	[sflag:s16] =	ssyncset.done $0x0  }
0x65: {  	[sflag:s16] =	ssyncadd.s32 $0xFFFFF200  }
0x66: {  	_ =	swait.ge [sflag:s16], $0xE00  }
0x67: {  	[sflag:s16] =	ssyncset.done $0x0  }
0x68: {  	[sflag:s16] =	ssyncadd.s32 $0xFFFFF200  }
0x69: {  	_ =	swait.ge [sflag:s16], $0xE00  }
0x6a: {  	[sflag:s16] =	ssyncset.done $0x0  }
0x6b: {  	s22 =	simm.s32 $0x380;
	[sflag:s16] =	ssyncadd.s32 $0xFFFFF200  }
0x6c: {  	[tilespmem:s24], [sflag:$0x1] =	stream.indirect.gather [hbm4b:s3+s23], $0x40, s22, s23, $0xb8;
	[tilespmem:$0x15000] =	vst v63  }
0x6d: {  	_ =	swait.ge [sflag:s17], $0xE00  }
0x6e: {  	[sflag:s17] =	ssyncset.done $0x0  }
0x6f: {  	[sflag:s17] =	ssyncadd.s32 $0xFFFFF200  }
0x70: {  	_ =	swait.ge [sflag:s17], $0xE00  }
0x71: {  	[sflag:s17] =	ssyncset.done $0x0  }
0x72: {  	[sflag:s17] =	ssyncadd.s32 $0xFFFFF200  }
0x73: {  	_ =	swait.ge [sflag:s17], $0xE00  }
0x74: {  	[sflag:s17] =	ssyncset.done $0x0  }
0x75: {  	[sflag:s17] =	ssyncadd.s32 $0xFFFFF200  }
0x76: {  	_ =	swait.ge [sflag:s17], $0xE00  }
0x77: {  	[sflag:s17] =	ssyncset.done $0x0  }
0x78: {  	s26 =	simm.s32 $0x460;
	[sflag:s17] =	ssyncadd.s32 $0xFFFFF200  }
0x79: {  	[tilespmem:s25], [sflag:$0x2] =	stream.indirect.gather [hbm4b:s3+s23], $0x40, s26, s23, $0xb8;
	[tilespmem:$0x15000] =	vst v63  }
0x7a: {  	_ =	swait.ge [sflag:s18], $0xE00  }
0x7b: {  	[sflag:s18] =	ssyncset.done $0x0  }
0x7c: {  	[sflag:s18] =	ssyncadd.s32 $0xFFFFF200  }
0x7d: {  	_ =	swait.ge [sflag:s18], $0xE00  }
0x7e: {  	[sflag:s18] =	ssyncset.done $0x0  }
0x7f: {  	[sflag:s18] =	ssyncadd.s32 $0xFFFFF200  }
0x80: {  	_ =	swait.ge [sflag:s18], $0xE00  }
0x81: {  	[sflag:s18] =	ssyncset.done $0x0  }
0x82: {  	[sflag:s18] =	ssyncadd.s32 $0xFFFFF200  }
0x83: {  	_ =	swait.ge [sflag:s18], $0xE00  }
0x84: {  	[sflag:s18] =	ssyncset.done $0x0  }
0x85: {  	s29 =	simm.s32 $0x540;
	[sflag:s18] =	ssyncadd.s32 $0xFFFFF200  }
0x86: {  	[tilespmem:s28], [sflag:$0x3] =	stream.indirect.gather [hbm4b:s3+s23], $0x40, s29, s23, $0xb8;
	[tilespmem:$0x15000] =	vst v63  }
0x87: {  	_ =	swait.ge [sflag:s19], $0xE00  }
0x88: {  	[sflag:s19] =	ssyncset.done $0x0  }
0x89: {  	[sflag:s19] =	ssyncadd.s32 $0xFFFFF200  }
0x8a: {  	_ =	swait.ge [sflag:s19], $0xE00  }
0x8b: {  	[sflag:s19] =	ssyncset.done $0x0  }
0x8c: {  	[sflag:s19] =	ssyncadd.s32 $0xFFFFF200  }
0x8d: {  	_ =	swait.ge [sflag:s19], $0xE00  }
0x8e: {  	[sflag:s19] =	ssyncset.done $0x0  }
0x8f: {  	[sflag:s19] =	ssyncadd.s32 $0xFFFFF200  }
0x90: {  	_ =	swait.ge [sflag:s19], $0xE00  }
0x91: {  	s20 =	simm.s32 $0x9A0;
	[sflag:s19] =	ssyncset.done $0x0  }
0x92: {  	s21 =	simm.s32 $0x620;
	s22 =	simm.s32 $0x3800;
	[sflag:s19] =	ssyncadd.s32 $0xFFFFF200  }
.LBB2_2:
0x93: {  	[tilespmem:s30], [sflag:$0x4] =	stream.indirect.gather [hbm4b:s3+s23], $0x40, s21, s23, $0xb8;
	[tilespmem:$0x15000] =	vst v63  }
0x94: {  	_ =	swait.ge [sflag:s31], $0x3800  }
0x95: {  	s26 =	smov.u32 s22;
	s29 =	rddreg [dreg:$0x6];
	[sflag:s31] =	ssyncset.done $0x0  }
0x96: {  	[sflag:s31] =	ssyncadd.s32 $0xFFFFC800;
	s29 =	sadd.s32 s26, s29  }
0x97: {  	[hbm4b:s29+s1] =	stream.strided.scatter [tilespmem:s24], [sflag:$0x5], $0xE00, s0, s1, $0x38;
	[tilespmem:$0x15000] =	vst v63  }
0x98: {  	s6 =	simm.s32 $0x7E00;
	s2 =	sadd.s32 $0x380, s29  }
0x99: {  	[hbm4b:s2+s1] =	stream.strided.scatter [tilespmem:s6], [sflag:$0x5], $0xE00, s0, s1, $0x38;
	[tilespmem:$0x15000] =	vst v63  }
0x9a: {  	s5 =	rddreg [dreg:$0xc];
	s2 =	sadd.s32 $0x700, s29;
	s6 =	simm.s32 $0x8C00  }
0x9b: {  	[hbm4b:s2+s1] =	stream.strided.scatter [tilespmem:s6], [sflag:$0x5], $0xE00, s0, s1, $0x38;
	[tilespmem:$0x15000] =	vst v63  }
0x9c: {  	s5 =	sadd.s32 s26, s5;
	s6 =	simm.s32 $0x9A00  }
0x9d: {  	[hbm4b:s5+s1] =	stream.strided.scatter [tilespmem:s6], [sflag:$0x5], $0xE00, s0, s1, $0x38;
	[tilespmem:$0x15000] =	vst v63  }
0x9e: {  	_ =	swait.ge [sflag:s4], $0x3800  }
0x9f: {  	[sflag:s4] =	ssyncset.done $0x0  }
0xa0: {  	s5 =	sadd.s32 $0xE00, s29;
	s2 =	rddreg [dreg:$0xb];
	[sflag:s4] =	ssyncadd.s32 $0xFFFFC800  }
0xa1: {  	[hbm4b:s5+s1] =	stream.strided.scatter [tilespmem:s25], [sflag:$0x6], $0xE00, s0, s1, $0x38;
	[tilespmem:$0x15000] =	vst v63  }
0xa2: {  	s6 =	rddreg [dreg:$0xa];
	s2 =	sadd.s32 s26, s2  }
0xa3: {  	[hbm4b:s2+s1] =	stream.strided.scatter [tilespmem:s7], [sflag:$0x6], $0xE00, s0, s1, $0x38;
	[tilespmem:$0x15000] =	vst v63  }
0xa4: {  	s5 =	rddreg [dreg:$0x9];
	s2 =	sadd.s32 s26, s6;
	s6 =	simm.s32 $0xC400  }
0xa5: {  	[hbm4b:s2+s1] =	stream.strided.scatter [tilespmem:s6], [sflag:$0x6], $0xE00, s0, s1, $0x38;
	[tilespmem:$0x15000] =	vst v63  }
0xa6: {  	s5 =	sadd.s32 s26, s5;
	s6 =	simm.s32 $0xD200  }
0xa7: {  	[hbm4b:s5+s1] =	stream.strided.scatter [tilespmem:s6], [sflag:$0x6], $0xE00, s0, s1, $0x38;
	[tilespmem:$0x15000] =	vst v63  }
0xa8: {  	_ =	swait.ge [sflag:s8], $0x3800  }
0xa9: {  	[sflag:s8] =	ssyncset.done $0x0  }
0xaa: {  	s6 =	sadd.s32 $0x1C00, s29;
	[sflag:s8] =	ssyncadd.s32 $0xFFFFC800  }
0xab: {  	[hbm4b:s6+s1] =	stream.strided.scatter [tilespmem:s28], [sflag:$0x7], $0xE00, s0, s1, $0x38;
	[tilespmem:$0x15000] =	vst v63  }
0xac: {  	s2 =	sadd.s32 $0x1F80, s29;
	s5 =	rddreg [dreg:$0x8]  }
0xad: {  	[hbm4b:s2+s1] =	stream.strided.scatter [tilespmem:s9], [sflag:$0x7], $0xE00, s0, s1, $0x38;
	[tilespmem:$0x15000] =	vst v63  }
0xae: {  	s5 =	sadd.s32 s26, s5;
	s6 =	rddreg [dreg:$0x7]  }
0xaf: {  	[hbm4b:s5+s1] =	stream.strided.scatter [tilespmem:s10], [sflag:$0x7], $0xE00, s0, s1, $0x38;
	[tilespmem:$0x15000] =	vst v63  }
0xb0: {  	s5 =	sadd.s32 s26, s6  }
0xb1: {  	[hbm4b:s5+s1] =	stream.strided.scatter [tilespmem:s11], [sflag:$0x7], $0xE00, s0, s1, $0x38;
	[tilespmem:$0x15000] =	vst v63  }
0xb2: {  	_ =	swait.ge [sflag:s12], $0x3800  }
0xb3: {  	[sflag:s12] =	ssyncset.done $0x0  }
0xb4: {  	s6 =	sadd.s32 $0x2A00, s29;
	s2 =	rddreg [dreg:$0x5];
	[sflag:s12] =	ssyncadd.s32 $0xFFFFC800  }
0xb5: {  	[hbm4b:s6+s1] =	stream.strided.scatter [tilespmem:s30], [sflag:$0x8], $0xE00, s0, s1, $0x38;
	[tilespmem:$0x15000] =	vst v63  }
0xb6: {  	s29 =	rddreg [dreg:$0x4];
	s2 =	sadd.s32 s26, s2  }
0xb7: {  	[hbm4b:s2+s1] =	stream.strided.scatter [tilespmem:s13], [sflag:$0x8], $0xE00, s0, s1, $0x38;
	[tilespmem:$0x15000] =	vst v63  }
0xb8: {  	s5 =	rddreg [dreg:$0x3];
	s29 =	sadd.s32 s26, s29  }
0xb9: {  	[hbm4b:s29+s1] =	stream.strided.scatter [tilespmem:s14], [sflag:$0x8], $0xE00, s0, s1, $0x38;
	[tilespmem:$0x15000] =	vst v63  }
0xba: {  	s5 =	sadd.s32 s26, s5  }
0xbb: {  	[hbm4b:s5+s1] =	stream.strided.scatter [tilespmem:s15], [sflag:$0x8], $0xE00, s0, s1, $0x38;
	[tilespmem:$0x15000] =	vst v63  }
0xbc: {  	_ =	swait.ge [sflag:s16], $0xE00  }
0xbd: {  	[sflag:s16] =	ssyncset.done $0x0  }
0xbe: {  	[sflag:s16] =	ssyncadd.s32 $0xFFFFF200  }
0xbf: {  	_ =	swait.ge [sflag:s16], $0xE00  }
0xc0: {  	[sflag:s16] =	ssyncset.done $0x0  }
0xc1: {  	[sflag:s16] =	ssyncadd.s32 $0xFFFFF200  }
0xc2: {  	_ =	swait.ge [sflag:s16], $0xE00  }
0xc3: {  	[sflag:s16] =	ssyncset.done $0x0  }
0xc4: {  	[sflag:s16] =	ssyncadd.s32 $0xFFFFF200  }
0xc5: {  	_ =	swait.ge [sflag:s16], $0xE00  }
0xc6: {  	[sflag:s16] =	ssyncset.done $0x0  }
0xc7: {  	s6 =	sadd.s32 $0xFFFFFD60, s20;
	[sflag:s16] =	ssyncadd.s32 $0xFFFFF200  }
0xc8: {  	[tilespmem:s24], [sflag:$0x1] =	stream.indirect.gather [hbm4b:s3+s23], $0x40, s6, s23, $0xb8;
	[tilespmem:$0x15000] =	vst v63  }
0xc9: {  	_ =	swait.ge [sflag:s17], $0xE00  }
0xca: {  	[sflag:s17] =	ssyncset.done $0x0  }
0xcb: {  	[sflag:s17] =	ssyncadd.s32 $0xFFFFF200  }
0xcc: {  	_ =	swait.ge [sflag:s17], $0xE00  }
0xcd: {  	[sflag:s17] =	ssyncset.done $0x0  }
0xce: {  	[sflag:s17] =	ssyncadd.s32 $0xFFFFF200  }
0xcf: {  	_ =	swait.ge [sflag:s17], $0xE00  }
0xd0: {  	[sflag:s17] =	ssyncset.done $0x0  }
0xd1: {  	[sflag:s17] =	ssyncadd.s32 $0xFFFFF200  }
0xd2: {  	_ =	swait.ge [sflag:s17], $0xE00  }
0xd3: {  	[sflag:s17] =	ssyncset.done $0x0  }
0xd4: {  	s26 =	sadd.s32 $0xFFFFFE40, s20;
	[sflag:s17] =	ssyncadd.s32 $0xFFFFF200  }
0xd5: {  	[tilespmem:s25], [sflag:$0x2] =	stream.indirect.gather [hbm4b:s3+s23], $0x40, s26, s23, $0xb8;
	[tilespmem:$0x15000] =	vst v63  }
0xd6: {  	_ =	swait.ge [sflag:s18], $0xE00  }
0xd7: {  	[sflag:s18] =	ssyncset.done $0x0  }
0xd8: {  	[sflag:s18] =	ssyncadd.s32 $0xFFFFF200  }
0xd9: {  	_ =	swait.ge [sflag:s18], $0xE00  }
0xda: {  	[sflag:s18] =	ssyncset.done $0x0  }
0xdb: {  	[sflag:s18] =	ssyncadd.s32 $0xFFFFF200  }
0xdc: {  	_ =	swait.ge [sflag:s18], $0xE00  }
0xdd: {  	[sflag:s18] =	ssyncset.done $0x0  }
0xde: {  	[sflag:s18] =	ssyncadd.s32 $0xFFFFF200  }
0xdf: {  	_ =	swait.ge [sflag:s18], $0xE00  }
0xe0: {  	[sflag:s18] =	ssyncset.done $0x0  }
0xe1: {  	s29 =	sadd.s32 $0xFFFFFF20, s20;
	[sflag:s18] =	ssyncadd.s32 $0xFFFFF200  }
0xe2: {  	[tilespmem:s28], [sflag:$0x3] =	stream.indirect.gather [hbm4b:s3+s23], $0x40, s29, s23, $0xb8;
	[tilespmem:$0x15000] =	vst v63  }
0xe3: {  	_ =	swait.ge [sflag:s19], $0xE00  }
0xe4: {  	[sflag:s19] =	ssyncset.done $0x0  }
0xe5: {  	[sflag:s19] =	ssyncadd.s32 $0xFFFFF200  }
0xe6: {  	_ =	swait.ge [sflag:s19], $0xE00  }
0xe7: {  	[sflag:s19] =	ssyncset.done $0x0  }
0xe8: {  	[sflag:s19] =	ssyncadd.s32 $0xFFFFF200  }
0xe9: {  	p0 =	sne.s32 s22, $0x69000;
	_ =	swait.ge [sflag:s19], $0xE00  }
.Ltmp0:
0xea: {  	[sflag:s19] =	ssyncset.done $0x0;
	(pc) =	sbr.rel @p0 .LBB2_2-.Ltmp0, $4  }
0xeb: {  	[sflag:s19] =	ssyncadd.s32 $0xFFFFF200  }
0xec: {  	_ =	swait.ge [sflag:s19], $0xE00  }
0xed: {  	s21 =	smov.u32 s20;
	[sflag:s19] =	ssyncset.done $0x0  }
0xee: {  	s22 =	sadd.s32 $0x3800, s22;
	s20 =	sadd.s32 $0x380, s20;
	[sflag:s19] =	ssyncadd.s32 $0xFFFFF200  }
0xef: {  	[tilespmem:s30], [sflag:$0x4] =	stream.indirect.gather [hbm4b:s3+s23], $0x40, s21, s23, $0xb8;
	[tilespmem:$0x15000] =	vst v63  }
0xf0: {  	_ =	swait.ge [sflag:s31], $0x3800  }
0xf1: {  	[sflag:s31] =	ssyncset.done $0x0  }
0xf2: {  	s2 =	rddreg [dreg:$0xe];
	[sflag:s31] =	ssyncadd.s32 $0xFFFFC800  }
0xf3: {  	[hbm4b:s2+s1] =	stream.strided.scatter [tilespmem:s24], [sflag:$0x5], $0xE00, s0, s1, $0x38;
	[tilespmem:$0x15000] =	vst v63  }
0xf4: {  	s5 =	simm.s32 $0x7E00;
	s29 =	rddreg [dreg:$0xf]  }
0xf5: {  	[hbm4b:s29+s1] =	stream.strided.scatter [tilespmem:s5], [sflag:$0x5], $0xE00, s0, s1, $0x38;
	[tilespmem:$0x15000] =	vst v63  }
0xf6: {  	s6 =	simm.s32 $0x8C00;
	s5 =	rddreg [dreg:$0x10]  }
0xf7: {  	[hbm4b:s5+s1] =	stream.strided.scatter [tilespmem:s6], [sflag:$0x5], $0xE00, s0, s1, $0x38;
	[tilespmem:$0x15000] =	vst v63  }
0xf8: {  	s21 =	simm.s32 $0x9A00;
	s20 =	rddreg [dreg:$0x11]  }
0xf9: {  	[hbm4b:s20+s1] =	stream.strided.scatter [tilespmem:s21], [sflag:$0x5], $0xE00, s0, s1, $0x38;
	[tilespmem:$0x15000] =	vst v63  }
0xfa: {  	_ =	swait.ge [sflag:s4], $0x3800  }
0xfb: {  	[sflag:s4] =	ssyncset.done $0x0  }
0xfc: {  	s22 =	rddreg [dreg:$0x12];
	[sflag:s4] =	ssyncadd.s32 $0xFFFFC800  }
0xfd: {  	[hbm4b:s22+s1] =	stream.strided.scatter [tilespmem:s25], [sflag:$0x6], $0xE00, s0, s1, $0x38;
	[tilespmem:$0x15000] =	vst v63  }
0xfe: {  	s29 =	simm.s32 $0xB600;
	s26 =	rddreg [dreg:$0x13]  }
0xff: {  	[hbm4b:s26+s1] =	stream.strided.scatter [tilespmem:s29], [sflag:$0x6], $0xE00, s0, s1, $0x38;
	[tilespmem:$0x15000] =	vst v63  }
0x100: {  	s6 =	simm.s32 $0xC400;
	s5 =	rddreg [dreg:$0x14]  }
0x101: {  	[hbm4b:s5+s1] =	stream.strided.scatter [tilespmem:s6], [sflag:$0x6], $0xE00, s0, s1, $0x38;
	[tilespmem:$0x15000] =	vst v63  }
0x102: {  	s21 =	simm.s32 $0xD200;
	s20 =	rddreg [dreg:$0x15]  }
0x103: {  	[hbm4b:s20+s1] =	stream.strided.scatter [tilespmem:s21], [sflag:$0x6], $0xE00, s0, s1, $0x38;
	[tilespmem:$0x15000] =	vst v63  }
0x104: {  	_ =	swait.ge [sflag:s8], $0x3800  }
0x105: {  	[sflag:s8] =	ssyncset.done $0x0  }
0x106: {  	s22 =	rddreg [dreg:$0x16];
	[sflag:s8] =	ssyncadd.s32 $0xFFFFC800  }
0x107: {  	[hbm4b:s22+s1] =	stream.strided.scatter [tilespmem:s28], [sflag:$0x7], $0xE00, s0, s1, $0x38;
	[tilespmem:$0x15000] =	vst v63  }
0x108: {  	s26 =	rddreg [dreg:$0x17]  }
0x109: {  	[hbm4b:s26+s1] =	stream.strided.scatter [tilespmem:s9], [sflag:$0x7], $0xE00, s0, s1, $0x38;
	[tilespmem:$0x15000] =	vst v63  }
0x10a: {  	s29 =	rddreg [dreg:$0x18]  }
0x10b: {  	[hbm4b:s29+s1] =	stream.strided.scatter [tilespmem:s10], [sflag:$0x7], $0xE00, s0, s1, $0x38;
	[tilespmem:$0x15000] =	vst v63  }
0x10c: {  	s5 =	rddreg [dreg:$0x19]  }
0x10d: {  	[hbm4b:s5+s1] =	stream.strided.scatter [tilespmem:s11], [sflag:$0x7], $0xE00, s0, s1, $0x38;
	[tilespmem:$0x15000] =	vst v63  }
0x10e: {  	_ =	swait.ge [sflag:s12], $0x3800  }
0x10f: {  	[sflag:s12] =	ssyncset.done $0x0  }
0x110: {  	s6 =	rddreg [dreg:$0x1a];
	[sflag:s12] =	ssyncadd.s32 $0xFFFFC800  }
0x111: {  	[hbm4b:s6+s1] =	stream.strided.scatter [tilespmem:s30], [sflag:$0x8], $0xE00, s0, s1, $0x38;
	[tilespmem:$0x15000] =	vst v63  }
0x112: {  	s20 =	rddreg [dreg:$0x1b]  }
0x113: {  	[hbm4b:s20+s1] =	stream.strided.scatter [tilespmem:s13], [sflag:$0x8], $0xE00, s0, s1, $0x38;
	[tilespmem:$0x15000] =	vst v63  }
0x114: {  	s21 =	rddreg [dreg:$0x1c]  }
0x115: {  	[hbm4b:s21+s1] =	stream.strided.scatter [tilespmem:s14], [sflag:$0x8], $0xE00, s0, s1, $0x38;
	[tilespmem:$0x15000] =	vst v63  }
0x116: {  	s22 =	rddreg [dreg:$0x1d]  }
0x117: {  	[hbm4b:s22+s1] =	stream.strided.scatter [tilespmem:s15], [sflag:$0x8], $0xE00, s0, s1, $0x38;
	[tilespmem:$0x15000] =	vst v63  }
0x118: {  	_ =	swait.ge [sflag:s16], $0xE00  }
0x119: {  	[sflag:s16] =	ssyncset.done $0x0  }
0x11a: {  	[sflag:s16] =	ssyncadd.s32 $0xFFFFF200  }
0x11b: {  	_ =	swait.ge [sflag:s16], $0xE00  }
0x11c: {  	[sflag:s16] =	ssyncset.done $0x0  }
0x11d: {  	[sflag:s16] =	ssyncadd.s32 $0xFFFFF200  }
0x11e: {  	_ =	swait.ge [sflag:s16], $0xE00  }
0x11f: {  	[sflag:s16] =	ssyncset.done $0x0  }
0x120: {  	[sflag:s16] =	ssyncadd.s32 $0xFFFFF200  }
0x121: {  	_ =	swait.ge [sflag:s16], $0xE00  }
0x122: {  	[sflag:s16] =	ssyncset.done $0x0  }
0x123: {  	[sflag:s16] =	ssyncadd.s32 $0xFFFFF200  }
0x124: {  	_ =	swait.ge [sflag:s17], $0xE00  }
0x125: {  	[sflag:s17] =	ssyncset.done $0x0  }
0x126: {  	[sflag:s17] =	ssyncadd.s32 $0xFFFFF200  }
0x127: {  	_ =	swait.ge [sflag:s17], $0xE00  }
0x128: {  	[sflag:s17] =	ssyncset.done $0x0  }
0x129: {  	[sflag:s17] =	ssyncadd.s32 $0xFFFFF200  }
0x12a: {  	_ =	swait.ge [sflag:s17], $0xE00  }
0x12b: {  	[sflag:s17] =	ssyncset.done $0x0  }
0x12c: {  	[sflag:s17] =	ssyncadd.s32 $0xFFFFF200  }
0x12d: {  	_ =	swait.ge [sflag:s17], $0xE00  }
0x12e: {  	[sflag:s17] =	ssyncset.done $0x0  }
0x12f: {  	[sflag:s17] =	ssyncadd.s32 $0xFFFFF200  }
0x130: {  	_ =	swait.ge [sflag:s18], $0xE00  }
0x131: {  	[sflag:s18] =	ssyncset.done $0x0  }
0x132: {  	[sflag:s18] =	ssyncadd.s32 $0xFFFFF200  }
0x133: {  	_ =	swait.ge [sflag:s18], $0xE00  }
0x134: {  	[sflag:s18] =	ssyncset.done $0x0  }
0x135: {  	[sflag:s18] =	ssyncadd.s32 $0xFFFFF200  }
0x136: {  	_ =	swait.ge [sflag:s18], $0xE00  }
0x137: {  	[sflag:s18] =	ssyncset.done $0x0  }
0x138: {  	[sflag:s18] =	ssyncadd.s32 $0xFFFFF200  }
0x139: {  	_ =	swait.ge [sflag:s18], $0xE00  }
0x13a: {  	[sflag:s18] =	ssyncset.done $0x0  }
0x13b: {  	[sflag:s18] =	ssyncadd.s32 $0xFFFFF200  }
0x13c: {  	_ =	swait.ge [sflag:s19], $0xE00  }
0x13d: {  	[sflag:s19] =	ssyncset.done $0x0  }
0x13e: {  	[sflag:s19] =	ssyncadd.s32 $0xFFFFF200  }
0x13f: {  	_ =	swait.ge [sflag:s19], $0xE00  }
0x140: {  	[sflag:s19] =	ssyncset.done $0x0  }
0x141: {  	[sflag:s19] =	ssyncadd.s32 $0xFFFFF200  }
0x142: {  	_ =	swait.ge [sflag:s19], $0xE00  }
0x143: {  	[sflag:s19] =	ssyncset.done $0x0  }
0x144: {  	[sflag:s19] =	ssyncadd.s32 $0xFFFFF200  }
0x145: {  	_ =	swait.ge [sflag:s19], $0xE00  }
0x146: {  	s26 =	rddreg [dreg:$0x1f]  }
0x147: {  	s29 =	rddreg [dreg:$0x1e];
	s5 =	sadd.s32 $0x1, s26  }
0x148: {  	p0 =	sne.s32 s5, s29  }
.Ltmp1:
0x149: {  	_ = 	snop;
	(pc) =	sbr.rel @p0 .LBB2_1-.Ltmp1, $3  }
0x14a: {  	_ =	sdelay $0x1  }
0x14b: {  	[sflag:s19] =	ssyncset.done $0x0  }
0x14c: {  	[sflag:s19] =	ssyncadd.s32 $0xFFFFF200  }
0x14d: {  	_ =	sfence.sel $0x180000  }
0x14e: {  	[bflag:$0x0] =	sbarrier.arrive $0xFFFF  }
0x14f: {  	_ =	strace $0x90000047  }
0x150: {  	s0 =	stileid.u32;
	[bflag:$0x2] =	sbarrier.arrive $0xFFFF  }
0x151: {  	p0 =	sne.s32 s0, $0x0;
	s0 =	rddreg [dreg:$0x2]  }
0x152: {  	s0 =	sadd.s32 @!p0 $0x100000, s0  }
0x153: {  	[sflag:s0] =	ssyncadd.tile.s32 @!p0 $0x1;
	_ =	shalt  }
.Lfunc_end2:
_tile_overlayer_lowered:
.L_overlay_start_2:
0x154: {  	(tag) =	ssettag $0x2  }
0x155: {  	s0 =	rddreg [dreg:$0x0];
	s2 =	stileid.u32  }
0x156: {  	s1 =	rddreg [dreg:$0x1];
	p0 =	sne.s32 s2, $0x0  }
0x157: {  	s3 =	rddreg [dreg:$0x2];
	[bflag:$0x3] =	sbarrier.arrive $0xFFFF;
	s2 =	simm.s32 @!p0 $0x1C09  }
0x158: {  	[timem:s3], [sflag:s2] =	dma.local @!p0 [hbm:s0], s1  }
0x159: {  	s0 =	simm.s32 @!p0 $0x9  }
0x15a: {  	_ =	swait.ge @!p0 [sflag:s0], s1  }
0x15b: {  	s1 =	ssub.s32 @!p0 $0x0, s1;
	[sflag:s0] =	ssyncset.done @!p0 $0x0  }
0x15c: {  	[sflag:s0] =	ssyncadd.s32 @!p0 s1  }
0x15d: {  	[bflag:$0x3] =	sbarrier.arrive $0xFFFF  }
0x15e: {  	_ =	shalt  }

// kernel: sparse-core-data-format-call.cloned.1.call-start
scs
called_computation_lowered:
.L_overlay_start_0:
0x0: {  	s2 =	sld [smem:$0x3FD9]  }
0x1: {  	s3 =	sld [smem:$0x3FFE];
	_ =	sdelay $0x1  }
0x2: {  	s1 =	srdreg.scid  }
0x3: {  	s0 =	sand.u32 $0x1, s1  }
0x4: {  	s18 =	sshll.u32 s0, $0xA;
	s2 =	sadd.s32 s3, s2  }
0x5: {  	s2 =	sadd.s32 s2, s18  }
0x6: {  	[smem:$0x3FC6] =	sst s2  }
0x7: {  	_ = 	snop  }
0x8: {  	s2 =	sld [smem:$0x3FD0];
	(tm) =	ssettm $0x1  }
0x9: {  	s19 =	sld [smem:$0x3FFB];
	_ =	sdelay $0x3  }
0xa: {  	_ =	strace s19  }
0xb: {  	s3 =	sld [smem:$0x3FFC];
	_ =	sdelay $0x3  }
0xc: {  	_ =	strace s3  }
0xd: {  	s3 =	sld [smem:$0x3FFD];
	_ =	sdelay $0x3  }
0xe: {  	_ =	strace s3  }
0xf: {  	_ =	strace $0x8FFFFFFF  }
0x10: {  	s20 =	sld [smem:$0x3FDB];
	_ =	sdelay $0x1  }
0x11: {  	s4 =	simm.s32 $_scs_section_size  }
0x12: {  	s5 =	simm.s32 $_size__tile_overlayer_lowered;
	s6 =	simm.s32 $_tile_overlayer_lowered  }
0x13: {  	s23 =	simm.s32 $0x1BFF;
	s22 =	sshll.u32 s6, $0x1;
	s3 =	sadd.s32 s4, s20  }
0x14: {  	s7 =	simm.s32 $0x0;
	s21 =	sshll.u32 s5, $0x1;
	s5 =	sadd.s32 s22, s3  }
0x15: {  	[timem:s7], [sflag:s23] =	dma.local [hbm:s5], s21  }
0x16: {  	_ =	swait.ge [sflag:s23], s21  }
0x17: {  	s4 =	ssub.s32 $0x0, s21;
	[sflag:s23] =	ssyncset.done $0x0  }
0x18: {  	[sflag:s23] =	ssyncadd.s32 s4;
	_ =	sdelay $0x1  }
0x19: {  	s24 =	simm.s32 $0x1B8B  }
0x1a: {  	_ =	swait.ge [sflag:s24], $0x1  }
0x1b: {  	[sflag:s24] =	ssyncset.done $0x0  }
0x1c: {  	s26 =	simm.s32 $0x1B8E;
	s25 =	sld [smem:$0x3FFE];
	[sflag:s24] =	ssyncadd.s32 $0xFFFFFFFF  }
0x1d: {  	s27 =	simm.s32 $execute0_lowered;
	[smem:$0x3FD2] =	sst s26  }
0x1e: {  	s5 =	sshll.u32 s27, $0x1;
	_ =	strace $0x80000049;
	[dreg:$0x1] =	wrdreg $0xFFFFFFFF  }
0x1f: {  	s28 =	simm.s32 $_size_execute0_lowered;
	s3 =	sadd.s32 s3, s5;
	[dreg:$0x0] =	wrdreg $0x0  }
0x20: {  	s5 =	sshll.u32 s28, $0x1;
	[dreg:$0x2] =	wrdreg s3  }
0x21: {  	[dreg:$0x3] =	wrdreg s5  }
0x22: {  	[dreg:$0x4] =	wrdreg $0xC0  }
0x23: {  	_ =	task [dreg:s7], $0x5FFFF  }
0x24: {  	[dreg:$0x1] =	wrdreg $0xFFFFFFFF  }
0x25: {  	[dreg:$0x0] =	wrdreg $0x60  }
0x26: {  	[dreg:$0x2] =	wrdreg s25  }
0x27: {  	[dreg:$0x3] =	wrdreg s2  }
0x28: {  	[dreg:$0x4] =	wrdreg $0x9  }
0x29: {  	_ =	task.clear_ibuf [dreg:s7], $0x5FFFF;
	_ =	strace $0x90000049  }
0x2a: {  	s29 =	simm.s32 $0x9;
	_ =	strace $0x8000004B  }
0x2b: {  	_ =	swait.ge [sflag:s29], $0x1  }
0x2c: {  	[sflag:s29] =	ssyncadd.s32 $0xFFFFFFFF  }
0x2d: {  	_ =	strace $0x9000004B  }
0x2e: {  	_ =	sfence  }
0x2f: {  	s30 =	sld [smem:$0x0];
	_ =	sdelay $0x2  }
0x30: {  	s31 =	sshll.u32 s1, $0xD;
	s1 =	sshrl.u32 s1, $0x2  }
0x31: {  	s3 =	sand.u32 $0x4000, s31;
	s1 =	sadd.s32 s1, s30  }
0x32: {  	s0 =	sor.u32 s3, s0;
	s1 =	sshll.u32 s1, $0x11  }
0x33: {  	s0 =	sor.u32 s1, s0  }
0x34: {  	s0 =	sadd.s32 $0x8F2B, s0  }
0x35: {  	[sflag:s0] =	ssyncadd.remote.s32 $0x1  }
0x36: {  	_ =	sfence.sel $0xFFFF  }
0x37: {  	[dreg:$0x0] =	wrdreg $0xFFFFFFFF;
	(pc) =	sbr.abs _section_cstart, $3  }
0x38: {  	[dreg:$0x1] =	wrdreg $0xFFFFFFFF  }
0x39: {  	_ =	task.clear_ibuf [dreg:s7], $0x2FFFF;
	_ =	strace $0x9FFFFFFF  }
0x3a: {  	(tm) =	ssettm $0x7FFFFFFF  }
0x3b: {  	_ =	shalt  }
tec
execute0_lowered:
.L_overlay_start_1:
0x0: {  	(tag) =	ssettag $0x1  }
0x1: {  	s0 =	srdreg.scid  }
0x2: {  	s1 =	sshll.u32 s0, $0x4  }
0x3: {  	s0 =	stileid.u32;
	s1 =	sand.u32 $0x10, s1  }
0x4: {  	s1 =	sor.u32 s0, s1  }
0x5: {  	s6 =	rddreg [dreg:$0x0];
	s4 =	simm.s32 $0x1;
	s2 =	sshll.u32 s1, $0x7  }
0x6: {  	s7 =	simm.s32 $0x2;
	s12 =	simm.s32 $0x0;
	s1 =	ssub.s32 $0x4000, s2  }
0x7: {  	s8 =	simm.s32 $0x20000;
	s13 =	simm.s32 $0x0;
	s3 =	sand.u32 $0xF80, s1  }
0x8: {  	s9 =	simm.s32 $0x0;
	s5 =	sshrl.u32 s1, $0xC;
	p0 =	sne.s32 s3, $0x0  }
.Ltmp0:
0x9: {  	s1 =	rddreg [dreg:$0x2];
	s4 =	simm.s32 @!p0 $0x0;
	(pc) =	sbr.rel .LBB1_1-.Ltmp0, $4  }
0xa: {  	s11 =	simm.s32 $0x0;
	s3 =	rddreg [dreg:$0x1];
	s5 =	sadd.s32 s4, s5  }
0xb: {  	_ =	strace $0x8000004A;
	s4 =	simm.s32 $0x1;
	s5 =	smul.u32 $0x32, s5  }
0xc: {  	s6 =	sadd.s32 $0xC00, s6;
	s10 =	smov.u32 s2;
	[sflag:s4] =	ssyncpa.u1 $0x0  }
0xd: {  	p0 =	por $0x0, $0x0;
	[sflag:s7] =	ssyncpa.u1 $0x0;
	s7 =	sor.u32 $0x1, s5  }
.LBB1_4:
0xe: {  	s16 =	sshll.u32 s13, $0x3;
	s17 =	sand.u32 $0x78, s13  }
0xf: {  	s30 =	sand.u32 $0x1F800, s13;
	s12 =	sshll.u32 s12, $0x11;
	s16 =	sand.u32 $0x3C00, s16  }
0x10: {  	[tilespmem:s15+$0x810 ss:$0x81] =	vst.msk $0xffff, v2;
	s31 =	sand.u32 $0x7, s13;
	s16 =	sor.u32 s17, s16;
	s17 =	sadd.s32 s3, s30  }
0x11: {  	[tilespmem:s15+$0x1020 ss:$0x81] =	vst.msk $0xffff, v0;
	s13 =	sshll.u32 s31, $0x12;
	s12 =	sadd.s32 s12, s17;
	s16 =	sshrl.u32 s16, $0x3  }
0x12: {  	[tilespmem:s15+$0x0 ss:$0x81] =	vst.msk $0xffff, v1;
	s13 =	sor.u32 $0x400, s13;
	s12 =	sadd.s32 s16, s12  }
0x13: {  	[hbm4b:s12+s13] =	stream.strided.scatter [tilespmem:s14], [sflag:$0x2], $0x2000, s8, s13, $0x20;
	[tilespmem:$0x8080] =	vst v63  }
.LBB1_5:
0x14: {  	s14 =	sadd.s32 $0x1, s9  }
0x15: {  	s12 =	sadd.s32 $0x1000, s10;
	s16 =	smov.u32 s10;
	p2 =	sgt.s32 s14, $0x31  }
0x16: {  	s16 =	smov.u32 @p2 s12  }
0x17: {  	s14 =	simm.s32 @p2 $0x0;
	p2 =	sgt.s32 s16, $0x3FFF  }
0x18: {  	s16 =	smov.u32 @p2 s2;
	p2 =	sne.s32 s11, s7  }
.Ltmp1:
0x19: {  	p1 =	slt.u32 s11, $0x2;
	(pc) =	sbr.rel @!p2 .LBB1_6-.Ltmp1, $4  }
0x1a: {  	s15 =	simm.s32 @!p1 $0x2  }
0x1b: {  	s13 =	smov.u32 s10;
	p0 =	por !p0, !p0;
	_ =	swait.ge @!p1 [sflag:s15], $0x2000  }
0x1c: {  	s12 =	smov.u32 s9;
	[sflag:s15] =	ssyncset.done @!p1 $0x0;
	s9 =	smov.u32 s14  }
0x1d: {  	s11 =	sadd.s32 $0x1, s11;
	[sflag:s15] =	ssyncadd.s32 @!p1 $0xFFFFE000;
	s10 =	smov.u32 s16  }
.LBB1_1:
0x1e: {  	p1 =	sge.u32 s11, s5  }
0x1f: {  	s14 =	sand.u32 @!p1 $0x1FFFFFF, s9  }
0x20: {  	s15 =	smulhi.u32 @!p1 $0x4924925, s14;
	_ =	sdelay $0x1  }
0x21: {  	s15 =	smul.u32 @!p1 $0x38, s15  }
0x22: {  	s16 =	sxor.u32 @!p1 $0xFFFFFFFF, s11;
	s17 =	smul.u32 @!p1 $0x380, s10  }
0x23: {  	s31 =	sadd.s32 $0xFFFFFFFF, s11;
	s16 =	sshll.u32 @!p1 s16, $0xD;
	s14 =	ssub.s32 @!p1 s14, s15  }
0x24: {  	s15 =	sand.u32 @!p1 $0x2000, s16;
	s16 =	sadd.s32 @!p1 s6, s17;
	s14 =	sshll.u32 @!p1 s14, $0x4  }
0x25: {  	s17 =	simm.s32 @!p1 $0x1C00;
	s14 =	sadd.s32 @!p1 s14, s16;
	s16 =	simm.s32 @!p1 $0x40  }
0x26: {  	[tilespmem:s15], [sflag:$0x1] =	stream.strided.gather @!p1 [hbm4b:s14+s16], $0x2000, s17, s16, $0x38;
	[tilespmem:$0x8080] =	vst v63  }
0x27: {  	p1 =	sge.u32 s31, s5  }
.Ltmp2:
0x28: {  	_ = 	snop;
	(pc) =	sbr.rel @p1 .LBB1_5-.Ltmp2, $1  }
0x29: {  	_ =	sdelay $0x3  }
0x2a: {  	s14 =	simm.s32 $0x1  }
0x2b: {  	_ =	swait.ge [sflag:s4], $0x2000;
	s14 =	simm.s32 @!p0 $0x0  }
0x2c: {  	[sflag:s4] =	ssyncset.done $0x0;
	s15 =	sshll.u32 s14, $0xD  }
0x2d: {  	[sflag:s4] =	ssyncadd.s32 $0xFFFFE000;
	s18 =	sor.u32 $0x20, s15  }
0x2e: {  	s14 =	smul.u32 $0x8100, s14;
	v3 =	vld [tilespmem:s18+$0x10]  }
0x2f: {  	s30 =	sand.u32 $0x1, s11;
	v2 =	vld [tilespmem:s18+$0xFFFFFFF0]  }
0x30: {  	s15 =	smul.u32 $0x8100, s30;
	s14 =	sshrl.u32 s14, $0x2;
	v0 =	vld [tilespmem:s18+$0x0]  }
0x31: {  	v1 =	vld [tilespmem:s18+$0xFFFFFFE0];
	s16 =	sor.u32 $0x4000, s14  }
0x32: {  	s31 =	sshrl.u32 s15, $0x2;
	s15 =	sadd.s32 $0x0, s16  }
0x33: {  	s17 =	simm.s32 $0x4;
	s18 =	sadd.s32 $0x40, s18;
	s14 =	sor.u32 $0x4000, s31;
	[tilespmem:s15+$0x1830 ss:$0x81] =	vst.msk $0xffff, v3  }
.LBB1_3:
0x34: {  	v3 =	vld [tilespmem:s18+$0x10];
	p1 =	sne.s32 s17, $0x1FC;
	[tilespmem:s15+$0x810 ss:$0x81] =	vst.msk $0xffff, v2;
	s19 =	smov.u32 s17;
	s17 =	sadd.s32 $0x4, s17  }
.Ltmp3:
0x35: {  	v2 =	vld [tilespmem:s18+$0xFFFFFFF0];
	[tilespmem:s15+$0x1020 ss:$0x81] =	vst.msk $0xffff, v0;
	(pc) =	sbr.rel @p1 .LBB1_3-.Ltmp3, $4  }
0x36: {  	v0 =	vld [tilespmem:s18+$0x0];
	[tilespmem:s15+$0x0 ss:$0x81] =	vst.msk $0xffff, v1  }
0x37: {  	s15 =	sshra.s32 s19, $0x2;
	v1 =	vld [tilespmem:s18+$0xFFFFFFE0]  }
0x38: {  	s15 =	sadd.s32 s15, s16  }
0x39: {  	s18 =	sadd.s32 $0x40, s18;
	[tilespmem:s15+$0x1830 ss:$0x81] =	vst.msk $0xffff, v3  }
.Ltmp4:
0x3a: {  	_ = 	snop;
	(pc) =	sbr.rel .LBB1_4-.Ltmp4, $1  }
0x3b: {  	_ =	sdelay $0x3  }
.LBB1_6:
0x3c: {  	_ =	sfence.sel $0x180000  }
0x3d: {  	s2 =	simm.s32 $0x1;
	[bflag:$0x0] =	sbarrier.arrive $0xFFFF  }
0x3e: {  	s31 =	simm.s32 $0x2;
	[sflag:s2] =	ssyncpa.u1 $0x1  }
0x3f: {  	[sflag:s31] =	ssyncpa.u1 $0x1  }
0x40: {  	p0 =	sne.s32 s0, $0x0;
	_ =	strace $0x9000004A  }
0x41: {  	s0 =	sadd.s32 @!p0 $0x100000, s1;
	[bflag:$0x2] =	sbarrier.arrive $0xFFFF  }
0x42: {  	[sflag:s0] =	ssyncadd.tile.s32 @!p0 $0x1;
	_ =	shalt  }
.Lfunc_end1:
_tile_overlayer_lowered:
.L_overlay_start_2:
0x43: {  	(tag) =	ssettag $0x2  }
0x44: {  	s0 =	rddreg [dreg:$0x0];
	s2 =	stileid.u32  }
0x45: {  	s1 =	rddreg [dreg:$0x1];
	p0 =	sne.s32 s2, $0x0  }
0x46: {  	s3 =	rddreg [dreg:$0x2];
	[bflag:$0x3] =	sbarrier.arrive $0xFFFF;
	s2 =	simm.s32 @!p0 $0x1C01  }
0x47: {  	[timem:s3], [sflag:s2] =	dma.local @!p0 [hbm:s0], s1  }
0x48: {  	s0 =	simm.s32 @!p0 $0x1  }
0x49: {  	_ =	swait.ge @!p0 [sflag:s0], s1  }
0x4a: {  	s1 =	ssub.s32 @!p0 $0x0, s1;
	[sflag:s0] =	ssyncset.done @!p0 $0x0  }
0x4b: {  	[sflag:s0] =	ssyncadd.s32 @!p0 s1  }
0x4c: {  	[bflag:$0x3] =	sbarrier.arrive $0xFFFF  }
0x4d: {  	_ =	shalt  }

</sc_bundles>
